<compile_context>
chip_gen: v7x
topology: tpu7x:2x2x1
jax: 0.10.2.dev20260603
libtpu: 0.0.44.dev20260713+nightly
codegen_flags: <defaults>
</compile_context>

<pallas_src>
import functools

import jax
import jax.numpy as jnp
from jax import lax
from jax.experimental import pallas as pl
from jax.experimental.pallas import tpu as pltpu
from jax.experimental.pallas import tpu_sc as plsc

N = 10000
F = 128
NC = 2
NS = 16
NW = NC * NS
K = 64
NBLK = 80
EPW = NBLK * K
E_PAD = NW * EPW
RPT = N // NS
RCH = 125

_MESH = plsc.VectorSubcoreMesh(core_axis_name="c", subcore_axis_name="s")


def _zero16():
    return jnp.zeros((16,), jnp.float32)


def _full16(v):
    return jnp.full((16,), v, jnp.int32)


@functools.partial(
    pl.kernel,
    out_type=jax.ShapeDtypeStruct((NC, NS, RPT, 16), jnp.float32),
    mesh=_MESH,
    scratch_types=[
        pltpu.VMEM((NBLK, K), jnp.int32),
        pltpu.VMEM((EPW,), jnp.float32),
        pltpu.VMEM((K, 16), jnp.float32),
        pltpu.VMEM_SHARED((N, 16), jnp.float32),
    ],
    compiler_params=pltpu.CompilerParams(
        needs_layout_passes=False, use_tc_tiling_on_sc=False),
)
def _deg_kernel(src_hbm, w_hbm, out_hbm, src_v, w_v, rows, deg_sh):
    c = lax.axis_index("c")
    s = lax.axis_index("s")
    wid = c * NS + s
    pltpu.sync_copy(src_hbm.at[wid], src_v)
    pltpu.sync_copy(w_hbm.at[wid], w_v)

    def zrow(r, carry):
        rows[r, pl.ds(0, 16)] = _zero16()
        return carry
    lax.fori_loop(0, K, zrow, 0)
    base = s * RPT
    for k in range(RPT // K):
        pltpu.sync_copy(rows, deg_sh.at[pl.ds(base + k * K, K)])
    rem = RPT % K
    if rem:
        pltpu.sync_copy(rows.at[pl.ds(0, rem)],
                        deg_sh.at[pl.ds(base + (RPT // K) * K, rem)])
    plsc.subcore_barrier()

    def blk(j, carry):
        def edge(e, c2):
            rows[e, pl.ds(0, 16)] = plsc.load_gather(
                w_v, [_full16(j * K + e)])
            return c2
        lax.fori_loop(0, K, edge, 0)
        pltpu.sync_copy(rows, deg_sh.at[src_v.at[j]], add=True)
        return carry
    lax.fori_loop(0, NBLK, blk, 0)
    plsc.subcore_barrier()
    pltpu.sync_copy(deg_sh.at[pl.ds(base, RPT)], out_hbm.at[c, s])


def _dinv_body(degp_ref, out_ref):
    deg = degp_ref[0, :, 0:1] + degp_ref[1, :, 0:1]
    safe = jnp.where(deg > 0, deg, 1.0)
    out_ref[...] = jnp.where(deg > 0, lax.rsqrt(safe), 0.0)


def _dinv_call(degp):
    return pl.pallas_call(
        _dinv_body,
        out_shape=jax.ShapeDtypeStruct((N, 1), jnp.float32),
    )(degp)


@functools.partial(
    pl.kernel,
    out_type=jax.ShapeDtypeStruct((NW, EPW), jnp.float32),
    mesh=_MESH,
    scratch_types=[
        pltpu.VMEM((NBLK, K), jnp.int32),
        pltpu.VMEM((NBLK, K), jnp.int32),
        pltpu.VMEM((NBLK, K), jnp.float32),
        pltpu.VMEM((EPW,), jnp.float32),
        pltpu.VMEM((N,), jnp.float32),
    ],
    compiler_params=pltpu.CompilerParams(needs_layout_passes=False),
)
def _lapw_kernel(src_hbm, dst_hbm, w_hbm, dinv_hbm, out_hbm,
                 src_v, dst_v, w_v, lw_v, dinv_v):
    c = lax.axis_index("c")
    s = lax.axis_index("s")
    wid = c * NS + s
    pltpu.sync_copy(src_hbm.at[wid], src_v)
    pltpu.sync_copy(dst_hbm.at[wid], dst_v)
    pltpu.sync_copy(w_hbm.at[wid], w_v)
    pltpu.sync_copy(dinv_hbm, dinv_v)

    def blk(j, carry):
        for k in range(K // 16):
            sl = pl.ds(k * 16, 16)
            s16 = src_v[j, sl]
            d16 = dst_v[j, sl]
            w16 = w_v[j, sl]
            a = plsc.load_gather(dinv_v, [s16])
            b = plsc.load_gather(dinv_v, [d16])
            lw_v[pl.ds(j * K + k * 16, 16)] = -(a * w16 * b)
        return carry
    lax.fori_loop(0, NBLK, blk, 0)
    pltpu.sync_copy(lw_v, out_hbm.at[wid])


FP = F // 2


@functools.partial(
    pl.kernel,
    out_type=jax.ShapeDtypeStruct((NC, NS, RPT, F), jnp.float32),
    mesh=_MESH,
    scratch_types=[
        pltpu.VMEM((NBLK, K), jnp.int32),
        pltpu.VMEM((NBLK, K), jnp.int32),
        pltpu.VMEM((EPW,), jnp.float32),
        pltpu.VMEM((K, FP), jnp.float32),
        pltpu.VMEM((K, FP), jnp.float32),
        pltpu.VMEM((K, F), jnp.float32),
        pltpu.VMEM((K, F), jnp.float32),
        pltpu.VMEM_SHARED((N, F), jnp.float32),
        pltpu.SemaphoreType.DMA,
        pltpu.SemaphoreType.DMA,
    ],
    compiler_params=pltpu.CompilerParams(
        needs_layout_passes=False, use_tc_tiling_on_sc=False),
)
def _spmm_kernel(h_hbm, src_hbm, dst_hbm, lw_hbm, out_hbm,
                 src_v, dst_v, lw_v, g0, g1, w0, w1, p_sh,
                 sem_g, sem_s):
    gbuf = [g0, g1]
    wbuf = [w0, w1]
    c = lax.axis_index("c")
    s = lax.axis_index("s")
    wid = c * NS + s
    pltpu.sync_copy(src_hbm.at[wid], src_v)
    pltpu.sync_copy(dst_hbm.at[wid], dst_v)
    pltpu.sync_copy(lw_hbm.at[wid], lw_v)

    def zrow(r, carry):
        for k in range(F // 16):
            w0[r, pl.ds(k * 16, 16)] = _zero16()
        return carry
    lax.fori_loop(0, K, zrow, 0)
    base = s * RPT
    for k in range(RPT // K):
        pltpu.sync_copy(w0, p_sh.at[pl.ds(base + k * K, K)])
    rem = RPT % K
    if rem:
        pltpu.sync_copy(w0.at[pl.ds(0, rem)],
                        p_sh.at[pl.ds(base + (RPT // K) * K, rem)])
    plsc.subcore_barrier()

    pltpu.async_copy(h_hbm.at[src_v.at[0]], gbuf[0], sem_g)
    hmask = jnp.full((16,), 0xFFFF0000, jnp.uint32)

    def outer(jj, carry):
        for b in range(2):
            j = jj * 2 + b
            gb = gbuf[b]
            wb = wbuf[b]
            @pl.when(j >= 1)
            def _():
                pltpu.make_async_copy(
                    wbuf[1 - b], p_sh.at[dst_v.at[j]], sem_s).wait()
            pltpu.make_async_copy(h_hbm.at[src_v.at[j]], gb, sem_g).wait()

            @pl.when(j + 1 < NBLK)
            def _():
                pltpu.async_copy(
                    h_hbm.at[src_v.at[j + 1]], gbuf[1 - b], sem_g)

            @plsc.parallel_loop(0, K, 1, unroll=2)
            def edge(e):
                lw = plsc.load_gather(lw_v, [_full16(j * K + e)])
                for g in range(FP // 16):
                    word = plsc.bitcast(gb[e, pl.ds(g * 16, 16)], jnp.uint32)
                    lo = plsc.bitcast(word << 16, jnp.float32)
                    hi = plsc.bitcast(word & hmask, jnp.float32)
                    wb[e, pl.ds(g * 32, 16)] = lo * lw
                    wb[e, pl.ds(g * 32 + 16, 16)] = hi * lw
            pltpu.async_copy(wb, p_sh.at[dst_v.at[j]], sem_s, add=True)
        return carry
    lax.fori_loop(0, NBLK // 2, outer, 0)
    pltpu.make_async_copy(w0, p_sh.at[dst_v.at[0]], sem_s).wait()
    plsc.subcore_barrier()
    pltpu.sync_copy(p_sh.at[pl.ds(base, RPT)], out_hbm.at[c, s])


_RB = 1000


def _gate_body(x_ref, h_ref, p_ref, c_ref, wx_ref, wh0_ref, wh1_ref, b_ref,
               hn_ref, cn_ref, hpk_ref):
    p = p_ref[0] + p_ref[1]
    acc = (jnp.dot(x_ref[...], wx_ref[...], preferred_element_type=jnp.float32)
           + jnp.dot(h_ref[...], wh0_ref[...], preferred_element_type=jnp.float32)
           + jnp.dot(p, wh1_ref[...], preferred_element_type=jnp.float32)
           + b_ref[...])
    ig = jax.nn.sigmoid(acc[:, :F])
    fg = jax.nn.sigmoid(acc[:, F:2 * F])
    gg = jnp.tanh(acc[:, 2 * F:3 * F])
    og = jax.nn.sigmoid(acc[:, 3 * F:])
    cn = fg * c_ref[...] + ig * gg
    cn_ref[...] = cn
    hn = og * jnp.tanh(cn)
    hn_ref[...] = hn
    hb = hn.astype(jnp.bfloat16)
    words = []
    for g in range(F // 32):
        lo = jax.lax.bitcast_convert_type(
            hb[:, g * 32:g * 32 + 16], jnp.uint16).astype(jnp.uint32)
        hi = jax.lax.bitcast_convert_type(
            hb[:, g * 32 + 16:g * 32 + 32], jnp.uint16).astype(jnp.uint32)
        words.append((hi << 16) | lo)
    hpk_ref[...] = jax.lax.bitcast_convert_type(
        jnp.concatenate(words, axis=1), jnp.float32)


def _gate_call(xt, h, p, c, wx, wh0, wh1, bias):
    blk = lambda i: (i, 0)
    full = lambda i: (0, 0)
    return pl.pallas_call(
        _gate_body,
        grid=(N // _RB,),
        in_specs=[
            pl.BlockSpec((_RB, F), blk),
            pl.BlockSpec((_RB, F), blk),
            pl.BlockSpec((NC, _RB, F), lambda i: (0, i, 0)),
            pl.BlockSpec((_RB, F), blk),
            pl.BlockSpec((F, 4 * F), full),
            pl.BlockSpec((F, 4 * F), full),
            pl.BlockSpec((F, 4 * F), full),
            pl.BlockSpec((1, 4 * F), full),
        ],
        out_specs=[pl.BlockSpec((_RB, F), blk), pl.BlockSpec((_RB, F), blk),
                   pl.BlockSpec((_RB, FP), blk)],
        out_shape=[
            jax.ShapeDtypeStruct((N, F), jnp.float32),
            jax.ShapeDtypeStruct((N, F), jnp.float32),
            jax.ShapeDtypeStruct((N, FP), jnp.float32),
        ],
    )(xt, h, p, c, wx, wh0, wh1, bias)


def kernel(X, edge_index, edge_weight, W_i, b_i, theta_i, cb_i,
           W_f, b_f, theta_f, cb_f, W_c, b_c, theta_c, cb_c,
           W_o, b_o, theta_o, cb_o):
    B, S, T, Fdim = X.shape
    n = B * T
    Xr = X.reshape(n, S, Fdim)
    XT = jnp.transpose(Xr, (1, 0, 2))

    src = edge_index[0]
    dst = edge_index[1]
    E = src.shape[0]
    pad = E_PAD - E
    srcp = jnp.concatenate(
        [src, jnp.zeros((pad,), jnp.int32)]).reshape(NW, NBLK, K)
    dstp = jnp.concatenate(
        [dst, jnp.zeros((pad,), jnp.int32)]).reshape(NW, NBLK, K)
    wp = jnp.concatenate(
        [edge_weight, jnp.zeros((pad,), jnp.float32)]).reshape(NW, NBLK, K)

    weffp = jnp.where(srcp == dstp, 0.0, wp)
    degp = _deg_kernel(srcp, weffp.reshape(NW, EPW)).reshape(NC, n, 16)
    dinv = _dinv_call(degp).reshape(n)
    lw = _lapw_kernel(srcp, dstp, weffp, dinv)

    Wx = jnp.concatenate([W_i, W_f, W_c, W_o], axis=1)
    Wh0 = jnp.concatenate(
        [theta_i[0], theta_f[0], theta_c[0], theta_o[0]], axis=1)
    Wh1 = jnp.concatenate(
        [theta_i[1], theta_f[1], theta_c[1], theta_o[1]], axis=1)
    bias = jnp.concatenate(
        [b_i[0] + cb_i, b_f[0] + cb_f, b_c[0] + cb_c, b_o[0] + cb_o]
    ).reshape(1, 4 * Fdim)

    zf = jnp.zeros((n, Fdim), jnp.float32)
    zp = jnp.zeros((NC, n, Fdim), jnp.float32)
    h, c, hpk = _gate_call(XT[0], zf, zp, zf, Wx, Wh0, Wh1, bias)

    def step(carry, xt):
        h, c, hpk = carry
        p = _spmm_kernel(hpk, srcp, dstp, lw).reshape(NC, n, Fdim)
        hn, cn, hpkn = _gate_call(xt, h, p, c, Wx, Wh0, Wh1, bias)
        return (hn, cn, hpkn), None

    (H, C, _), _ = lax.scan(step, (h, c, hpk), XT[1:])
    return (H, C)

# --- scband reference (transcript-rebuilt; emitter-appended) ---
"""Pipeline reference for scband-gclstm-64458869178653 (READ-ONLY COPY).

The authoritative reference and input builder live on the scoring server;
editing this copy changes nothing except your own understanding.
"""

import jax, jax.numpy as jnp
import numpy as np

N_NODES = 10000

def glorot(key, shape):
    fan_in, fan_out = shape[-2], shape[-1]
    limit = float(np.sqrt(6.0 / (fan_in + fan_out)))
    return jax.random.uniform(key, shape, jnp.float32, -limit, limit)

def setup_inputs(seed: int = 0):
    key = jax.random.key(seed)
    ks = jax.random.split(key, 16)
    B, S, T, F = 1000, 24, 10, 128
    E = 160000
    out = {}
    out["X"] = jax.random.normal(ks[0], (B, S, T, F), jnp.float32)
    out["edge_index"] = jax.random.randint(ks[1], (2, E), 0, N_NODES, jnp.int32)
    out["edge_weight"] = jax.random.uniform(ks[2], (E,), jnp.float32)
    gates = ["i", "f", "c", "o"]
    for idx, g in enumerate(gates):
        out["W_" + g] = glorot(ks[3 + idx], (128, 128))
        out["b_" + g] = jnp.zeros((1, 128), jnp.float32)
        out["theta_" + g] = glorot(ks[7 + idx], (2, 128, 128))
        out["cb_" + g] = jnp.zeros((128,), jnp.float32)
    return out

def cheb_conv(x, edge_index, edge_weight, theta, bias, lambda_max=2.0):
    # Faithful PyG ChebConv with normalization='sym', lambda_max defaulting to 2.0.
    src, dst = edge_index[0], edge_index[1]
    # remove_self_loops: mask self-loop weights to zero (same degrees / messages)
    w = jnp.where(src == dst, 0.0, edge_weight)
    n = x.shape[0]
    deg = jnp.zeros((n,), x.dtype).at[src].add(w)
    safe = jnp.where(deg > 0, deg, 1.0)
    dinv = jnp.where(deg > 0, 1.0 / jnp.sqrt(safe), 0.0)
    scale = 2.0 / lambda_max
    # scaled Laplacian: off-diagonal = -scale * D^-1/2 A D^-1/2, diagonal = scale*1 - 1
    lap_w = -(dinv[src] * w * dinv[dst]) * scale
    diag = scale - 1.0
    def prop(h):
        return jnp.zeros_like(h).at[dst].add(lap_w[:, None] * h[src]) + diag * h
    K = theta.shape[0]
    Tx0 = x
    out = Tx0 @ theta[0]
    if K > 1:
        Tx1 = prop(x)
        out = out + Tx1 @ theta[1]
        for k in range(2, K):
            Tx2 = 2.0 * prop(Tx1) - Tx0
            out = out + Tx2 @ theta[k]
            Tx0, Tx1 = Tx1, Tx2
    return out + bias

def reference(X, edge_index, edge_weight, W_i, b_i, theta_i, cb_i, W_f, b_f, theta_f, cb_f, W_c, b_c, theta_c, cb_c, W_o, b_o, theta_o, cb_o):
    B, S, T, F = X.shape
    Xr = X.reshape(B * T, S, F)  # matches torch .view on contiguous tensor
    d_out = W_i.shape[1]
    H = jnp.zeros((B * T, d_out), X.dtype)
    C = jnp.zeros((B * T, d_out), X.dtype)
    for t in range(S):
        Xt = Xr[:, t, :]
        I = jax.nn.sigmoid(Xt @ W_i + cheb_conv(H, edge_index, edge_weight, theta_i, cb_i) + b_i)
        Fg = jax.nn.sigmoid(Xt @ W_f + cheb_conv(H, edge_index, edge_weight, theta_f, cb_f) + b_f)
        Tg = jnp.tanh(Xt @ W_c + cheb_conv(H, edge_index, edge_weight, theta_c, cb_c) + b_c)
        C = Fg * C + I * Tg
        O = jax.nn.sigmoid(Xt @ W_o + cheb_conv(H, edge_index, edge_weight, theta_o, cb_o) + b_o)
        H = O * jnp.tanh(C)
    return (H, C)

if __name__ == "__main__":
    import jax
    _d = setup_inputs()
    print(jax.jit(kernel)(*tuple(_d.values())))

</pallas_src>

<mosaic_0001>
#map = affine_map<(d0, d1) -> (0, 0, 0)>
#map1 = affine_map<(d0, d1) -> (0)>
#map2 = affine_map<(d0, d1) -> (0, 0)>
module attributes {stable_mosaic.version = 14 : i64} {
  func.func @_lapw_kernel(%arg0: i32, %arg1: i32, %arg2: memref<32x80x64xi32, #tpu.memory_space<hbm>>, %arg3: memref<32x80x64xi32, #tpu.memory_space<hbm>>, %arg4: memref<32x80x64xf32, #tpu.memory_space<hbm>>, %arg5: memref<10000xf32, #tpu.memory_space<hbm>>, %arg6: memref<32x5120xf32, #tpu.memory_space<hbm>>, %arg7: memref<80x64xi32, #tpu.memory_space<vmem>>, %arg8: memref<80x64xi32, #tpu.memory_space<vmem>>, %arg9: memref<80x64xf32, #tpu.memory_space<vmem>>, %arg10: memref<5120xf32, #tpu.memory_space<vmem>>, %arg11: memref<10000xf32, #tpu.memory_space<vmem>>) attributes {dimension_semantics = [#tpu.dimension_semantics<core_parallel>, #tpu.dimension_semantics<subcore_parallel>], iteration_bounds = array<i64: 2, 16>, scalar_prefetch = 0 : i64, scratch_operands = 5 : i64, tpu.core_type = #tpu.core_type<sc_vector_subcore>, window_params = [{transform_indices = #map}, {transform_indices = #map}, {transform_indices = #map}, {transform_indices = #map1}, {transform_indices = #map2}]} {
    %mul3A = arith.constant 16 : i32
    %mul3A_0 = arith.muli %arg0, %mul3A : i32
    %add3A = arith.addi %mul3A_0, %arg1 : i32
    "tpu.region"() ({
      %run_scoped3A = tpu.sem_alloc : memref<!tpu.dma_semaphore, #tpu.memory_space<semaphore_mem>>
      %dma_start3A = arith.constant 0 : i32
      %dma_start3A_6 = arith.constant 0 : i32
      %dma_start3A_7 = tpu.memref_slice %arg2[%add3A, %dma_start3A, %dma_start3A_6] : memref<32x80x64xi32, #tpu.memory_space<hbm>> -> memref<1x80x64xi32, #tpu.memory_space<hbm>>
      %dma_start3A_8 = tpu.memref_squeeze %dma_start3A_7 : memref<1x80x64xi32, #tpu.memory_space<hbm>> -> memref<80x64xi32, #tpu.memory_space<hbm>>
      %dma_start3A_9 = arith.constant 0 : i32
      %dma_start3A_10 = arith.constant 0 : i32
      %dma_start3A_11 = tpu.memref_slice %arg2[%add3A, %dma_start3A_9, %dma_start3A_10] : memref<32x80x64xi32, #tpu.memory_space<hbm>> -> memref<1x80x64xi32, #tpu.memory_space<hbm>>
      %dma_start3A_12 = tpu.memref_squeeze %dma_start3A_11 : memref<1x80x64xi32, #tpu.memory_space<hbm>> -> memref<80x64xi32, #tpu.memory_space<hbm>>
      tpu.enqueue_dma source(%dma_start3A_12 : memref<80x64xi32, #tpu.memory_space<hbm>>) target(%arg7 : memref<80x64xi32, #tpu.memory_space<vmem>>) target_semaphore(%run_scoped3A : memref<!tpu.dma_semaphore, #tpu.memory_space<semaphore_mem>>)
      %dma_wait3A = arith.constant 0 : i32
      %dma_wait3A_13 = arith.constant 0 : i32
      %dma_wait3A_14 = tpu.memref_slice %arg2[%add3A, %dma_wait3A, %dma_wait3A_13] : memref<32x80x64xi32, #tpu.memory_space<hbm>> -> memref<1x80x64xi32, #tpu.memory_space<hbm>>
      %dma_wait3A_15 = tpu.memref_squeeze %dma_wait3A_14 : memref<1x80x64xi32, #tpu.memory_space<hbm>> -> memref<80x64xi32, #tpu.memory_space<hbm>>
      %dma_wait3A_16 = arith.constant 0 : i32
      %dma_wait3A_17 = arith.constant 0 : i32
      %dma_wait3A_18 = tpu.memref_slice %arg2[%add3A, %dma_wait3A_16, %dma_wait3A_17] : memref<32x80x64xi32, #tpu.memory_space<hbm>> -> memref<1x80x64xi32, #tpu.memory_space<hbm>>
      %dma_wait3A_19 = tpu.memref_squeeze %dma_wait3A_18 : memref<1x80x64xi32, #tpu.memory_space<hbm>> -> memref<80x64xi32, #tpu.memory_space<hbm>>
      tpu.wait_dma2 semaphore(%run_scoped3A : memref<!tpu.dma_semaphore, #tpu.memory_space<semaphore_mem>>) src(%dma_wait3A_19 : memref<80x64xi32, #tpu.memory_space<hbm>>) dst(%arg7 : memref<80x64xi32, #tpu.memory_space<vmem>>)
      tpu.yield
    }) : () -> ()
    "tpu.region"() ({
      %run_scoped3A = tpu.sem_alloc : memref<!tpu.dma_semaphore, #tpu.memory_space<semaphore_mem>>
      %dma_start3A = arith.constant 0 : i32
      %dma_start3A_6 = arith.constant 0 : i32
      %dma_start3A_7 = tpu.memref_slice %arg3[%add3A, %dma_start3A, %dma_start3A_6] : memref<32x80x64xi32, #tpu.memory_space<hbm>> -> memref<1x80x64xi32, #tpu.memory_space<hbm>>
      %dma_start3A_8 = tpu.memref_squeeze %dma_start3A_7 : memref<1x80x64xi32, #tpu.memory_space<hbm>> -> memref<80x64xi32, #tpu.memory_space<hbm>>
      %dma_start3A_9 = arith.constant 0 : i32
      %dma_start3A_10 = arith.constant 0 : i32
      %dma_start3A_11 = tpu.memref_slice %arg3[%add3A, %dma_start3A_9, %dma_start3A_10] : memref<32x80x64xi32, #tpu.memory_space<hbm>> -> memref<1x80x64xi32, #tpu.memory_space<hbm>>
      %dma_start3A_12 = tpu.memref_squeeze %dma_start3A_11 : memref<1x80x64xi32, #tpu.memory_space<hbm>> -> memref<80x64xi32, #tpu.memory_space<hbm>>
      tpu.enqueue_dma source(%dma_start3A_12 : memref<80x64xi32, #tpu.memory_space<hbm>>) target(%arg8 : memref<80x64xi32, #tpu.memory_space<vmem>>) target_semaphore(%run_scoped3A : memref<!tpu.dma_semaphore, #tpu.memory_space<semaphore_mem>>)
      %dma_wait3A = arith.constant 0 : i32
      %dma_wait3A_13 = arith.constant 0 : i32
      %dma_wait3A_14 = tpu.memref_slice %arg3[%add3A, %dma_wait3A, %dma_wait3A_13] : memref<32x80x64xi32, #tpu.memory_space<hbm>> -> memref<1x80x64xi32, #tpu.memory_space<hbm>>
      %dma_wait3A_15 = tpu.memref_squeeze %dma_wait3A_14 : memref<1x80x64xi32, #tpu.memory_space<hbm>> -> memref<80x64xi32, #tpu.memory_space<hbm>>
      %dma_wait3A_16 = arith.constant 0 : i32
      %dma_wait3A_17 = arith.constant 0 : i32
      %dma_wait3A_18 = tpu.memref_slice %arg3[%add3A, %dma_wait3A_16, %dma_wait3A_17] : memref<32x80x64xi32, #tpu.memory_space<hbm>> -> memref<1x80x64xi32, #tpu.memory_space<hbm>>
      %dma_wait3A_19 = tpu.memref_squeeze %dma_wait3A_18 : memref<1x80x64xi32, #tpu.memory_space<hbm>> -> memref<80x64xi32, #tpu.memory_space<hbm>>
      tpu.wait_dma2 semaphore(%run_scoped3A : memref<!tpu.dma_semaphore, #tpu.memory_space<semaphore_mem>>) src(%dma_wait3A_19 : memref<80x64xi32, #tpu.memory_space<hbm>>) dst(%arg8 : memref<80x64xi32, #tpu.memory_space<vmem>>)
      tpu.yield
    }) : () -> ()
    "tpu.region"() ({
      %run_scoped3A = tpu.sem_alloc : memref<!tpu.dma_semaphore, #tpu.memory_space<semaphore_mem>>
      %dma_start3A = arith.constant 0 : i32
      %dma_start3A_6 = arith.constant 0 : i32
      %dma_start3A_7 = tpu.memref_slice %arg4[%add3A, %dma_start3A, %dma_start3A_6] : memref<32x80x64xf32, #tpu.memory_space<hbm>> -> memref<1x80x64xf32, #tpu.memory_space<hbm>>
      %dma_start3A_8 = tpu.memref_squeeze %dma_start3A_7 : memref<1x80x64xf32, #tpu.memory_space<hbm>> -> memref<80x64xf32, #tpu.memory_space<hbm>>
      %dma_start3A_9 = arith.constant 0 : i32
      %dma_start3A_10 = arith.constant 0 : i32
      %dma_start3A_11 = tpu.memref_slice %arg4[%add3A, %dma_start3A_9, %dma_start3A_10] : memref<32x80x64xf32, #tpu.memory_space<hbm>> -> memref<1x80x64xf32, #tpu.memory_space<hbm>>
      %dma_start3A_12 = tpu.memref_squeeze %dma_start3A_11 : memref<1x80x64xf32, #tpu.memory_space<hbm>> -> memref<80x64xf32, #tpu.memory_space<hbm>>
      tpu.enqueue_dma source(%dma_start3A_12 : memref<80x64xf32, #tpu.memory_space<hbm>>) target(%arg9 : memref<80x64xf32, #tpu.memory_space<vmem>>) target_semaphore(%run_scoped3A : memref<!tpu.dma_semaphore, #tpu.memory_space<semaphore_mem>>)
      %dma_wait3A = arith.constant 0 : i32
      %dma_wait3A_13 = arith.constant 0 : i32
      %dma_wait3A_14 = tpu.memref_slice %arg4[%add3A, %dma_wait3A, %dma_wait3A_13] : memref<32x80x64xf32, #tpu.memory_space<hbm>> -> memref<1x80x64xf32, #tpu.memory_space<hbm>>
      %dma_wait3A_15 = tpu.memref_squeeze %dma_wait3A_14 : memref<1x80x64xf32, #tpu.memory_space<hbm>> -> memref<80x64xf32, #tpu.memory_space<hbm>>
      %dma_wait3A_16 = arith.constant 0 : i32
      %dma_wait3A_17 = arith.constant 0 : i32
      %dma_wait3A_18 = tpu.memref_slice %arg4[%add3A, %dma_wait3A_16, %dma_wait3A_17] : memref<32x80x64xf32, #tpu.memory_space<hbm>> -> memref<1x80x64xf32, #tpu.memory_space<hbm>>
      %dma_wait3A_19 = tpu.memref_squeeze %dma_wait3A_18 : memref<1x80x64xf32, #tpu.memory_space<hbm>> -> memref<80x64xf32, #tpu.memory_space<hbm>>
      tpu.wait_dma2 semaphore(%run_scoped3A : memref<!tpu.dma_semaphore, #tpu.memory_space<semaphore_mem>>) src(%dma_wait3A_19 : memref<80x64xf32, #tpu.memory_space<hbm>>) dst(%arg9 : memref<80x64xf32, #tpu.memory_space<vmem>>)
      tpu.yield
    }) : () -> ()
    "tpu.region"() ({
      %run_scoped3A = tpu.sem_alloc : memref<!tpu.dma_semaphore, #tpu.memory_space<semaphore_mem>>
      tpu.enqueue_dma source(%arg5 : memref<10000xf32, #tpu.memory_space<hbm>>) target(%arg11 : memref<10000xf32, #tpu.memory_space<vmem>>) target_semaphore(%run_scoped3A : memref<!tpu.dma_semaphore, #tpu.memory_space<semaphore_mem>>)
      tpu.wait_dma2 semaphore(%run_scoped3A : memref<!tpu.dma_semaphore, #tpu.memory_space<semaphore_mem>>) src(%arg5 : memref<10000xf32, #tpu.memory_space<hbm>>) dst(%arg11 : memref<10000xf32, #tpu.memory_space<vmem>>)
      tpu.yield
    }) : () -> ()
    %scan3A = arith.constant 0 : i32
    %scan3A_1 = arith.constant 0 : i32
    %scan3A_2 = arith.constant 80 : i32
    %scan3A_3 = arith.addi %scan3A_1, %scan3A_2 : i32
    %scan3A_4 = arith.constant 1 : i32
    scf.for %scan3A_6 = %scan3A_1 to %scan3A_3 step %scan3A_4  : i32 {
      %get3A = arith.index_cast %scan3A_6 : i32 to index
      %get3A_7 = arith.constant 0 : index
      %get3A_8 = tpu.vector_load %arg7[%get3A, %get3A_7] {strides = array<i32>} : memref<80x64xi32, #tpu.memory_space<vmem>>, vector<16xi32>,
      %get3A_9 = arith.index_cast %scan3A_6 : i32 to index
      %get3A_10 = arith.constant 0 : index
      %get3A_11 = tpu.vector_load %arg8[%get3A_9, %get3A_10] {strides = array<i32>} : memref<80x64xi32, #tpu.memory_space<vmem>>, vector<16xi32>,
      %get3A_12 = arith.index_cast %scan3A_6 : i32 to index
      %get3A_13 = arith.constant 0 : index
      %get3A_14 = tpu.vector_load %arg9[%get3A_12, %get3A_13] {strides = array<i32>} : memref<80x64xf32, #tpu.memory_space<vmem>>, vector<16xf32>,
      %gather3A = tpu.vector_load_idx %arg11[%get3A_8] : memref<10000xf32, #tpu.memory_space<vmem>>[vector<16xi32>], vector<16xf32>,
      %gather3A_15 = tpu.vector_load_idx %arg11[%get3A_11] : memref<10000xf32, #tpu.memory_space<vmem>>[vector<16xi32>], vector<16xf32>,
      %mul3A_16 = arith.mulf %gather3A, %get3A_14 : vector<16xf32>
      %mul3A_17 = arith.mulf %mul3A_16, %gather3A_15 : vector<16xf32>
      %neg3A = arith.constant 0.000000e+00 : f32
      %neg3A_18 = vector.broadcast %neg3A : f32 to vector<16xf32>
      %neg3A_19 = arith.subf %neg3A_18, %mul3A_17 : vector<16xf32>
      %mul3A_20 = arith.constant 64 : i32
      %mul3A_21 = arith.muli %scan3A_6, %mul3A_20 : i32
      %add3A_22 = arith.constant 0 : i32
      %add3A_23 = arith.addi %mul3A_21, %add3A_22 : i32
      %swap3A = arith.index_cast %add3A_23 : i32 to index
      %swap3A_24 = tpu.vector_load %arg10[%swap3A] {strides = array<i32>} : memref<5120xf32, #tpu.memory_space<vmem>>, vector<16xf32>,
      tpu.vector_store %arg10[%swap3A], %neg3A_19 {strides = array<i32>} : memref<5120xf32, #tpu.memory_space<vmem>>, vector<16xf32>,
      %get3A_25 = arith.index_cast %scan3A_6 : i32 to index
      %get3A_26 = arith.constant 16 : index
      %get3A_27 = tpu.vector_load %arg7[%get3A_25, %get3A_26] {strides = array<i32>} : memref<80x64xi32, #tpu.memory_space<vmem>>, vector<16xi32>,
      %get3A_28 = arith.index_cast %scan3A_6 : i32 to index
      %get3A_29 = arith.constant 16 : index
      %get3A_30 = tpu.vector_load %arg8[%get3A_28, %get3A_29] {strides = array<i32>} : memref<80x64xi32, #tpu.memory_space<vmem>>, vector<16xi32>,
      %get3A_31 = arith.index_cast %scan3A_6 : i32 to index
      %get3A_32 = arith.constant 16 : index
      %get3A_33 = tpu.vector_load %arg9[%get3A_31, %get3A_32] {strides = array<i32>} : memref<80x64xf32, #tpu.memory_space<vmem>>, vector<16xf32>,
      %gather3A_34 = tpu.vector_load_idx %arg11[%get3A_27] : memref<10000xf32, #tpu.memory_space<vmem>>[vector<16xi32>], vector<16xf32>,
      %gather3A_35 = tpu.vector_load_idx %arg11[%get3A_30] : memref<10000xf32, #tpu.memory_space<vmem>>[vector<16xi32>], vector<16xf32>,
      %mul3A_36 = arith.mulf %gather3A_34, %get3A_33 : vector<16xf32>
      %mul3A_37 = arith.mulf %mul3A_36, %gather3A_35 : vector<16xf32>
      %neg3A_38 = arith.constant 0.000000e+00 : f32
      %neg3A_39 = vector.broadcast %neg3A_38 : f32 to vector<16xf32>
      %neg3A_40 = arith.subf %neg3A_39, %mul3A_37 : vector<16xf32>
      %mul3A_41 = arith.constant 64 : i32
      %mul3A_42 = arith.muli %scan3A_6, %mul3A_41 : i32
      %add3A_43 = arith.constant 16 : i32
      %add3A_44 = arith.addi %mul3A_42, %add3A_43 : i32
      %swap3A_45 = arith.index_cast %add3A_44 : i32 to index
      %swap3A_46 = tpu.vector_load %arg10[%swap3A_45] {strides = array<i32>} : memref<5120xf32, #tpu.memory_space<vmem>>, vector<16xf32>,
      tpu.vector_store %arg10[%swap3A_45], %neg3A_40 {strides = array<i32>} : memref<5120xf32, #tpu.memory_space<vmem>>, vector<16xf32>,
      %get3A_47 = arith.index_cast %scan3A_6 : i32 to index
      %get3A_48 = arith.constant 32 : index
      %get3A_49 = tpu.vector_load %arg7[%get3A_47, %get3A_48] {strides = array<i32>} : memref<80x64xi32, #tpu.memory_space<vmem>>, vector<16xi32>,
      %get3A_50 = arith.index_cast %scan3A_6 : i32 to index
      %get3A_51 = arith.constant 32 : index
      %get3A_52 = tpu.vector_load %arg8[%get3A_50, %get3A_51] {strides = array<i32>} : memref<80x64xi32, #tpu.memory_space<vmem>>, vector<16xi32>,
      %get3A_53 = arith.index_cast %scan3A_6 : i32 to index
      %get3A_54 = arith.constant 32 : index
      %get3A_55 = tpu.vector_load %arg9[%get3A_53, %get3A_54] {strides = array<i32>} : memref<80x64xf32, #tpu.memory_space<vmem>>, vector<16xf32>,
      %gather3A_56 = tpu.vector_load_idx %arg11[%get3A_49] : memref<10000xf32, #tpu.memory_space<vmem>>[vector<16xi32>], vector<16xf32>,
      %gather3A_57 = tpu.vector_load_idx %arg11[%get3A_52] : memref<10000xf32, #tpu.memory_space<vmem>>[vector<16xi32>], vector<16xf32>,
      %mul3A_58 = arith.mulf %gather3A_56, %get3A_55 : vector<16xf32>
      %mul3A_59 = arith.mulf %mul3A_58, %gather3A_57 : vector<16xf32>
      %neg3A_60 = arith.constant 0.000000e+00 : f32
      %neg3A_61 = vector.broadcast %neg3A_60 : f32 to vector<16xf32>
      %neg3A_62 = arith.subf %neg3A_61, %mul3A_59 : vector<16xf32>
      %mul3A_63 = arith.constant 64 : i32
      %mul3A_64 = arith.muli %scan3A_6, %mul3A_63 : i32
      %add3A_65 = arith.constant 32 : i32
      %add3A_66 = arith.addi %mul3A_64, %add3A_65 : i32
      %swap3A_67 = arith.index_cast %add3A_66 : i32 to index
      %swap3A_68 = tpu.vector_load %arg10[%swap3A_67] {strides = array<i32>} : memref<5120xf32, #tpu.memory_space<vmem>>, vector<16xf32>,
      tpu.vector_store %arg10[%swap3A_67], %neg3A_62 {strides = array<i32>} : memref<5120xf32, #tpu.memory_space<vmem>>, vector<16xf32>,
      %get3A_69 = arith.index_cast %scan3A_6 : i32 to index
      %get3A_70 = arith.constant 48 : index
      %get3A_71 = tpu.vector_load %arg7[%get3A_69, %get3A_70] {strides = array<i32>} : memref<80x64xi32, #tpu.memory_space<vmem>>, vector<16xi32>,
      %get3A_72 = arith.index_cast %scan3A_6 : i32 to index
      %get3A_73 = arith.constant 48 : index
      %get3A_74 = tpu.vector_load %arg8[%get3A_72, %get3A_73] {strides = array<i32>} : memref<80x64xi32, #tpu.memory_space<vmem>>, vector<16xi32>,
      %get3A_75 = arith.index_cast %scan3A_6 : i32 to index
      %get3A_76 = arith.constant 48 : index
      %get3A_77 = tpu.vector_load %arg9[%get3A_75, %get3A_76] {strides = array<i32>} : memref<80x64xf32, #tpu.memory_space<vmem>>, vector<16xf32>,
      %gather3A_78 = tpu.vector_load_idx %arg11[%get3A_71] : memref<10000xf32, #tpu.memory_space<vmem>>[vector<16xi32>], vector<16xf32>,
      %gather3A_79 = tpu.vector_load_idx %arg11[%get3A_74] : memref<10000xf32, #tpu.memory_space<vmem>>[vector<16xi32>], vector<16xf32>,
      %mul3A_80 = arith.mulf %gather3A_78, %get3A_77 : vector<16xf32>
      %mul3A_81 = arith.mulf %mul3A_80, %gather3A_79 : vector<16xf32>
      %neg3A_82 = arith.constant 0.000000e+00 : f32
      %neg3A_83 = vector.broadcast %neg3A_82 : f32 to vector<16xf32>
      %neg3A_84 = arith.subf %neg3A_83, %mul3A_81 : vector<16xf32>
      %mul3A_85 = arith.constant 64 : i32
      %mul3A_86 = arith.muli %scan3A_6, %mul3A_85 : i32
      %add3A_87 = arith.constant 48 : i32
      %add3A_88 = arith.addi %mul3A_86, %add3A_87 : i32
      %swap3A_89 = arith.index_cast %add3A_88 : i32 to index
      %swap3A_90 = tpu.vector_load %arg10[%swap3A_89] {strides = array<i32>} : memref<5120xf32, #tpu.memory_space<vmem>>, vector<16xf32>,
      tpu.vector_store %arg10[%swap3A_89], %neg3A_84 {strides = array<i32>} : memref<5120xf32, #tpu.memory_space<vmem>>, vector<16xf32>,
    }
    %scan3A_5 = arith.constant 80 : i32
    "tpu.region"() ({
      %run_scoped3A = tpu.sem_alloc : memref<!tpu.dma_semaphore, #tpu.memory_space<semaphore_mem>>
      %dma_start3A = arith.constant 0 : i32
      %dma_start3A_6 = tpu.memref_slice %arg6[%add3A, %dma_start3A] : memref<32x5120xf32, #tpu.memory_space<hbm>> -> memref<1x5120xf32, #tpu.memory_space<hbm>>
      %dma_start3A_7 = tpu.memref_squeeze %dma_start3A_6 : memref<1x5120xf32, #tpu.memory_space<hbm>> -> memref<5120xf32, #tpu.memory_space<hbm>>
      %dma_start3A_8 = arith.constant 0 : i32
      %dma_start3A_9 = tpu.memref_slice %arg6[%add3A, %dma_start3A_8] : memref<32x5120xf32, #tpu.memory_space<hbm>> -> memref<1x5120xf32, #tpu.memory_space<hbm>>
      %dma_start3A_10 = tpu.memref_squeeze %dma_start3A_9 : memref<1x5120xf32, #tpu.memory_space<hbm>> -> memref<5120xf32, #tpu.memory_space<hbm>>
      tpu.enqueue_dma source(%arg10 : memref<5120xf32, #tpu.memory_space<vmem>>) target(%dma_start3A_10 : memref<5120xf32, #tpu.memory_space<hbm>>) target_semaphore(%run_scoped3A : memref<!tpu.dma_semaphore, #tpu.memory_space<semaphore_mem>>)
      %dma_wait3A = arith.constant 0 : i32
      %dma_wait3A_11 = tpu.memref_slice %arg6[%add3A, %dma_wait3A] : memref<32x5120xf32, #tpu.memory_space<hbm>> -> memref<1x5120xf32, #tpu.memory_space<hbm>>
      %dma_wait3A_12 = tpu.memref_squeeze %dma_wait3A_11 : memref<1x5120xf32, #tpu.memory_space<hbm>> -> memref<5120xf32, #tpu.memory_space<hbm>>
      %dma_wait3A_13 = arith.constant 0 : i32
      %dma_wait3A_14 = tpu.memref_slice %arg6[%add3A, %dma_wait3A_13] : memref<32x5120xf32, #tpu.memory_space<hbm>> -> memref<1x5120xf32, #tpu.memory_space<hbm>>
      %dma_wait3A_15 = tpu.memref_squeeze %dma_wait3A_14 : memref<1x5120xf32, #tpu.memory_space<hbm>> -> memref<5120xf32, #tpu.memory_space<hbm>>
      tpu.wait_dma2 semaphore(%run_scoped3A : memref<!tpu.dma_semaphore, #tpu.memory_space<semaphore_mem>>) src(%arg10 : memref<5120xf32, #tpu.memory_space<vmem>>) dst(%dma_wait3A_15 : memref<5120xf32, #tpu.memory_space<hbm>>)
      tpu.yield
    }) : () -> ()
    return
  }
}

#map = affine_map<(d0, d1) -> (0, 0)>
#map1 = affine_map<(d0, d1) -> (0, 0, 0)>
#map2 = affine_map<(d0, d1) -> (0, 0, 0, 0)>
module attributes {stable_mosaic.version = 14 : i64} {
  func.func @_spmm_kernel(%arg0: i32, %arg1: i32, %arg2: memref<10000x64xf32, #tpu.memory_space<hbm>>, %arg3: memref<32x80x64xi32, #tpu.memory_space<hbm>>, %arg4: memref<32x80x64xi32, #tpu.memory_space<hbm>>, %arg5: memref<32x5120xf32, #tpu.memory_space<hbm>>, %arg6: memref<2x16x625x128xf32, #tpu.memory_space<hbm>>, %arg7: memref<80x64xi32, #tpu.memory_space<vmem>>, %arg8: memref<80x64xi32, #tpu.memory_space<vmem>>, %arg9: memref<5120xf32, #tpu.memory_space<vmem>>, %arg10: memref<64x64xf32, #tpu.memory_space<vmem>>, %arg11: memref<64x64xf32, #tpu.memory_space<vmem>>, %arg12: memref<64x128xf32, #tpu.memory_space<vmem>>, %arg13: memref<64x128xf32, #tpu.memory_space<vmem>>, %arg14: memref<10000x128xf32, #tpu.memory_space<vmem_shared>>, %arg15: memref<!tpu.dma_semaphore, #tpu.memory_space<semaphore_mem>>, %arg16: memref<!tpu.dma_semaphore, #tpu.memory_space<semaphore_mem>>) attributes {dimension_semantics = [#tpu.dimension_semantics<core_parallel>, #tpu.dimension_semantics<subcore_parallel>], iteration_bounds = array<i64: 2, 16>, scalar_prefetch = 0 : i64, scratch_operands = 10 : i64, tpu.core_type = #tpu.core_type<sc_vector_subcore>, window_params = [{transform_indices = #map}, {transform_indices = #map1}, {transform_indices = #map1}, {transform_indices = #map}, {transform_indices = #map2}]} {
    %mul3A = arith.constant 16 : i32
    %mul3A_0 = arith.muli %arg0, %mul3A : i32
    %add3A = arith.addi %mul3A_0, %arg1 : i32
    "tpu.region"() ({
      %run_scoped3A = tpu.sem_alloc : memref<!tpu.dma_semaphore, #tpu.memory_space<semaphore_mem>>
      %dma_start3A_48 = arith.constant 0 : i32
      %dma_start3A_49 = arith.constant 0 : i32
      %dma_start3A_50 = tpu.memref_slice %arg3[%add3A, %dma_start3A_48, %dma_start3A_49] : memref<32x80x64xi32, #tpu.memory_space<hbm>> -> memref<1x80x64xi32, #tpu.memory_space<hbm>>
      %dma_start3A_51 = tpu.memref_squeeze %dma_start3A_50 : memref<1x80x64xi32, #tpu.memory_space<hbm>> -> memref<80x64xi32, #tpu.memory_space<hbm>>
      %dma_start3A_52 = arith.constant 0 : i32
      %dma_start3A_53 = arith.constant 0 : i32
      %dma_start3A_54 = tpu.memref_slice %arg3[%add3A, %dma_start3A_52, %dma_start3A_53] : memref<32x80x64xi32, #tpu.memory_space<hbm>> -> memref<1x80x64xi32, #tpu.memory_space<hbm>>
      %dma_start3A_55 = tpu.memref_squeeze %dma_start3A_54 : memref<1x80x64xi32, #tpu.memory_space<hbm>> -> memref<80x64xi32, #tpu.memory_space<hbm>>
      tpu.enqueue_dma source(%dma_start3A_55 : memref<80x64xi32, #tpu.memory_space<hbm>>) target(%arg7 : memref<80x64xi32, #tpu.memory_space<vmem>>) target_semaphore(%run_scoped3A : memref<!tpu.dma_semaphore, #tpu.memory_space<semaphore_mem>>)
      %dma_wait3A_56 = arith.constant 0 : i32
      %dma_wait3A_57 = arith.constant 0 : i32
      %dma_wait3A_58 = tpu.memref_slice %arg3[%add3A, %dma_wait3A_56, %dma_wait3A_57] : memref<32x80x64xi32, #tpu.memory_space<hbm>> -> memref<1x80x64xi32, #tpu.memory_space<hbm>>
      %dma_wait3A_59 = tpu.memref_squeeze %dma_wait3A_58 : memref<1x80x64xi32, #tpu.memory_space<hbm>> -> memref<80x64xi32, #tpu.memory_space<hbm>>
      %dma_wait3A_60 = arith.constant 0 : i32
      %dma_wait3A_61 = arith.constant 0 : i32
      %dma_wait3A_62 = tpu.memref_slice %arg3[%add3A, %dma_wait3A_60, %dma_wait3A_61] : memref<32x80x64xi32, #tpu.memory_space<hbm>> -> memref<1x80x64xi32, #tpu.memory_space<hbm>>
      %dma_wait3A_63 = tpu.memref_squeeze %dma_wait3A_62 : memref<1x80x64xi32, #tpu.memory_space<hbm>> -> memref<80x64xi32, #tpu.memory_space<hbm>>
      tpu.wait_dma2 semaphore(%run_scoped3A : memref<!tpu.dma_semaphore, #tpu.memory_space<semaphore_mem>>) src(%dma_wait3A_63 : memref<80x64xi32, #tpu.memory_space<hbm>>) dst(%arg7 : memref<80x64xi32, #tpu.memory_space<vmem>>)
      tpu.yield
    }) : () -> ()
    "tpu.region"() ({
      %run_scoped3A = tpu.sem_alloc : memref<!tpu.dma_semaphore, #tpu.memory_space<semaphore_mem>>
      %dma_start3A_48 = arith.constant 0 : i32
      %dma_start3A_49 = arith.constant 0 : i32
      %dma_start3A_50 = tpu.memref_slice %arg4[%add3A, %dma_start3A_48, %dma_start3A_49] : memref<32x80x64xi32, #tpu.memory_space<hbm>> -> memref<1x80x64xi32, #tpu.memory_space<hbm>>
      %dma_start3A_51 = tpu.memref_squeeze %dma_start3A_50 : memref<1x80x64xi32, #tpu.memory_space<hbm>> -> memref<80x64xi32, #tpu.memory_space<hbm>>
      %dma_start3A_52 = arith.constant 0 : i32
      %dma_start3A_53 = arith.constant 0 : i32
      %dma_start3A_54 = tpu.memref_slice %arg4[%add3A, %dma_start3A_52, %dma_start3A_53] : memref<32x80x64xi32, #tpu.memory_space<hbm>> -> memref<1x80x64xi32, #tpu.memory_space<hbm>>
      %dma_start3A_55 = tpu.memref_squeeze %dma_start3A_54 : memref<1x80x64xi32, #tpu.memory_space<hbm>> -> memref<80x64xi32, #tpu.memory_space<hbm>>
      tpu.enqueue_dma source(%dma_start3A_55 : memref<80x64xi32, #tpu.memory_space<hbm>>) target(%arg8 : memref<80x64xi32, #tpu.memory_space<vmem>>) target_semaphore(%run_scoped3A : memref<!tpu.dma_semaphore, #tpu.memory_space<semaphore_mem>>)
      %dma_wait3A_56 = arith.constant 0 : i32
      %dma_wait3A_57 = arith.constant 0 : i32
      %dma_wait3A_58 = tpu.memref_slice %arg4[%add3A, %dma_wait3A_56, %dma_wait3A_57] : memref<32x80x64xi32, #tpu.memory_space<hbm>> -> memref<1x80x64xi32, #tpu.memory_space<hbm>>
      %dma_wait3A_59 = tpu.memref_squeeze %dma_wait3A_58 : memref<1x80x64xi32, #tpu.memory_space<hbm>> -> memref<80x64xi32, #tpu.memory_space<hbm>>
      %dma_wait3A_60 = arith.constant 0 : i32
      %dma_wait3A_61 = arith.constant 0 : i32
      %dma_wait3A_62 = tpu.memref_slice %arg4[%add3A, %dma_wait3A_60, %dma_wait3A_61] : memref<32x80x64xi32, #tpu.memory_space<hbm>> -> memref<1x80x64xi32, #tpu.memory_space<hbm>>
      %dma_wait3A_63 = tpu.memref_squeeze %dma_wait3A_62 : memref<1x80x64xi32, #tpu.memory_space<hbm>> -> memref<80x64xi32, #tpu.memory_space<hbm>>
      tpu.wait_dma2 semaphore(%run_scoped3A : memref<!tpu.dma_semaphore, #tpu.memory_space<semaphore_mem>>) src(%dma_wait3A_63 : memref<80x64xi32, #tpu.memory_space<hbm>>) dst(%arg8 : memref<80x64xi32, #tpu.memory_space<vmem>>)
      tpu.yield
    }) : () -> ()
    "tpu.region"() ({
      %run_scoped3A = tpu.sem_alloc : memref<!tpu.dma_semaphore, #tpu.memory_space<semaphore_mem>>
      %dma_start3A_48 = arith.constant 0 : i32
      %dma_start3A_49 = tpu.memref_slice %arg5[%add3A, %dma_start3A_48] : memref<32x5120xf32, #tpu.memory_space<hbm>> -> memref<1x5120xf32, #tpu.memory_space<hbm>>
      %dma_start3A_50 = tpu.memref_squeeze %dma_start3A_49 : memref<1x5120xf32, #tpu.memory_space<hbm>> -> memref<5120xf32, #tpu.memory_space<hbm>>
      %dma_start3A_51 = arith.constant 0 : i32
      %dma_start3A_52 = tpu.memref_slice %arg5[%add3A, %dma_start3A_51] : memref<32x5120xf32, #tpu.memory_space<hbm>> -> memref<1x5120xf32, #tpu.memory_space<hbm>>
      %dma_start3A_53 = tpu.memref_squeeze %dma_start3A_52 : memref<1x5120xf32, #tpu.memory_space<hbm>> -> memref<5120xf32, #tpu.memory_space<hbm>>
      tpu.enqueue_dma source(%dma_start3A_53 : memref<5120xf32, #tpu.memory_space<hbm>>) target(%arg9 : memref<5120xf32, #tpu.memory_space<vmem>>) target_semaphore(%run_scoped3A : memref<!tpu.dma_semaphore, #tpu.memory_space<semaphore_mem>>)
      %dma_wait3A_54 = arith.constant 0 : i32
      %dma_wait3A_55 = tpu.memref_slice %arg5[%add3A, %dma_wait3A_54] : memref<32x5120xf32, #tpu.memory_space<hbm>> -> memref<1x5120xf32, #tpu.memory_space<hbm>>
      %dma_wait3A_56 = tpu.memref_squeeze %dma_wait3A_55 : memref<1x5120xf32, #tpu.memory_space<hbm>> -> memref<5120xf32, #tpu.memory_space<hbm>>
      %dma_wait3A_57 = arith.constant 0 : i32
      %dma_wait3A_58 = tpu.memref_slice %arg5[%add3A, %dma_wait3A_57] : memref<32x5120xf32, #tpu.memory_space<hbm>> -> memref<1x5120xf32, #tpu.memory_space<hbm>>
      %dma_wait3A_59 = tpu.memref_squeeze %dma_wait3A_58 : memref<1x5120xf32, #tpu.memory_space<hbm>> -> memref<5120xf32, #tpu.memory_space<hbm>>
      tpu.wait_dma2 semaphore(%run_scoped3A : memref<!tpu.dma_semaphore, #tpu.memory_space<semaphore_mem>>) src(%dma_wait3A_59 : memref<5120xf32, #tpu.memory_space<hbm>>) dst(%arg9 : memref<5120xf32, #tpu.memory_space<vmem>>)
      tpu.yield
    }) : () -> ()
    %scan3A = arith.constant 0 : i32
    %scan3A_1 = arith.constant 0 : i32
    %scan3A_2 = arith.constant 64 : i32
    %scan3A_3 = arith.addi %scan3A_1, %scan3A_2 : i32
    %scan3A_4 = arith.constant 1 : i32
    scf.for %scan3A_48 = %scan3A_1 to %scan3A_3 step %scan3A_4  : i32 {
      %broadcast_in_dim3A_49 = arith.constant 0.000000e+00 : f32
      %broadcast_in_dim3A_50 = vector.broadcast %broadcast_in_dim3A_49 : f32 to vector<16xf32>
      %swap3A = arith.index_cast %scan3A_48 : i32 to index
      %swap3A_51 = arith.constant 0 : index
      %swap3A_52 = tpu.vector_load %arg12[%swap3A, %swap3A_51] {strides = array<i32>} : memref<64x128xf32, #tpu.memory_space<vmem>>, vector<16xf32>,
      tpu.vector_store %arg12[%swap3A, %swap3A_51], %broadcast_in_dim3A_50 {strides = array<i32>} : memref<64x128xf32, #tpu.memory_space<vmem>>, vector<16xf32>,
      %broadcast_in_dim3A_53 = arith.constant 0.000000e+00 : f32
      %broadcast_in_dim3A_54 = vector.broadcast %broadcast_in_dim3A_53 : f32 to vector<16xf32>
      %swap3A_55 = arith.index_cast %scan3A_48 : i32 to index
      %swap3A_56 = arith.constant 16 : index
      %swap3A_57 = tpu.vector_load %arg12[%swap3A_55, %swap3A_56] {strides = array<i32>} : memref<64x128xf32, #tpu.memory_space<vmem>>, vector<16xf32>,
      tpu.vector_store %arg12[%swap3A_55, %swap3A_56], %broadcast_in_dim3A_54 {strides = array<i32>} : memref<64x128xf32, #tpu.memory_space<vmem>>, vector<16xf32>,
      %broadcast_in_dim3A_58 = arith.constant 0.000000e+00 : f32
      %broadcast_in_dim3A_59 = vector.broadcast %broadcast_in_dim3A_58 : f32 to vector<16xf32>
      %swap3A_60 = arith.index_cast %scan3A_48 : i32 to index
      %swap3A_61 = arith.constant 32 : index
      %swap3A_62 = tpu.vector_load %arg12[%swap3A_60, %swap3A_61] {strides = array<i32>} : memref<64x128xf32, #tpu.memory_space<vmem>>, vector<16xf32>,
      tpu.vector_store %arg12[%swap3A_60, %swap3A_61], %broadcast_in_dim3A_59 {strides = array<i32>} : memref<64x128xf32, #tpu.memory_space<vmem>>, vector<16xf32>,
      %broadcast_in_dim3A_63 = arith.constant 0.000000e+00 : f32
      %broadcast_in_dim3A_64 = vector.broadcast %broadcast_in_dim3A_63 : f32 to vector<16xf32>
      %swap3A_65 = arith.index_cast %scan3A_48 : i32 to index
      %swap3A_66 = arith.constant 48 : index
      %swap3A_67 = tpu.vector_load %arg12[%swap3A_65, %swap3A_66] {strides = array<i32>} : memref<64x128xf32, #tpu.memory_space<vmem>>, vector<16xf32>,
      tpu.vector_store %arg12[%swap3A_65, %swap3A_66], %broadcast_in_dim3A_64 {strides = array<i32>} : memref<64x128xf32, #tpu.memory_space<vmem>>, vector<16xf32>,
      %broadcast_in_dim3A_68 = arith.constant 0.000000e+00 : f32
      %broadcast_in_dim3A_69 = vector.broadcast %broadcast_in_dim3A_68 : f32 to vector<16xf32>
      %swap3A_70 = arith.index_cast %scan3A_48 : i32 to index
      %swap3A_71 = arith.constant 64 : index
      %swap3A_72 = tpu.vector_load %arg12[%swap3A_70, %swap3A_71] {strides = array<i32>} : memref<64x128xf32, #tpu.memory_space<vmem>>, vector<16xf32>,
      tpu.vector_store %arg12[%swap3A_70, %swap3A_71], %broadcast_in_dim3A_69 {strides = array<i32>} : memref<64x128xf32, #tpu.memory_space<vmem>>, vector<16xf32>,
      %broadcast_in_dim3A_73 = arith.constant 0.000000e+00 : f32
      %broadcast_in_dim3A_74 = vector.broadcast %broadcast_in_dim3A_73 : f32 to vector<16xf32>
      %swap3A_75 = arith.index_cast %scan3A_48 : i32 to index
      %swap3A_76 = arith.constant 80 : index
      %swap3A_77 = tpu.vector_load %arg12[%swap3A_75, %swap3A_76] {strides = array<i32>} : memref<64x128xf32, #tpu.memory_space<vmem>>, vector<16xf32>,
      tpu.vector_store %arg12[%swap3A_75, %swap3A_76], %broadcast_in_dim3A_74 {strides = array<i32>} : memref<64x128xf32, #tpu.memory_space<vmem>>, vector<16xf32>,
      %broadcast_in_dim3A_78 = arith.constant 0.000000e+00 : f32
      %broadcast_in_dim3A_79 = vector.broadcast %broadcast_in_dim3A_78 : f32 to vector<16xf32>
      %swap3A_80 = arith.index_cast %scan3A_48 : i32 to index
      %swap3A_81 = arith.constant 96 : index
      %swap3A_82 = tpu.vector_load %arg12[%swap3A_80, %swap3A_81] {strides = array<i32>} : memref<64x128xf32, #tpu.memory_space<vmem>>, vector<16xf32>,
      tpu.vector_store %arg12[%swap3A_80, %swap3A_81], %broadcast_in_dim3A_79 {strides = array<i32>} : memref<64x128xf32, #tpu.memory_space<vmem>>, vector<16xf32>,
      %broadcast_in_dim3A_83 = arith.constant 0.000000e+00 : f32
      %broadcast_in_dim3A_84 = vector.broadcast %broadcast_in_dim3A_83 : f32 to vector<16xf32>
      %swap3A_85 = arith.index_cast %scan3A_48 : i32 to index
      %swap3A_86 = arith.constant 112 : index
      %swap3A_87 = tpu.vector_load %arg12[%swap3A_85, %swap3A_86] {strides = array<i32>} : memref<64x128xf32, #tpu.memory_space<vmem>>, vector<16xf32>,
      tpu.vector_store %arg12[%swap3A_85, %swap3A_86], %broadcast_in_dim3A_84 {strides = array<i32>} : memref<64x128xf32, #tpu.memory_space<vmem>>, vector<16xf32>,
    }
    %scan3A_5 = arith.constant 64 : i32
    %mul3A_6 = arith.constant 625 : i32
    %mul3A_7 = arith.muli %arg1, %mul3A_6 : i32
    %add3A_8 = arith.constant 0 : i32
    %add3A_9 = arith.addi %mul3A_7, %add3A_8 : i32
    "tpu.region"() ({
      %run_scoped3A = tpu.sem_alloc : memref<!tpu.dma_semaphore, #tpu.memory_space<semaphore_mem>>
      %dma_start3A_48 = arith.constant 0 : i32
      %dma_start3A_49 = tpu.memref_slice %arg14[%add3A_9, %dma_start3A_48] : memref<10000x128xf32, #tpu.memory_space<vmem_shared>> -> memref<64x128xf32, #tpu.memory_space<vmem_shared>>
      %dma_start3A_50 = arith.constant 0 : i32
      %dma_start3A_51 = tpu.memref_slice %arg14[%add3A_9, %dma_start3A_50] : memref<10000x128xf32, #tpu.memory_space<vmem_shared>> -> memref<64x128xf32, #tpu.memory_space<vmem_shared>>
      tpu.enqueue_dma source(%arg12 : memref<64x128xf32, #tpu.memory_space<vmem>>) target(%dma_start3A_51 : memref<64x128xf32, #tpu.memory_space<vmem_shared>>) target_semaphore(%run_scoped3A : memref<!tpu.dma_semaphore, #tpu.memory_space<semaphore_mem>>)
      %dma_wait3A_52 = arith.constant 0 : i32
      %dma_wait3A_53 = tpu.memref_slice %arg14[%add3A_9, %dma_wait3A_52] : memref<10000x128xf32, #tpu.memory_space<vmem_shared>> -> memref<64x128xf32, #tpu.memory_space<vmem_shared>>
      %dma_wait3A_54 = arith.constant 0 : i32
      %dma_wait3A_55 = tpu.memref_slice %arg14[%add3A_9, %dma_wait3A_54] : memref<10000x128xf32, #tpu.memory_space<vmem_shared>> -> memref<64x128xf32, #tpu.memory_space<vmem_shared>>
      tpu.wait_dma2 semaphore(%run_scoped3A : memref<!tpu.dma_semaphore, #tpu.memory_space<semaphore_mem>>) src(%arg12 : memref<64x128xf32, #tpu.memory_space<vmem>>) dst(%dma_wait3A_55 : memref<64x128xf32, #tpu.memory_space<vmem_shared>>)
      tpu.yield
    }) : () -> ()
    %add3A_10 = arith.constant 64 : i32
    %add3A_11 = arith.addi %mul3A_7, %add3A_10 : i32
    "tpu.region"() ({
      %run_scoped3A = tpu.sem_alloc : memref<!tpu.dma_semaphore, #tpu.memory_space<semaphore_mem>>
      %dma_start3A_48 = arith.constant 0 : i32
      %dma_start3A_49 = tpu.memref_slice %arg14[%add3A_11, %dma_start3A_48] : memref<10000x128xf32, #tpu.memory_space<vmem_shared>> -> memref<64x128xf32, #tpu.memory_space<vmem_shared>>
      %dma_start3A_50 = arith.constant 0 : i32
      %dma_start3A_51 = tpu.memref_slice %arg14[%add3A_11, %dma_start3A_50] : memref<10000x128xf32, #tpu.memory_space<vmem_shared>> -> memref<64x128xf32, #tpu.memory_space<vmem_shared>>
      tpu.enqueue_dma source(%arg12 : memref<64x128xf32, #tpu.memory_space<vmem>>) target(%dma_start3A_51 : memref<64x128xf32, #tpu.memory_space<vmem_shared>>) target_semaphore(%run_scoped3A : memref<!tpu.dma_semaphore, #tpu.memory_space<semaphore_mem>>)
      %dma_wait3A_52 = arith.constant 0 : i32
      %dma_wait3A_53 = tpu.memref_slice %arg14[%add3A_11, %dma_wait3A_52] : memref<10000x128xf32, #tpu.memory_space<vmem_shared>> -> memref<64x128xf32, #tpu.memory_space<vmem_shared>>
      %dma_wait3A_54 = arith.constant 0 : i32
      %dma_wait3A_55 = tpu.memref_slice %arg14[%add3A_11, %dma_wait3A_54] : memref<10000x128xf32, #tpu.memory_space<vmem_shared>> -> memref<64x128xf32, #tpu.memory_space<vmem_shared>>
      tpu.wait_dma2 semaphore(%run_scoped3A : memref<!tpu.dma_semaphore, #tpu.memory_space<semaphore_mem>>) src(%arg12 : memref<64x128xf32, #tpu.memory_space<vmem>>) dst(%dma_wait3A_55 : memref<64x128xf32, #tpu.memory_space<vmem_shared>>)
      tpu.yield
    }) : () -> ()
    %add3A_12 = arith.constant 128 : i32
    %add3A_13 = arith.addi %mul3A_7, %add3A_12 : i32
    "tpu.region"() ({
      %run_scoped3A = tpu.sem_alloc : memref<!tpu.dma_semaphore, #tpu.memory_space<semaphore_mem>>
      %dma_start3A_48 = arith.constant 0 : i32
      %dma_start3A_49 = tpu.memref_slice %arg14[%add3A_13, %dma_start3A_48] : memref<10000x128xf32, #tpu.memory_space<vmem_shared>> -> memref<64x128xf32, #tpu.memory_space<vmem_shared>>
      %dma_start3A_50 = arith.constant 0 : i32
      %dma_start3A_51 = tpu.memref_slice %arg14[%add3A_13, %dma_start3A_50] : memref<10000x128xf32, #tpu.memory_space<vmem_shared>> -> memref<64x128xf32, #tpu.memory_space<vmem_shared>>
      tpu.enqueue_dma source(%arg12 : memref<64x128xf32, #tpu.memory_space<vmem>>) target(%dma_start3A_51 : memref<64x128xf32, #tpu.memory_space<vmem_shared>>) target_semaphore(%run_scoped3A : memref<!tpu.dma_semaphore, #tpu.memory_space<semaphore_mem>>)
      %dma_wait3A_52 = arith.constant 0 : i32
      %dma_wait3A_53 = tpu.memref_slice %arg14[%add3A_13, %dma_wait3A_52] : memref<10000x128xf32, #tpu.memory_space<vmem_shared>> -> memref<64x128xf32, #tpu.memory_space<vmem_shared>>
      %dma_wait3A_54 = arith.constant 0 : i32
      %dma_wait3A_55 = tpu.memref_slice %arg14[%add3A_13, %dma_wait3A_54] : memref<10000x128xf32, #tpu.memory_space<vmem_shared>> -> memref<64x128xf32, #tpu.memory_space<vmem_shared>>
      tpu.wait_dma2 semaphore(%run_scoped3A : memref<!tpu.dma_semaphore, #tpu.memory_space<semaphore_mem>>) src(%arg12 : memref<64x128xf32, #tpu.memory_space<vmem>>) dst(%dma_wait3A_55 : memref<64x128xf32, #tpu.memory_space<vmem_shared>>)
      tpu.yield
    }) : () -> ()
    %add3A_14 = arith.constant 192 : i32
    %add3A_15 = arith.addi %mul3A_7, %add3A_14 : i32
    "tpu.region"() ({
      %run_scoped3A = tpu.sem_alloc : memref<!tpu.dma_semaphore, #tpu.memory_space<semaphore_mem>>
      %dma_start3A_48 = arith.constant 0 : i32
      %dma_start3A_49 = tpu.memref_slice %arg14[%add3A_15, %dma_start3A_48] : memref<10000x128xf32, #tpu.memory_space<vmem_shared>> -> memref<64x128xf32, #tpu.memory_space<vmem_shared>>
      %dma_start3A_50 = arith.constant 0 : i32
      %dma_start3A_51 = tpu.memref_slice %arg14[%add3A_15, %dma_start3A_50] : memref<10000x128xf32, #tpu.memory_space<vmem_shared>> -> memref<64x128xf32, #tpu.memory_space<vmem_shared>>
      tpu.enqueue_dma source(%arg12 : memref<64x128xf32, #tpu.memory_space<vmem>>) target(%dma_start3A_51 : memref<64x128xf32, #tpu.memory_space<vmem_shared>>) target_semaphore(%run_scoped3A : memref<!tpu.dma_semaphore, #tpu.memory_space<semaphore_mem>>)
      %dma_wait3A_52 = arith.constant 0 : i32
      %dma_wait3A_53 = tpu.memref_slice %arg14[%add3A_15, %dma_wait3A_52] : memref<10000x128xf32, #tpu.memory_space<vmem_shared>> -> memref<64x128xf32, #tpu.memory_space<vmem_shared>>
      %dma_wait3A_54 = arith.constant 0 : i32
      %dma_wait3A_55 = tpu.memref_slice %arg14[%add3A_15, %dma_wait3A_54] : memref<10000x128xf32, #tpu.memory_space<vmem_shared>> -> memref<64x128xf32, #tpu.memory_space<vmem_shared>>
      tpu.wait_dma2 semaphore(%run_scoped3A : memref<!tpu.dma_semaphore, #tpu.memory_space<semaphore_mem>>) src(%arg12 : memref<64x128xf32, #tpu.memory_space<vmem>>) dst(%dma_wait3A_55 : memref<64x128xf32, #tpu.memory_space<vmem_shared>>)
      tpu.yield
    }) : () -> ()
    %add3A_16 = arith.constant 256 : i32
    %add3A_17 = arith.addi %mul3A_7, %add3A_16 : i32
    "tpu.region"() ({
      %run_scoped3A = tpu.sem_alloc : memref<!tpu.dma_semaphore, #tpu.memory_space<semaphore_mem>>
      %dma_start3A_48 = arith.constant 0 : i32
      %dma_start3A_49 = tpu.memref_slice %arg14[%add3A_17, %dma_start3A_48] : memref<10000x128xf32, #tpu.memory_space<vmem_shared>> -> memref<64x128xf32, #tpu.memory_space<vmem_shared>>
      %dma_start3A_50 = arith.constant 0 : i32
      %dma_start3A_51 = tpu.memref_slice %arg14[%add3A_17, %dma_start3A_50] : memref<10000x128xf32, #tpu.memory_space<vmem_shared>> -> memref<64x128xf32, #tpu.memory_space<vmem_shared>>
      tpu.enqueue_dma source(%arg12 : memref<64x128xf32, #tpu.memory_space<vmem>>) target(%dma_start3A_51 : memref<64x128xf32, #tpu.memory_space<vmem_shared>>) target_semaphore(%run_scoped3A : memref<!tpu.dma_semaphore, #tpu.memory_space<semaphore_mem>>)
      %dma_wait3A_52 = arith.constant 0 : i32
      %dma_wait3A_53 = tpu.memref_slice %arg14[%add3A_17, %dma_wait3A_52] : memref<10000x128xf32, #tpu.memory_space<vmem_shared>> -> memref<64x128xf32, #tpu.memory_space<vmem_shared>>
      %dma_wait3A_54 = arith.constant 0 : i32
      %dma_wait3A_55 = tpu.memref_slice %arg14[%add3A_17, %dma_wait3A_54] : memref<10000x128xf32, #tpu.memory_space<vmem_shared>> -> memref<64x128xf32, #tpu.memory_space<vmem_shared>>
      tpu.wait_dma2 semaphore(%run_scoped3A : memref<!tpu.dma_semaphore, #tpu.memory_space<semaphore_mem>>) src(%arg12 : memref<64x128xf32, #tpu.memory_space<vmem>>) dst(%dma_wait3A_55 : memref<64x128xf32, #tpu.memory_space<vmem_shared>>)
      tpu.yield
    }) : () -> ()
    %add3A_18 = arith.constant 320 : i32
    %add3A_19 = arith.addi %mul3A_7, %add3A_18 : i32
    "tpu.region"() ({
      %run_scoped3A = tpu.sem_alloc : memref<!tpu.dma_semaphore, #tpu.memory_space<semaphore_mem>>
      %dma_start3A_48 = arith.constant 0 : i32
      %dma_start3A_49 = tpu.memref_slice %arg14[%add3A_19, %dma_start3A_48] : memref<10000x128xf32, #tpu.memory_space<vmem_shared>> -> memref<64x128xf32, #tpu.memory_space<vmem_shared>>
      %dma_start3A_50 = arith.constant 0 : i32
      %dma_start3A_51 = tpu.memref_slice %arg14[%add3A_19, %dma_start3A_50] : memref<10000x128xf32, #tpu.memory_space<vmem_shared>> -> memref<64x128xf32, #tpu.memory_space<vmem_shared>>
      tpu.enqueue_dma source(%arg12 : memref<64x128xf32, #tpu.memory_space<vmem>>) target(%dma_start3A_51 : memref<64x128xf32, #tpu.memory_space<vmem_shared>>) target_semaphore(%run_scoped3A : memref<!tpu.dma_semaphore, #tpu.memory_space<semaphore_mem>>)
      %dma_wait3A_52 = arith.constant 0 : i32
      %dma_wait3A_53 = tpu.memref_slice %arg14[%add3A_19, %dma_wait3A_52] : memref<10000x128xf32, #tpu.memory_space<vmem_shared>> -> memref<64x128xf32, #tpu.memory_space<vmem_shared>>
      %dma_wait3A_54 = arith.constant 0 : i32
      %dma_wait3A_55 = tpu.memref_slice %arg14[%add3A_19, %dma_wait3A_54] : memref<10000x128xf32, #tpu.memory_space<vmem_shared>> -> memref<64x128xf32, #tpu.memory_space<vmem_shared>>
      tpu.wait_dma2 semaphore(%run_scoped3A : memref<!tpu.dma_semaphore, #tpu.memory_space<semaphore_mem>>) src(%arg12 : memref<64x128xf32, #tpu.memory_space<vmem>>) dst(%dma_wait3A_55 : memref<64x128xf32, #tpu.memory_space<vmem_shared>>)
      tpu.yield
    }) : () -> ()
    %add3A_20 = arith.constant 384 : i32
    %add3A_21 = arith.addi %mul3A_7, %add3A_20 : i32
    "tpu.region"() ({
      %run_scoped3A = tpu.sem_alloc : memref<!tpu.dma_semaphore, #tpu.memory_space<semaphore_mem>>
      %dma_start3A_48 = arith.constant 0 : i32
      %dma_start3A_49 = tpu.memref_slice %arg14[%add3A_21, %dma_start3A_48] : memref<10000x128xf32, #tpu.memory_space<vmem_shared>> -> memref<64x128xf32, #tpu.memory_space<vmem_shared>>
      %dma_start3A_50 = arith.constant 0 : i32
      %dma_start3A_51 = tpu.memref_slice %arg14[%add3A_21, %dma_start3A_50] : memref<10000x128xf32, #tpu.memory_space<vmem_shared>> -> memref<64x128xf32, #tpu.memory_space<vmem_shared>>
      tpu.enqueue_dma source(%arg12 : memref<64x128xf32, #tpu.memory_space<vmem>>) target(%dma_start3A_51 : memref<64x128xf32, #tpu.memory_space<vmem_shared>>) target_semaphore(%run_scoped3A : memref<!tpu.dma_semaphore, #tpu.memory_space<semaphore_mem>>)
      %dma_wait3A_52 = arith.constant 0 : i32
      %dma_wait3A_53 = tpu.memref_slice %arg14[%add3A_21, %dma_wait3A_52] : memref<10000x128xf32, #tpu.memory_space<vmem_shared>> -> memref<64x128xf32, #tpu.memory_space<vmem_shared>>
      %dma_wait3A_54 = arith.constant 0 : i32
      %dma_wait3A_55 = tpu.memref_slice %arg14[%add3A_21, %dma_wait3A_54] : memref<10000x128xf32, #tpu.memory_space<vmem_shared>> -> memref<64x128xf32, #tpu.memory_space<vmem_shared>>
      tpu.wait_dma2 semaphore(%run_scoped3A : memref<!tpu.dma_semaphore, #tpu.memory_space<semaphore_mem>>) src(%arg12 : memref<64x128xf32, #tpu.memory_space<vmem>>) dst(%dma_wait3A_55 : memref<64x128xf32, #tpu.memory_space<vmem_shared>>)
      tpu.yield
    }) : () -> ()
    %add3A_22 = arith.constant 448 : i32
    %add3A_23 = arith.addi %mul3A_7, %add3A_22 : i32
    "tpu.region"() ({
      %run_scoped3A = tpu.sem_alloc : memref<!tpu.dma_semaphore, #tpu.memory_space<semaphore_mem>>
      %dma_start3A_48 = arith.constant 0 : i32
      %dma_start3A_49 = tpu.memref_slice %arg14[%add3A_23, %dma_start3A_48] : memref<10000x128xf32, #tpu.memory_space<vmem_shared>> -> memref<64x128xf32, #tpu.memory_space<vmem_shared>>
      %dma_start3A_50 = arith.constant 0 : i32
      %dma_start3A_51 = tpu.memref_slice %arg14[%add3A_23, %dma_start3A_50] : memref<10000x128xf32, #tpu.memory_space<vmem_shared>> -> memref<64x128xf32, #tpu.memory_space<vmem_shared>>
      tpu.enqueue_dma source(%arg12 : memref<64x128xf32, #tpu.memory_space<vmem>>) target(%dma_start3A_51 : memref<64x128xf32, #tpu.memory_space<vmem_shared>>) target_semaphore(%run_scoped3A : memref<!tpu.dma_semaphore, #tpu.memory_space<semaphore_mem>>)
      %dma_wait3A_52 = arith.constant 0 : i32
      %dma_wait3A_53 = tpu.memref_slice %arg14[%add3A_23, %dma_wait3A_52] : memref<10000x128xf32, #tpu.memory_space<vmem_shared>> -> memref<64x128xf32, #tpu.memory_space<vmem_shared>>
      %dma_wait3A_54 = arith.constant 0 : i32
      %dma_wait3A_55 = tpu.memref_slice %arg14[%add3A_23, %dma_wait3A_54] : memref<10000x128xf32, #tpu.memory_space<vmem_shared>> -> memref<64x128xf32, #tpu.memory_space<vmem_shared>>
      tpu.wait_dma2 semaphore(%run_scoped3A : memref<!tpu.dma_semaphore, #tpu.memory_space<semaphore_mem>>) src(%arg12 : memref<64x128xf32, #tpu.memory_space<vmem>>) dst(%dma_wait3A_55 : memref<64x128xf32, #tpu.memory_space<vmem_shared>>)
      tpu.yield
    }) : () -> ()
    %add3A_24 = arith.constant 512 : i32
    %add3A_25 = arith.addi %mul3A_7, %add3A_24 : i32
    "tpu.region"() ({
      %run_scoped3A = tpu.sem_alloc : memref<!tpu.dma_semaphore, #tpu.memory_space<semaphore_mem>>
      %dma_start3A_48 = arith.constant 0 : i32
      %dma_start3A_49 = tpu.memref_slice %arg14[%add3A_25, %dma_start3A_48] : memref<10000x128xf32, #tpu.memory_space<vmem_shared>> -> memref<64x128xf32, #tpu.memory_space<vmem_shared>>
      %dma_start3A_50 = arith.constant 0 : i32
      %dma_start3A_51 = tpu.memref_slice %arg14[%add3A_25, %dma_start3A_50] : memref<10000x128xf32, #tpu.memory_space<vmem_shared>> -> memref<64x128xf32, #tpu.memory_space<vmem_shared>>
      tpu.enqueue_dma source(%arg12 : memref<64x128xf32, #tpu.memory_space<vmem>>) target(%dma_start3A_51 : memref<64x128xf32, #tpu.memory_space<vmem_shared>>) target_semaphore(%run_scoped3A : memref<!tpu.dma_semaphore, #tpu.memory_space<semaphore_mem>>)
      %dma_wait3A_52 = arith.constant 0 : i32
      %dma_wait3A_53 = tpu.memref_slice %arg14[%add3A_25, %dma_wait3A_52] : memref<10000x128xf32, #tpu.memory_space<vmem_shared>> -> memref<64x128xf32, #tpu.memory_space<vmem_shared>>
      %dma_wait3A_54 = arith.constant 0 : i32
      %dma_wait3A_55 = tpu.memref_slice %arg14[%add3A_25, %dma_wait3A_54] : memref<10000x128xf32, #tpu.memory_space<vmem_shared>> -> memref<64x128xf32, #tpu.memory_space<vmem_shared>>
      tpu.wait_dma2 semaphore(%run_scoped3A : memref<!tpu.dma_semaphore, #tpu.memory_space<semaphore_mem>>) src(%arg12 : memref<64x128xf32, #tpu.memory_space<vmem>>) dst(%dma_wait3A_55 : memref<64x128xf32, #tpu.memory_space<vmem_shared>>)
      tpu.yield
    }) : () -> ()
    %add3A_26 = arith.constant 576 : i32
    %add3A_27 = arith.addi %mul3A_7, %add3A_26 : i32
    "tpu.region"() ({
      %run_scoped3A = tpu.sem_alloc : memref<!tpu.dma_semaphore, #tpu.memory_space<semaphore_mem>>
      %dma_start3A_48 = arith.constant 0 : i32
      %dma_start3A_49 = arith.constant 0 : i32
      %dma_start3A_50 = tpu.memref_slice %arg12[%dma_start3A_48, %dma_start3A_49] : memref<64x128xf32, #tpu.memory_space<vmem>> -> memref<49x128xf32, #tpu.memory_space<vmem>>
      %dma_start3A_51 = arith.constant 0 : i32
      %dma_start3A_52 = tpu.memref_slice %arg14[%add3A_27, %dma_start3A_51] : memref<10000x128xf32, #tpu.memory_space<vmem_shared>> -> memref<49x128xf32, #tpu.memory_space<vmem_shared>>
      %dma_start3A_53 = arith.constant 0 : i32
      %dma_start3A_54 = tpu.memref_slice %arg14[%add3A_27, %dma_start3A_53] : memref<10000x128xf32, #tpu.memory_space<vmem_shared>> -> memref<49x128xf32, #tpu.memory_space<vmem_shared>>
      %dma_start3A_55 = arith.constant 0 : i32
      %dma_start3A_56 = arith.constant 0 : i32
      %dma_start3A_57 = tpu.memref_slice %arg12[%dma_start3A_55, %dma_start3A_56] : memref<64x128xf32, #tpu.memory_space<vmem>> -> memref<49x128xf32, #tpu.memory_space<vmem>>
      tpu.enqueue_dma source(%dma_start3A_57 : memref<49x128xf32, #tpu.memory_space<vmem>>) target(%dma_start3A_54 : memref<49x128xf32, #tpu.memory_space<vmem_shared>>) target_semaphore(%run_scoped3A : memref<!tpu.dma_semaphore, #tpu.memory_space<semaphore_mem>>)
      %dma_wait3A_58 = arith.constant 0 : i32
      %dma_wait3A_59 = arith.constant 0 : i32
      %dma_wait3A_60 = tpu.memref_slice %arg12[%dma_wait3A_58, %dma_wait3A_59] : memref<64x128xf32, #tpu.memory_space<vmem>> -> memref<49x128xf32, #tpu.memory_space<vmem>>
      %dma_wait3A_61 = arith.constant 0 : i32
      %dma_wait3A_62 = tpu.memref_slice %arg14[%add3A_27, %dma_wait3A_61] : memref<10000x128xf32, #tpu.memory_space<vmem_shared>> -> memref<49x128xf32, #tpu.memory_space<vmem_shared>>
      %dma_wait3A_63 = arith.constant 0 : i32
      %dma_wait3A_64 = tpu.memref_slice %arg14[%add3A_27, %dma_wait3A_63] : memref<10000x128xf32, #tpu.memory_space<vmem_shared>> -> memref<49x128xf32, #tpu.memory_space<vmem_shared>>
      %dma_wait3A_65 = arith.constant 0 : i32
      %dma_wait3A_66 = arith.constant 0 : i32
      %dma_wait3A_67 = tpu.memref_slice %arg12[%dma_wait3A_65, %dma_wait3A_66] : memref<64x128xf32, #tpu.memory_space<vmem>> -> memref<49x128xf32, #tpu.memory_space<vmem>>
      tpu.wait_dma2 semaphore(%run_scoped3A : memref<!tpu.dma_semaphore, #tpu.memory_space<semaphore_mem>>) src(%dma_wait3A_67 : memref<49x128xf32, #tpu.memory_space<vmem>>) dst(%dma_wait3A_64 : memref<49x128xf32, #tpu.memory_space<vmem_shared>>)
      tpu.yield
    }) : () -> ()
    %barrier3A = arith.constant 0 : index
    tpu.barrier barrier_id(%barrier3A)
    %dma_start3A = arith.constant 0 : i32
    %dma_start3A_28 = arith.constant 0 : i32
    %dma_start3A_29 = tpu.memref_slice %arg7[%dma_start3A, %dma_start3A_28] : memref<80x64xi32, #tpu.memory_space<vmem>> -> memref<1x64xi32, #tpu.memory_space<vmem>>
    %dma_start3A_30 = tpu.memref_squeeze %dma_start3A_29 : memref<1x64xi32, #tpu.memory_space<vmem>> -> memref<64xi32, #tpu.memory_space<vmem>>
    %dma_start3A_31 = arith.constant 0 : i32
    %dma_start3A_32 = arith.constant 0 : i32
    %dma_start3A_33 = tpu.memref_slice %arg2[%dma_start3A_31, %dma_start3A_32] : memref<10000x64xf32, #tpu.memory_space<hbm>> -> memref<10000x64xf32, #tpu.memory_space<hbm>>
    tpu.enqueue_indirect_dma source(%dma_start3A_33 : memref<10000x64xf32, #tpu.memory_space<hbm>>) target(%arg10 : memref<64x64xf32, #tpu.memory_space<vmem>>) offsets(%dma_start3A_30 : memref<64xi32, #tpu.memory_space<vmem>>) semaphore(%arg15 : memref<!tpu.dma_semaphore, #tpu.memory_space<semaphore_mem>>)
    %broadcast_in_dim3A = arith.constant -65536 : i32
    %broadcast_in_dim3A_34 = vector.broadcast %broadcast_in_dim3A : i32 to vector<16xi32>
    %scan3A_35 = arith.constant 0 : i32
    %scan3A_36 = arith.constant 0 : i32
    %scan3A_37 = arith.constant 40 : i32
    %scan3A_38 = arith.addi %scan3A_36, %scan3A_37 : i32
    %scan3A_39 = arith.constant 1 : i32
    scf.for %scan3A_48 = %scan3A_36 to %scan3A_38 step %scan3A_39  : i32 {
      %mul3A_49 = arith.constant 2 : i32
      %mul3A_50 = arith.muli %scan3A_48, %mul3A_49 : i32
      %add3A_51 = arith.constant 0 : i32
      %add3A_52 = arith.addi %mul3A_50, %add3A_51 : i32
      %ge3A = arith.constant 1 : i32
      %ge3A_53 = arith.cmpi sge, %add3A_52, %ge3A : i32
      %convert_element_type3A = arith.extui %ge3A_53 : i1 to i32
      %cond3A = arith.constant 0 : i32
      %cond3A_54 = arith.cmpi ne, %convert_element_type3A, %cond3A : i32
      scf.if %cond3A_54 {
        %dma_wait3A_106 = arith.constant 0 : i32
        %dma_wait3A_107 = tpu.memref_slice %arg8[%add3A_52, %dma_wait3A_106] : memref<80x64xi32, #tpu.memory_space<vmem>> -> memref<1x64xi32, #tpu.memory_space<vmem>>
        %dma_wait3A_108 = tpu.memref_squeeze %dma_wait3A_107 : memref<1x64xi32, #tpu.memory_space<vmem>> -> memref<64xi32, #tpu.memory_space<vmem>>
        %dma_wait3A_109 = arith.constant 0 : i32
        %dma_wait3A_110 = arith.constant 0 : i32
        %dma_wait3A_111 = tpu.memref_slice %arg14[%dma_wait3A_109, %dma_wait3A_110] : memref<10000x128xf32, #tpu.memory_space<vmem_shared>> -> memref<10000x128xf32, #tpu.memory_space<vmem_shared>>
        tpu.wait_indirect_dma semaphore(%arg16 : memref<!tpu.dma_semaphore, #tpu.memory_space<semaphore_mem>>) src(%arg13 : memref<64x128xf32, #tpu.memory_space<vmem>>) dst(%dma_wait3A_111 : memref<10000x128xf32, #tpu.memory_space<vmem_shared>>)
      } else {
      }
      %dma_wait3A_55 = arith.constant 0 : i32
      %dma_wait3A_56 = tpu.memref_slice %arg7[%add3A_52, %dma_wait3A_55] : memref<80x64xi32, #tpu.memory_space<vmem>> -> memref<1x64xi32, #tpu.memory_space<vmem>>
      %dma_wait3A_57 = tpu.memref_squeeze %dma_wait3A_56 : memref<1x64xi32, #tpu.memory_space<vmem>> -> memref<64xi32, #tpu.memory_space<vmem>>
      %dma_wait3A_58 = arith.constant 0 : i32
      %dma_wait3A_59 = arith.constant 0 : i32
      %dma_wait3A_60 = tpu.memref_slice %arg2[%dma_wait3A_58, %dma_wait3A_59] : memref<10000x64xf32, #tpu.memory_space<hbm>> -> memref<10000x64xf32, #tpu.memory_space<hbm>>
      tpu.wait_indirect_dma semaphore(%arg15 : memref<!tpu.dma_semaphore, #tpu.memory_space<semaphore_mem>>) src(%dma_wait3A_60 : memref<10000x64xf32, #tpu.memory_space<hbm>>) dst(%arg10 : memref<64x64xf32, #tpu.memory_space<vmem>>)
      %add3A_61 = arith.constant 1 : i32
      %add3A_62 = arith.addi %add3A_52, %add3A_61 : i32
      %lt3A = arith.constant 80 : i32
      %lt3A_63 = arith.cmpi slt, %add3A_62, %lt3A : i32
      %convert_element_type3A_64 = arith.extui %lt3A_63 : i1 to i32
      %cond3A_65 = arith.constant 0 : i32
      %cond3A_66 = arith.cmpi ne, %convert_element_type3A_64, %cond3A_65 : i32
      scf.if %cond3A_66 {
        %add3A_106 = arith.constant 1 : i32
        %add3A_107 = arith.addi %add3A_52, %add3A_106 : i32
        %dma_start3A_108 = arith.constant 0 : i32
        %dma_start3A_109 = tpu.memref_slice %arg7[%add3A_107, %dma_start3A_108] : memref<80x64xi32, #tpu.memory_space<vmem>> -> memref<1x64xi32, #tpu.memory_space<vmem>>
        %dma_start3A_110 = tpu.memref_squeeze %dma_start3A_109 : memref<1x64xi32, #tpu.memory_space<vmem>> -> memref<64xi32, #tpu.memory_space<vmem>>
        %dma_start3A_111 = arith.constant 0 : i32
        %dma_start3A_112 = arith.constant 0 : i32
        %dma_start3A_113 = tpu.memref_slice %arg2[%dma_start3A_111, %dma_start3A_112] : memref<10000x64xf32, #tpu.memory_space<hbm>> -> memref<10000x64xf32, #tpu.memory_space<hbm>>
        tpu.enqueue_indirect_dma source(%dma_start3A_113 : memref<10000x64xf32, #tpu.memory_space<hbm>>) target(%arg11 : memref<64x64xf32, #tpu.memory_space<vmem>>) offsets(%dma_start3A_110 : memref<64xi32, #tpu.memory_space<vmem>>) semaphore(%arg15 : memref<!tpu.dma_semaphore, #tpu.memory_space<semaphore_mem>>)
      } else {
      }
      %parallel_loop3A = arith.constant 0 : i32
      %parallel_loop3A_67 = arith.constant 64 : i32
      %parallel_loop3A_68 = arith.constant 1 : i32
      scf.for %parallel_loop3A_106 = %parallel_loop3A to %parallel_loop3A_67 step %parallel_loop3A_68  : i32 {
        %parallel_loop3A_107 = arith.constant 64 : i32
        %parallel_loop3A_108 = arith.muli %add3A_52, %parallel_loop3A_107 : i32
        %parallel_loop3A_109 = arith.addi %parallel_loop3A_108, %parallel_loop3A_106 : i32
        %parallel_loop3A_110 = vector.broadcast %parallel_loop3A_109 : i32 to vector<16xi32>
        %parallel_loop3A_111 = tpu.vector_load_idx %arg9[%parallel_loop3A_110] : memref<5120xf32, #tpu.memory_space<vmem>>[vector<16xi32>], vector<16xf32>,
        %parallel_loop3A_112 = arith.index_cast %parallel_loop3A_106 : i32 to index
        %parallel_loop3A_113 = arith.constant 0 : index
        %parallel_loop3A_114 = tpu.vector_load %arg10[%parallel_loop3A_112, %parallel_loop3A_113] {strides = array<i32>} : memref<64x64xf32, #tpu.memory_space<vmem>>, vector<16xf32>,
        %parallel_loop3A_115 = vector.bitcast %parallel_loop3A_114 : vector<16xf32> to vector<16xi32>
        %parallel_loop3A_116 = arith.constant 16 : i32
        %parallel_loop3A_117 = vector.broadcast %parallel_loop3A_116 : i32 to vector<16xi32>
        %parallel_loop3A_118 = arith.shli %parallel_loop3A_115, %parallel_loop3A_117 : vector<16xi32>
        %parallel_loop3A_119 = vector.bitcast %parallel_loop3A_118 : vector<16xi32> to vector<16xf32>
        %parallel_loop3A_120 = arith.andi %parallel_loop3A_115, %broadcast_in_dim3A_34 : vector<16xi32>
        %parallel_loop3A_121 = vector.bitcast %parallel_loop3A_120 : vector<16xi32> to vector<16xf32>
        %parallel_loop3A_122 = arith.mulf %parallel_loop3A_119, %parallel_loop3A_111 : vector<16xf32>
        %parallel_loop3A_123 = arith.index_cast %parallel_loop3A_106 : i32 to index
        %parallel_loop3A_124 = arith.constant 0 : index
        %parallel_loop3A_125 = tpu.vector_load %arg12[%parallel_loop3A_123, %parallel_loop3A_124] {strides = array<i32>} : memref<64x128xf32, #tpu.memory_space<vmem>>, vector<16xf32>,
        tpu.vector_store %arg12[%parallel_loop3A_123, %parallel_loop3A_124], %parallel_loop3A_122 {strides = array<i32>} : memref<64x128xf32, #tpu.memory_space<vmem>>, vector<16xf32>,
        %parallel_loop3A_126 = arith.mulf %parallel_loop3A_121, %parallel_loop3A_111 : vector<16xf32>
        %parallel_loop3A_127 = arith.index_cast %parallel_loop3A_106 : i32 to index
        %parallel_loop3A_128 = arith.constant 16 : index
        %parallel_loop3A_129 = tpu.vector_load %arg12[%parallel_loop3A_127, %parallel_loop3A_128] {strides = array<i32>} : memref<64x128xf32, #tpu.memory_space<vmem>>, vector<16xf32>,
        tpu.vector_store %arg12[%parallel_loop3A_127, %parallel_loop3A_128], %parallel_loop3A_126 {strides = array<i32>} : memref<64x128xf32, #tpu.memory_space<vmem>>, vector<16xf32>,
        %parallel_loop3A_130 = arith.index_cast %parallel_loop3A_106 : i32 to index
        %parallel_loop3A_131 = arith.constant 16 : index
        %parallel_loop3A_132 = tpu.vector_load %arg10[%parallel_loop3A_130, %parallel_loop3A_131] {strides = array<i32>} : memref<64x64xf32, #tpu.memory_space<vmem>>, vector<16xf32>,
        %parallel_loop3A_133 = vector.bitcast %parallel_loop3A_132 : vector<16xf32> to vector<16xi32>
        %parallel_loop3A_134 = arith.constant 16 : i32
        %parallel_loop3A_135 = vector.broadcast %parallel_loop3A_134 : i32 to vector<16xi32>
        %parallel_loop3A_136 = arith.shli %parallel_loop3A_133, %parallel_loop3A_135 : vector<16xi32>
        %parallel_loop3A_137 = vector.bitcast %parallel_loop3A_136 : vector<16xi32> to vector<16xf32>
        %parallel_loop3A_138 = arith.andi %parallel_loop3A_133, %broadcast_in_dim3A_34 : vector<16xi32>
        %parallel_loop3A_139 = vector.bitcast %parallel_loop3A_138 : vector<16xi32> to vector<16xf32>
        %parallel_loop3A_140 = arith.mulf %parallel_loop3A_137, %parallel_loop3A_111 : vector<16xf32>
        %parallel_loop3A_141 = arith.index_cast %parallel_loop3A_106 : i32 to index
        %parallel_loop3A_142 = arith.constant 32 : index
        %parallel_loop3A_143 = tpu.vector_load %arg12[%parallel_loop3A_141, %parallel_loop3A_142] {strides = array<i32>} : memref<64x128xf32, #tpu.memory_space<vmem>>, vector<16xf32>,
        tpu.vector_store %arg12[%parallel_loop3A_141, %parallel_loop3A_142], %parallel_loop3A_140 {strides = array<i32>} : memref<64x128xf32, #tpu.memory_space<vmem>>, vector<16xf32>,
        %parallel_loop3A_144 = arith.mulf %parallel_loop3A_139, %parallel_loop3A_111 : vector<16xf32>
        %parallel_loop3A_145 = arith.index_cast %parallel_loop3A_106 : i32 to index
        %parallel_loop3A_146 = arith.constant 48 : index
        %parallel_loop3A_147 = tpu.vector_load %arg12[%parallel_loop3A_145, %parallel_loop3A_146] {strides = array<i32>} : memref<64x128xf32, #tpu.memory_space<vmem>>, vector<16xf32>,
        tpu.vector_store %arg12[%parallel_loop3A_145, %parallel_loop3A_146], %parallel_loop3A_144 {strides = array<i32>} : memref<64x128xf32, #tpu.memory_space<vmem>>, vector<16xf32>,
        %parallel_loop3A_148 = arith.index_cast %parallel_loop3A_106 : i32 to index
        %parallel_loop3A_149 = arith.constant 32 : index
        %parallel_loop3A_150 = tpu.vector_load %arg10[%parallel_loop3A_148, %parallel_loop3A_149] {strides = array<i32>} : memref<64x64xf32, #tpu.memory_space<vmem>>, vector<16xf32>,
        %parallel_loop3A_151 = vector.bitcast %parallel_loop3A_150 : vector<16xf32> to vector<16xi32>
        %parallel_loop3A_152 = arith.constant 16 : i32
        %parallel_loop3A_153 = vector.broadcast %parallel_loop3A_152 : i32 to vector<16xi32>
        %parallel_loop3A_154 = arith.shli %parallel_loop3A_151, %parallel_loop3A_153 : vector<16xi32>
        %parallel_loop3A_155 = vector.bitcast %parallel_loop3A_154 : vector<16xi32> to vector<16xf32>
        %parallel_loop3A_156 = arith.andi %parallel_loop3A_151, %broadcast_in_dim3A_34 : vector<16xi32>
        %parallel_loop3A_157 = vector.bitcast %parallel_loop3A_156 : vector<16xi32> to vector<16xf32>
        %parallel_loop3A_158 = arith.mulf %parallel_loop3A_155, %parallel_loop3A_111 : vector<16xf32>
        %parallel_loop3A_159 = arith.index_cast %parallel_loop3A_106 : i32 to index
        %parallel_loop3A_160 = arith.constant 64 : index
        %parallel_loop3A_161 = tpu.vector_load %arg12[%parallel_loop3A_159, %parallel_loop3A_160] {strides = array<i32>} : memref<64x128xf32, #tpu.memory_space<vmem>>, vector<16xf32>,
        tpu.vector_store %arg12[%parallel_loop3A_159, %parallel_loop3A_160], %parallel_loop3A_158 {strides = array<i32>} : memref<64x128xf32, #tpu.memory_space<vmem>>, vector<16xf32>,
        %parallel_loop3A_162 = arith.mulf %parallel_loop3A_157, %parallel_loop3A_111 : vector<16xf32>
        %parallel_loop3A_163 = arith.index_cast %parallel_loop3A_106 : i32 to index
        %parallel_loop3A_164 = arith.constant 80 : index
        %parallel_loop3A_165 = tpu.vector_load %arg12[%parallel_loop3A_163, %parallel_loop3A_164] {strides = array<i32>} : memref<64x128xf32, #tpu.memory_space<vmem>>, vector<16xf32>,
        tpu.vector_store %arg12[%parallel_loop3A_163, %parallel_loop3A_164], %parallel_loop3A_162 {strides = array<i32>} : memref<64x128xf32, #tpu.memory_space<vmem>>, vector<16xf32>,
        %parallel_loop3A_166 = arith.index_cast %parallel_loop3A_106 : i32 to index
        %parallel_loop3A_167 = arith.constant 48 : index
        %parallel_loop3A_168 = tpu.vector_load %arg10[%parallel_loop3A_166, %parallel_loop3A_167] {strides = array<i32>} : memref<64x64xf32, #tpu.memory_space<vmem>>, vector<16xf32>,
        %parallel_loop3A_169 = vector.bitcast %parallel_loop3A_168 : vector<16xf32> to vector<16xi32>
        %parallel_loop3A_170 = arith.constant 16 : i32
        %parallel_loop3A_171 = vector.broadcast %parallel_loop3A_170 : i32 to vector<16xi32>
        %parallel_loop3A_172 = arith.shli %parallel_loop3A_169, %parallel_loop3A_171 : vector<16xi32>
        %parallel_loop3A_173 = vector.bitcast %parallel_loop3A_172 : vector<16xi32> to vector<16xf32>
        %parallel_loop3A_174 = arith.andi %parallel_loop3A_169, %broadcast_in_dim3A_34 : vector<16xi32>
        %parallel_loop3A_175 = vector.bitcast %parallel_loop3A_174 : vector<16xi32> to vector<16xf32>
        %parallel_loop3A_176 = arith.mulf %parallel_loop3A_173, %parallel_loop3A_111 : vector<16xf32>
        %parallel_loop3A_177 = arith.index_cast %parallel_loop3A_106 : i32 to index
        %parallel_loop3A_178 = arith.constant 96 : index
        %parallel_loop3A_179 = tpu.vector_load %arg12[%parallel_loop3A_177, %parallel_loop3A_178] {strides = array<i32>} : memref<64x128xf32, #tpu.memory_space<vmem>>, vector<16xf32>,
        tpu.vector_store %arg12[%parallel_loop3A_177, %parallel_loop3A_178], %parallel_loop3A_176 {strides = array<i32>} : memref<64x128xf32, #tpu.memory_space<vmem>>, vector<16xf32>,
        %parallel_loop3A_180 = arith.mulf %parallel_loop3A_175, %parallel_loop3A_111 : vector<16xf32>
        %parallel_loop3A_181 = arith.index_cast %parallel_loop3A_106 : i32 to index
        %parallel_loop3A_182 = arith.constant 112 : index
        %parallel_loop3A_183 = tpu.vector_load %arg12[%parallel_loop3A_181, %parallel_loop3A_182] {strides = array<i32>} : memref<64x128xf32, #tpu.memory_space<vmem>>, vector<16xf32>,
        tpu.vector_store %arg12[%parallel_loop3A_181, %parallel_loop3A_182], %parallel_loop3A_180 {strides = array<i32>} : memref<64x128xf32, #tpu.memory_space<vmem>>, vector<16xf32>,
      } {sc.loop_unroll_factor = 2 : i64, sc.parallel_access}
      %dma_start3A_69 = arith.constant 0 : i32
      %dma_start3A_70 = tpu.memref_slice %arg8[%add3A_52, %dma_start3A_69] : memref<80x64xi32, #tpu.memory_space<vmem>> -> memref<1x64xi32, #tpu.memory_space<vmem>>
      %dma_start3A_71 = tpu.memref_squeeze %dma_start3A_70 : memref<1x64xi32, #tpu.memory_space<vmem>> -> memref<64xi32, #tpu.memory_space<vmem>>
      %dma_start3A_72 = arith.constant 0 : i32
      %dma_start3A_73 = arith.constant 0 : i32
      %dma_start3A_74 = tpu.memref_slice %arg14[%dma_start3A_72, %dma_start3A_73] : memref<10000x128xf32, #tpu.memory_space<vmem_shared>> -> memref<10000x128xf32, #tpu.memory_space<vmem_shared>>
      tpu.enqueue_indirect_dma source(%arg12 : memref<64x128xf32, #tpu.memory_space<vmem>>) target(%dma_start3A_74 : memref<10000x128xf32, #tpu.memory_space<vmem_shared>>) offsets(%dma_start3A_71 : memref<64xi32, #tpu.memory_space<vmem>>) semaphore(%arg16 : memref<!tpu.dma_semaphore, #tpu.memory_space<semaphore_mem>>) {add = true}
      %mul3A_75 = arith.constant 2 : i32
      %mul3A_76 = arith.muli %scan3A_48, %mul3A_75 : i32
      %add3A_77 = arith.constant 1 : i32
      %add3A_78 = arith.addi %mul3A_76, %add3A_77 : i32
      %ge3A_79 = arith.constant 1 : i32
      %ge3A_80 = arith.cmpi sge, %add3A_78, %ge3A_79 : i32
      %convert_element_type3A_81 = arith.extui %ge3A_80 : i1 to i32
      %cond3A_82 = arith.constant 0 : i32
      %cond3A_83 = arith.cmpi ne, %convert_element_type3A_81, %cond3A_82 : i32
      scf.if %cond3A_83 {
        %dma_wait3A_106 = arith.constant 0 : i32
        %dma_wait3A_107 = tpu.memref_slice %arg8[%add3A_78, %dma_wait3A_106] : memref<80x64xi32, #tpu.memory_space<vmem>> -> memref<1x64xi32, #tpu.memory_space<vmem>>
        %dma_wait3A_108 = tpu.memref_squeeze %dma_wait3A_107 : memref<1x64xi32, #tpu.memory_space<vmem>> -> memref<64xi32, #tpu.memory_space<vmem>>
        %dma_wait3A_109 = arith.constant 0 : i32
        %dma_wait3A_110 = arith.constant 0 : i32
        %dma_wait3A_111 = tpu.memref_slice %arg14[%dma_wait3A_109, %dma_wait3A_110] : memref<10000x128xf32, #tpu.memory_space<vmem_shared>> -> memref<10000x128xf32, #tpu.memory_space<vmem_shared>>
        tpu.wait_indirect_dma semaphore(%arg16 : memref<!tpu.dma_semaphore, #tpu.memory_space<semaphore_mem>>) src(%arg12 : memref<64x128xf32, #tpu.memory_space<vmem>>) dst(%dma_wait3A_111 : memref<10000x128xf32, #tpu.memory_space<vmem_shared>>)
      } else {
      }
      %dma_wait3A_84 = arith.constant 0 : i32
      %dma_wait3A_85 = tpu.memref_slice %arg7[%add3A_78, %dma_wait3A_84] : memref<80x64xi32, #tpu.memory_space<vmem>> -> memref<1x64xi32, #tpu.memory_space<vmem>>
      %dma_wait3A_86 = tpu.memref_squeeze %dma_wait3A_85 : memref<1x64xi32, #tpu.memory_space<vmem>> -> memref<64xi32, #tpu.memory_space<vmem>>
      %dma_wait3A_87 = arith.constant 0 : i32
      %dma_wait3A_88 = arith.constant 0 : i32
      %dma_wait3A_89 = tpu.memref_slice %arg2[%dma_wait3A_87, %dma_wait3A_88] : memref<10000x64xf32, #tpu.memory_space<hbm>> -> memref<10000x64xf32, #tpu.memory_space<hbm>>
      tpu.wait_indirect_dma semaphore(%arg15 : memref<!tpu.dma_semaphore, #tpu.memory_space<semaphore_mem>>) src(%dma_wait3A_89 : memref<10000x64xf32, #tpu.memory_space<hbm>>) dst(%arg11 : memref<64x64xf32, #tpu.memory_space<vmem>>)
      %add3A_90 = arith.constant 1 : i32
      %add3A_91 = arith.addi %add3A_78, %add3A_90 : i32
      %lt3A_92 = arith.constant 80 : i32
      %lt3A_93 = arith.cmpi slt, %add3A_91, %lt3A_92 : i32
      %convert_element_type3A_94 = arith.extui %lt3A_93 : i1 to i32
      %cond3A_95 = arith.constant 0 : i32
      %cond3A_96 = arith.cmpi ne, %convert_element_type3A_94, %cond3A_95 : i32
      scf.if %cond3A_96 {
        %add3A_106 = arith.constant 1 : i32
        %add3A_107 = arith.addi %add3A_78, %add3A_106 : i32
        %dma_start3A_108 = arith.constant 0 : i32
        %dma_start3A_109 = tpu.memref_slice %arg7[%add3A_107, %dma_start3A_108] : memref<80x64xi32, #tpu.memory_space<vmem>> -> memref<1x64xi32, #tpu.memory_space<vmem>>
        %dma_start3A_110 = tpu.memref_squeeze %dma_start3A_109 : memref<1x64xi32, #tpu.memory_space<vmem>> -> memref<64xi32, #tpu.memory_space<vmem>>
        %dma_start3A_111 = arith.constant 0 : i32
        %dma_start3A_112 = arith.constant 0 : i32
        %dma_start3A_113 = tpu.memref_slice %arg2[%dma_start3A_111, %dma_start3A_112] : memref<10000x64xf32, #tpu.memory_space<hbm>> -> memref<10000x64xf32, #tpu.memory_space<hbm>>
        tpu.enqueue_indirect_dma source(%dma_start3A_113 : memref<10000x64xf32, #tpu.memory_space<hbm>>) target(%arg10 : memref<64x64xf32, #tpu.memory_space<vmem>>) offsets(%dma_start3A_110 : memref<64xi32, #tpu.memory_space<vmem>>) semaphore(%arg15 : memref<!tpu.dma_semaphore, #tpu.memory_space<semaphore_mem>>)
      } else {
      }
      %parallel_loop3A_97 = arith.constant 0 : i32
      %parallel_loop3A_98 = arith.constant 64 : i32
      %parallel_loop3A_99 = arith.constant 1 : i32
      scf.for %parallel_loop3A_106 = %parallel_loop3A_97 to %parallel_loop3A_98 step %parallel_loop3A_99  : i32 {
        %parallel_loop3A_107 = arith.constant 64 : i32
        %parallel_loop3A_108 = arith.muli %add3A_78, %parallel_loop3A_107 : i32
        %parallel_loop3A_109 = arith.addi %parallel_loop3A_108, %parallel_loop3A_106 : i32
        %parallel_loop3A_110 = vector.broadcast %parallel_loop3A_109 : i32 to vector<16xi32>
        %parallel_loop3A_111 = tpu.vector_load_idx %arg9[%parallel_loop3A_110] : memref<5120xf32, #tpu.memory_space<vmem>>[vector<16xi32>], vector<16xf32>,
        %parallel_loop3A_112 = arith.index_cast %parallel_loop3A_106 : i32 to index
        %parallel_loop3A_113 = arith.constant 0 : index
        %parallel_loop3A_114 = tpu.vector_load %arg11[%parallel_loop3A_112, %parallel_loop3A_113] {strides = array<i32>} : memref<64x64xf32, #tpu.memory_space<vmem>>, vector<16xf32>,
        %parallel_loop3A_115 = vector.bitcast %parallel_loop3A_114 : vector<16xf32> to vector<16xi32>
        %parallel_loop3A_116 = arith.constant 16 : i32
        %parallel_loop3A_117 = vector.broadcast %parallel_loop3A_116 : i32 to vector<16xi32>
        %parallel_loop3A_118 = arith.shli %parallel_loop3A_115, %parallel_loop3A_117 : vector<16xi32>
        %parallel_loop3A_119 = vector.bitcast %parallel_loop3A_118 : vector<16xi32> to vector<16xf32>
        %parallel_loop3A_120 = arith.andi %parallel_loop3A_115, %broadcast_in_dim3A_34 : vector<16xi32>
        %parallel_loop3A_121 = vector.bitcast %parallel_loop3A_120 : vector<16xi32> to vector<16xf32>
        %parallel_loop3A_122 = arith.mulf %parallel_loop3A_119, %parallel_loop3A_111 : vector<16xf32>
        %parallel_loop3A_123 = arith.index_cast %parallel_loop3A_106 : i32 to index
        %parallel_loop3A_124 = arith.constant 0 : index
        %parallel_loop3A_125 = tpu.vector_load %arg13[%parallel_loop3A_123, %parallel_loop3A_124] {strides = array<i32>} : memref<64x128xf32, #tpu.memory_space<vmem>>, vector<16xf32>,
        tpu.vector_store %arg13[%parallel_loop3A_123, %parallel_loop3A_124], %parallel_loop3A_122 {strides = array<i32>} : memref<64x128xf32, #tpu.memory_space<vmem>>, vector<16xf32>,
        %parallel_loop3A_126 = arith.mulf %parallel_loop3A_121, %parallel_loop3A_111 : vector<16xf32>
        %parallel_loop3A_127 = arith.index_cast %parallel_loop3A_106 : i32 to index
        %parallel_loop3A_128 = arith.constant 16 : index
        %parallel_loop3A_129 = tpu.vector_load %arg13[%parallel_loop3A_127, %parallel_loop3A_128] {strides = array<i32>} : memref<64x128xf32, #tpu.memory_space<vmem>>, vector<16xf32>,
        tpu.vector_store %arg13[%parallel_loop3A_127, %parallel_loop3A_128], %parallel_loop3A_126 {strides = array<i32>} : memref<64x128xf32, #tpu.memory_space<vmem>>, vector<16xf32>,
        %parallel_loop3A_130 = arith.index_cast %parallel_loop3A_106 : i32 to index
        %parallel_loop3A_131 = arith.constant 16 : index
        %parallel_loop3A_132 = tpu.vector_load %arg11[%parallel_loop3A_130, %parallel_loop3A_131] {strides = array<i32>} : memref<64x64xf32, #tpu.memory_space<vmem>>, vector<16xf32>,
        %parallel_loop3A_133 = vector.bitcast %parallel_loop3A_132 : vector<16xf32> to vector<16xi32>
        %parallel_loop3A_134 = arith.constant 16 : i32
        %parallel_loop3A_135 = vector.broadcast %parallel_loop3A_134 : i32 to vector<16xi32>
        %parallel_loop3A_136 = arith.shli %parallel_loop3A_133, %parallel_loop3A_135 : vector<16xi32>
        %parallel_loop3A_137 = vector.bitcast %parallel_loop3A_136 : vector<16xi32> to vector<16xf32>
        %parallel_loop3A_138 = arith.andi %parallel_loop3A_133, %broadcast_in_dim3A_34 : vector<16xi32>
        %parallel_loop3A_139 = vector.bitcast %parallel_loop3A_138 : vector<16xi32> to vector<16xf32>
        %parallel_loop3A_140 = arith.mulf %parallel_loop3A_137, %parallel_loop3A_111 : vector<16xf32>
        %parallel_loop3A_141 = arith.index_cast %parallel_loop3A_106 : i32 to index
        %parallel_loop3A_142 = arith.constant 32 : index
        %parallel_loop3A_143 = tpu.vector_load %arg13[%parallel_loop3A_141, %parallel_loop3A_142] {strides = array<i32>} : memref<64x128xf32, #tpu.memory_space<vmem>>, vector<16xf32>,
        tpu.vector_store %arg13[%parallel_loop3A_141, %parallel_loop3A_142], %parallel_loop3A_140 {strides = array<i32>} : memref<64x128xf32, #tpu.memory_space<vmem>>, vector<16xf32>,
        %parallel_loop3A_144 = arith.mulf %parallel_loop3A_139, %parallel_loop3A_111 : vector<16xf32>
        %parallel_loop3A_145 = arith.index_cast %parallel_loop3A_106 : i32 to index
        %parallel_loop3A_146 = arith.constant 48 : index
        %parallel_loop3A_147 = tpu.vector_load %arg13[%parallel_loop3A_145, %parallel_loop3A_146] {strides = array<i32>} : memref<64x128xf32, #tpu.memory_space<vmem>>, vector<16xf32>,
        tpu.vector_store %arg13[%parallel_loop3A_145, %parallel_loop3A_146], %parallel_loop3A_144 {strides = array<i32>} : memref<64x128xf32, #tpu.memory_space<vmem>>, vector<16xf32>,
        %parallel_loop3A_148 = arith.index_cast %parallel_loop3A_106 : i32 to index
        %parallel_loop3A_149 = arith.constant 32 : index
        %parallel_loop3A_150 = tpu.vector_load %arg11[%parallel_loop3A_148, %parallel_loop3A_149] {strides = array<i32>} : memref<64x64xf32, #tpu.memory_space<vmem>>, vector<16xf32>,
        %parallel_loop3A_151 = vector.bitcast %parallel_loop3A_150 : vector<16xf32> to vector<16xi32>
        %parallel_loop3A_152 = arith.constant 16 : i32
        %parallel_loop3A_153 = vector.broadcast %parallel_loop3A_152 : i32 to vector<16xi32>
        %parallel_loop3A_154 = arith.shli %parallel_loop3A_151, %parallel_loop3A_153 : vector<16xi32>
        %parallel_loop3A_155 = vector.bitcast %parallel_loop3A_154 : vector<16xi32> to vector<16xf32>
        %parallel_loop3A_156 = arith.andi %parallel_loop3A_151, %broadcast_in_dim3A_34 : vector<16xi32>
        %parallel_loop3A_157 = vector.bitcast %parallel_loop3A_156 : vector<16xi32> to vector<16xf32>
        %parallel_loop3A_158 = arith.mulf %parallel_loop3A_155, %parallel_loop3A_111 : vector<16xf32>
        %parallel_loop3A_159 = arith.index_cast %parallel_loop3A_106 : i32 to index
        %parallel_loop3A_160 = arith.constant 64 : index
        %parallel_loop3A_161 = tpu.vector_load %arg13[%parallel_loop3A_159, %parallel_loop3A_160] {strides = array<i32>} : memref<64x128xf32, #tpu.memory_space<vmem>>, vector<16xf32>,
        tpu.vector_store %arg13[%parallel_loop3A_159, %parallel_loop3A_160], %parallel_loop3A_158 {strides = array<i32>} : memref<64x128xf32, #tpu.memory_space<vmem>>, vector<16xf32>,
        %parallel_loop3A_162 = arith.mulf %parallel_loop3A_157, %parallel_loop3A_111 : vector<16xf32>
        %parallel_loop3A_163 = arith.index_cast %parallel_loop3A_106 : i32 to index
        %parallel_loop3A_164 = arith.constant 80 : index
        %parallel_loop3A_165 = tpu.vector_load %arg13[%parallel_loop3A_163, %parallel_loop3A_164] {strides = array<i32>} : memref<64x128xf32, #tpu.memory_space<vmem>>, vector<16xf32>,
        tpu.vector_store %arg13[%parallel_loop3A_163, %parallel_loop3A_164], %parallel_loop3A_162 {strides = array<i32>} : memref<64x128xf32, #tpu.memory_space<vmem>>, vector<16xf32>,
        %parallel_loop3A_166 = arith.index_cast %parallel_loop3A_106 : i32 to index
        %parallel_loop3A_167 = arith.constant 48 : index
        %parallel_loop3A_168 = tpu.vector_load %arg11[%parallel_loop3A_166, %parallel_loop3A_167] {strides = array<i32>} : memref<64x64xf32, #tpu.memory_space<vmem>>, vector<16xf32>,
        %parallel_loop3A_169 = vector.bitcast %parallel_loop3A_168 : vector<16xf32> to vector<16xi32>
        %parallel_loop3A_170 = arith.constant 16 : i32
        %parallel_loop3A_171 = vector.broadcast %parallel_loop3A_170 : i32 to vector<16xi32>
        %parallel_loop3A_172 = arith.shli %parallel_loop3A_169, %parallel_loop3A_171 : vector<16xi32>
        %parallel_loop3A_173 = vector.bitcast %parallel_loop3A_172 : vector<16xi32> to vector<16xf32>
        %parallel_loop3A_174 = arith.andi %parallel_loop3A_169, %broadcast_in_dim3A_34 : vector<16xi32>
        %parallel_loop3A_175 = vector.bitcast %parallel_loop3A_174 : vector<16xi32> to vector<16xf32>
        %parallel_loop3A_176 = arith.mulf %parallel_loop3A_173, %parallel_loop3A_111 : vector<16xf32>
        %parallel_loop3A_177 = arith.index_cast %parallel_loop3A_106 : i32 to index
        %parallel_loop3A_178 = arith.constant 96 : index
        %parallel_loop3A_179 = tpu.vector_load %arg13[%parallel_loop3A_177, %parallel_loop3A_178] {strides = array<i32>} : memref<64x128xf32, #tpu.memory_space<vmem>>, vector<16xf32>,
        tpu.vector_store %arg13[%parallel_loop3A_177, %parallel_loop3A_178], %parallel_loop3A_176 {strides = array<i32>} : memref<64x128xf32, #tpu.memory_space<vmem>>, vector<16xf32>,
        %parallel_loop3A_180 = arith.mulf %parallel_loop3A_175, %parallel_loop3A_111 : vector<16xf32>
        %parallel_loop3A_181 = arith.index_cast %parallel_loop3A_106 : i32 to index
        %parallel_loop3A_182 = arith.constant 112 : index
        %parallel_loop3A_183 = tpu.vector_load %arg13[%parallel_loop3A_181, %parallel_loop3A_182] {strides = array<i32>} : memref<64x128xf32, #tpu.memory_space<vmem>>, vector<16xf32>,
        tpu.vector_store %arg13[%parallel_loop3A_181, %parallel_loop3A_182], %parallel_loop3A_180 {strides = array<i32>} : memref<64x128xf32, #tpu.memory_space<vmem>>, vector<16xf32>,
      } {sc.loop_unroll_factor = 2 : i64, sc.parallel_access}
      %dma_start3A_100 = arith.constant 0 : i32
      %dma_start3A_101 = tpu.memref_slice %arg8[%add3A_78, %dma_start3A_100] : memref<80x64xi32, #tpu.memory_space<vmem>> -> memref<1x64xi32, #tpu.memory_space<vmem>>
      %dma_start3A_102 = tpu.memref_squeeze %dma_start3A_101 : memref<1x64xi32, #tpu.memory_space<vmem>> -> memref<64xi32, #tpu.memory_space<vmem>>
      %dma_start3A_103 = arith.constant 0 : i32
      %dma_start3A_104 = arith.constant 0 : i32
      %dma_start3A_105 = tpu.memref_slice %arg14[%dma_start3A_103, %dma_start3A_104] : memref<10000x128xf32, #tpu.memory_space<vmem_shared>> -> memref<10000x128xf32, #tpu.memory_space<vmem_shared>>
      tpu.enqueue_indirect_dma source(%arg13 : memref<64x128xf32, #tpu.memory_space<vmem>>) target(%dma_start3A_105 : memref<10000x128xf32, #tpu.memory_space<vmem_shared>>) offsets(%dma_start3A_102 : memref<64xi32, #tpu.memory_space<vmem>>) semaphore(%arg16 : memref<!tpu.dma_semaphore, #tpu.memory_space<semaphore_mem>>) {add = true}
    }
    %scan3A_40 = arith.constant 40 : i32
    %dma_wait3A = arith.constant 0 : i32
    %dma_wait3A_41 = arith.constant 0 : i32
    %dma_wait3A_42 = tpu.memref_slice %arg8[%dma_wait3A, %dma_wait3A_41] : memref<80x64xi32, #tpu.memory_space<vmem>> -> memref<1x64xi32, #tpu.memory_space<vmem>>
    %dma_wait3A_43 = tpu.memref_squeeze %dma_wait3A_42 : memref<1x64xi32, #tpu.memory_space<vmem>> -> memref<64xi32, #tpu.memory_space<vmem>>
    %dma_wait3A_44 = arith.constant 0 : i32
    %dma_wait3A_45 = arith.constant 0 : i32
    %dma_wait3A_46 = tpu.memref_slice %arg14[%dma_wait3A_44, %dma_wait3A_45] : memref<10000x128xf32, #tpu.memory_space<vmem_shared>> -> memref<10000x128xf32, #tpu.memory_space<vmem_shared>>
    tpu.wait_indirect_dma semaphore(%arg16 : memref<!tpu.dma_semaphore, #tpu.memory_space<semaphore_mem>>) src(%arg12 : memref<64x128xf32, #tpu.memory_space<vmem>>) dst(%dma_wait3A_46 : memref<10000x128xf32, #tpu.memory_space<vmem_shared>>)
    %barrier3A_47 = arith.constant 0 : index
    tpu.barrier barrier_id(%barrier3A_47)
    "tpu.region"() ({
      %run_scoped3A = tpu.sem_alloc : memref<!tpu.dma_semaphore, #tpu.memory_space<semaphore_mem>>
      %dma_start3A_48 = arith.constant 0 : i32
      %dma_start3A_49 = arith.constant 0 : i32
      %dma_start3A_50 = tpu.memref_slice %arg6[%arg0, %arg1, %dma_start3A_48, %dma_start3A_49] : memref<2x16x625x128xf32, #tpu.memory_space<hbm>> -> memref<1x1x625x128xf32, #tpu.memory_space<hbm>>
      %dma_start3A_51 = tpu.memref_squeeze %dma_start3A_50 : memref<1x1x625x128xf32, #tpu.memory_space<hbm>> -> memref<625x128xf32, #tpu.memory_space<hbm>>
      %dma_start3A_52 = arith.constant 0 : i32
      %dma_start3A_53 = tpu.memref_slice %arg14[%mul3A_7, %dma_start3A_52] : memref<10000x128xf32, #tpu.memory_space<vmem_shared>> -> memref<625x128xf32, #tpu.memory_space<vmem_shared>>
      tpu.enqueue_dma source(%dma_start3A_53 : memref<625x128xf32, #tpu.memory_space<vmem_shared>>) target(%dma_start3A_51 : memref<625x128xf32, #tpu.memory_space<hbm>>) target_semaphore(%run_scoped3A : memref<!tpu.dma_semaphore, #tpu.memory_space<semaphore_mem>>)
      %dma_wait3A_54 = arith.constant 0 : i32
      %dma_wait3A_55 = arith.constant 0 : i32
      %dma_wait3A_56 = tpu.memref_slice %arg6[%arg0, %arg1, %dma_wait3A_54, %dma_wait3A_55] : memref<2x16x625x128xf32, #tpu.memory_space<hbm>> -> memref<1x1x625x128xf32, #tpu.memory_space<hbm>>
      %dma_wait3A_57 = tpu.memref_squeeze %dma_wait3A_56 : memref<1x1x625x128xf32, #tpu.memory_space<hbm>> -> memref<625x128xf32, #tpu.memory_space<hbm>>
      %dma_wait3A_58 = arith.constant 0 : i32
      %dma_wait3A_59 = tpu.memref_slice %arg14[%mul3A_7, %dma_wait3A_58] : memref<10000x128xf32, #tpu.memory_space<vmem_shared>> -> memref<625x128xf32, #tpu.memory_space<vmem_shared>>
      tpu.wait_dma2 semaphore(%run_scoped3A : memref<!tpu.dma_semaphore, #tpu.memory_space<semaphore_mem>>) src(%dma_wait3A_59 : memref<625x128xf32, #tpu.memory_space<vmem_shared>>) dst(%dma_wait3A_57 : memref<625x128xf32, #tpu.memory_space<hbm>>)
      tpu.yield
    }) : () -> ()
    return
  }
}

#map = affine_map<(d0, d1) -> (0, 0, 0)>
#map1 = affine_map<(d0, d1) -> (0, 0)>
#map2 = affine_map<(d0, d1) -> (0, 0, 0, 0)>
module attributes {stable_mosaic.version = 14 : i64} {
  func.func @_deg_kernel(%arg0: i32, %arg1: i32, %arg2: memref<32x80x64xi32, #tpu.memory_space<hbm>>, %arg3: memref<32x5120xf32, #tpu.memory_space<hbm>>, %arg4: memref<2x16x625x16xf32, #tpu.memory_space<hbm>>, %arg5: memref<80x64xi32, #tpu.memory_space<vmem>>, %arg6: memref<5120xf32, #tpu.memory_space<vmem>>, %arg7: memref<64x16xf32, #tpu.memory_space<vmem>>, %arg8: memref<10000x16xf32, #tpu.memory_space<vmem_shared>>) attributes {dimension_semantics = [#tpu.dimension_semantics<core_parallel>, #tpu.dimension_semantics<subcore_parallel>], iteration_bounds = array<i64: 2, 16>, scalar_prefetch = 0 : i64, scratch_operands = 4 : i64, tpu.core_type = #tpu.core_type<sc_vector_subcore>, window_params = [{transform_indices = #map}, {transform_indices = #map1}, {transform_indices = #map2}]} {
    %mul3A = arith.constant 16 : i32
    %mul3A_0 = arith.muli %arg0, %mul3A : i32
    %add3A = arith.addi %mul3A_0, %arg1 : i32
    "tpu.region"() ({
      %run_scoped3A = tpu.sem_alloc : memref<!tpu.dma_semaphore, #tpu.memory_space<semaphore_mem>>
      %dma_start3A = arith.constant 0 : i32
      %dma_start3A_35 = arith.constant 0 : i32
      %dma_start3A_36 = tpu.memref_slice %arg2[%add3A, %dma_start3A, %dma_start3A_35] : memref<32x80x64xi32, #tpu.memory_space<hbm>> -> memref<1x80x64xi32, #tpu.memory_space<hbm>>
      %dma_start3A_37 = tpu.memref_squeeze %dma_start3A_36 : memref<1x80x64xi32, #tpu.memory_space<hbm>> -> memref<80x64xi32, #tpu.memory_space<hbm>>
      %dma_start3A_38 = arith.constant 0 : i32
      %dma_start3A_39 = arith.constant 0 : i32
      %dma_start3A_40 = tpu.memref_slice %arg2[%add3A, %dma_start3A_38, %dma_start3A_39] : memref<32x80x64xi32, #tpu.memory_space<hbm>> -> memref<1x80x64xi32, #tpu.memory_space<hbm>>
      %dma_start3A_41 = tpu.memref_squeeze %dma_start3A_40 : memref<1x80x64xi32, #tpu.memory_space<hbm>> -> memref<80x64xi32, #tpu.memory_space<hbm>>
      tpu.enqueue_dma source(%dma_start3A_41 : memref<80x64xi32, #tpu.memory_space<hbm>>) target(%arg5 : memref<80x64xi32, #tpu.memory_space<vmem>>) target_semaphore(%run_scoped3A : memref<!tpu.dma_semaphore, #tpu.memory_space<semaphore_mem>>)
      %dma_wait3A = arith.constant 0 : i32
      %dma_wait3A_42 = arith.constant 0 : i32
      %dma_wait3A_43 = tpu.memref_slice %arg2[%add3A, %dma_wait3A, %dma_wait3A_42] : memref<32x80x64xi32, #tpu.memory_space<hbm>> -> memref<1x80x64xi32, #tpu.memory_space<hbm>>
      %dma_wait3A_44 = tpu.memref_squeeze %dma_wait3A_43 : memref<1x80x64xi32, #tpu.memory_space<hbm>> -> memref<80x64xi32, #tpu.memory_space<hbm>>
      %dma_wait3A_45 = arith.constant 0 : i32
      %dma_wait3A_46 = arith.constant 0 : i32
      %dma_wait3A_47 = tpu.memref_slice %arg2[%add3A, %dma_wait3A_45, %dma_wait3A_46] : memref<32x80x64xi32, #tpu.memory_space<hbm>> -> memref<1x80x64xi32, #tpu.memory_space<hbm>>
      %dma_wait3A_48 = tpu.memref_squeeze %dma_wait3A_47 : memref<1x80x64xi32, #tpu.memory_space<hbm>> -> memref<80x64xi32, #tpu.memory_space<hbm>>
      tpu.wait_dma2 semaphore(%run_scoped3A : memref<!tpu.dma_semaphore, #tpu.memory_space<semaphore_mem>>) src(%dma_wait3A_48 : memref<80x64xi32, #tpu.memory_space<hbm>>) dst(%arg5 : memref<80x64xi32, #tpu.memory_space<vmem>>)
      tpu.yield
    }) : () -> ()
    "tpu.region"() ({
      %run_scoped3A = tpu.sem_alloc : memref<!tpu.dma_semaphore, #tpu.memory_space<semaphore_mem>>
      %dma_start3A = arith.constant 0 : i32
      %dma_start3A_35 = tpu.memref_slice %arg3[%add3A, %dma_start3A] : memref<32x5120xf32, #tpu.memory_space<hbm>> -> memref<1x5120xf32, #tpu.memory_space<hbm>>
      %dma_start3A_36 = tpu.memref_squeeze %dma_start3A_35 : memref<1x5120xf32, #tpu.memory_space<hbm>> -> memref<5120xf32, #tpu.memory_space<hbm>>
      %dma_start3A_37 = arith.constant 0 : i32
      %dma_start3A_38 = tpu.memref_slice %arg3[%add3A, %dma_start3A_37] : memref<32x5120xf32, #tpu.memory_space<hbm>> -> memref<1x5120xf32, #tpu.memory_space<hbm>>
      %dma_start3A_39 = tpu.memref_squeeze %dma_start3A_38 : memref<1x5120xf32, #tpu.memory_space<hbm>> -> memref<5120xf32, #tpu.memory_space<hbm>>
      tpu.enqueue_dma source(%dma_start3A_39 : memref<5120xf32, #tpu.memory_space<hbm>>) target(%arg6 : memref<5120xf32, #tpu.memory_space<vmem>>) target_semaphore(%run_scoped3A : memref<!tpu.dma_semaphore, #tpu.memory_space<semaphore_mem>>)
      %dma_wait3A = arith.constant 0 : i32
      %dma_wait3A_40 = tpu.memref_slice %arg3[%add3A, %dma_wait3A] : memref<32x5120xf32, #tpu.memory_space<hbm>> -> memref<1x5120xf32, #tpu.memory_space<hbm>>
      %dma_wait3A_41 = tpu.memref_squeeze %dma_wait3A_40 : memref<1x5120xf32, #tpu.memory_space<hbm>> -> memref<5120xf32, #tpu.memory_space<hbm>>
      %dma_wait3A_42 = arith.constant 0 : i32
      %dma_wait3A_43 = tpu.memref_slice %arg3[%add3A, %dma_wait3A_42] : memref<32x5120xf32, #tpu.memory_space<hbm>> -> memref<1x5120xf32, #tpu.memory_space<hbm>>
      %dma_wait3A_44 = tpu.memref_squeeze %dma_wait3A_43 : memref<1x5120xf32, #tpu.memory_space<hbm>> -> memref<5120xf32, #tpu.memory_space<hbm>>
      tpu.wait_dma2 semaphore(%run_scoped3A : memref<!tpu.dma_semaphore, #tpu.memory_space<semaphore_mem>>) src(%dma_wait3A_44 : memref<5120xf32, #tpu.memory_space<hbm>>) dst(%arg6 : memref<5120xf32, #tpu.memory_space<vmem>>)
      tpu.yield
    }) : () -> ()
    %scan3A = arith.constant 0 : i32
    %scan3A_1 = arith.constant 0 : i32
    %scan3A_2 = arith.constant 64 : i32
    %scan3A_3 = arith.addi %scan3A_1, %scan3A_2 : i32
    %scan3A_4 = arith.constant 1 : i32
    scf.for %scan3A_35 = %scan3A_1 to %scan3A_3 step %scan3A_4  : i32 {
      %broadcast_in_dim3A = arith.constant 0.000000e+00 : f32
      %broadcast_in_dim3A_36 = vector.broadcast %broadcast_in_dim3A : f32 to vector<16xf32>
      %swap3A = arith.index_cast %scan3A_35 : i32 to index
      %swap3A_37 = arith.constant 0 : index
      %swap3A_38 = tpu.vector_load %arg7[%swap3A, %swap3A_37] {strides = array<i32>} : memref<64x16xf32, #tpu.memory_space<vmem>>, vector<16xf32>,
      tpu.vector_store %arg7[%swap3A, %swap3A_37], %broadcast_in_dim3A_36 {strides = array<i32>} : memref<64x16xf32, #tpu.memory_space<vmem>>, vector<16xf32>,
    }
    %scan3A_5 = arith.constant 64 : i32
    %mul3A_6 = arith.constant 625 : i32
    %mul3A_7 = arith.muli %arg1, %mul3A_6 : i32
    %add3A_8 = arith.constant 0 : i32
    %add3A_9 = arith.addi %mul3A_7, %add3A_8 : i32
    "tpu.region"() ({
      %run_scoped3A = tpu.sem_alloc : memref<!tpu.dma_semaphore, #tpu.memory_space<semaphore_mem>>
      %dma_start3A = arith.constant 0 : i32
      %dma_start3A_35 = tpu.memref_slice %arg8[%add3A_9, %dma_start3A] : memref<10000x16xf32, #tpu.memory_space<vmem_shared>> -> memref<64x16xf32, #tpu.memory_space<vmem_shared>>
      %dma_start3A_36 = arith.constant 0 : i32
      %dma_start3A_37 = tpu.memref_slice %arg8[%add3A_9, %dma_start3A_36] : memref<10000x16xf32, #tpu.memory_space<vmem_shared>> -> memref<64x16xf32, #tpu.memory_space<vmem_shared>>
      tpu.enqueue_dma source(%arg7 : memref<64x16xf32, #tpu.memory_space<vmem>>) target(%dma_start3A_37 : memref<64x16xf32, #tpu.memory_space<vmem_shared>>) target_semaphore(%run_scoped3A : memref<!tpu.dma_semaphore, #tpu.memory_space<semaphore_mem>>)
      %dma_wait3A = arith.constant 0 : i32
      %dma_wait3A_38 = tpu.memref_slice %arg8[%add3A_9, %dma_wait3A] : memref<10000x16xf32, #tpu.memory_space<vmem_shared>> -> memref<64x16xf32, #tpu.memory_space<vmem_shared>>
      %dma_wait3A_39 = arith.constant 0 : i32
      %dma_wait3A_40 = tpu.memref_slice %arg8[%add3A_9, %dma_wait3A_39] : memref<10000x16xf32, #tpu.memory_space<vmem_shared>> -> memref<64x16xf32, #tpu.memory_space<vmem_shared>>
      tpu.wait_dma2 semaphore(%run_scoped3A : memref<!tpu.dma_semaphore, #tpu.memory_space<semaphore_mem>>) src(%arg7 : memref<64x16xf32, #tpu.memory_space<vmem>>) dst(%dma_wait3A_40 : memref<64x16xf32, #tpu.memory_space<vmem_shared>>)
      tpu.yield
    }) : () -> ()
    %add3A_10 = arith.constant 64 : i32
    %add3A_11 = arith.addi %mul3A_7, %add3A_10 : i32
    "tpu.region"() ({
      %run_scoped3A = tpu.sem_alloc : memref<!tpu.dma_semaphore, #tpu.memory_space<semaphore_mem>>
      %dma_start3A = arith.constant 0 : i32
      %dma_start3A_35 = tpu.memref_slice %arg8[%add3A_11, %dma_start3A] : memref<10000x16xf32, #tpu.memory_space<vmem_shared>> -> memref<64x16xf32, #tpu.memory_space<vmem_shared>>
      %dma_start3A_36 = arith.constant 0 : i32
      %dma_start3A_37 = tpu.memref_slice %arg8[%add3A_11, %dma_start3A_36] : memref<10000x16xf32, #tpu.memory_space<vmem_shared>> -> memref<64x16xf32, #tpu.memory_space<vmem_shared>>
      tpu.enqueue_dma source(%arg7 : memref<64x16xf32, #tpu.memory_space<vmem>>) target(%dma_start3A_37 : memref<64x16xf32, #tpu.memory_space<vmem_shared>>) target_semaphore(%run_scoped3A : memref<!tpu.dma_semaphore, #tpu.memory_space<semaphore_mem>>)
      %dma_wait3A = arith.constant 0 : i32
      %dma_wait3A_38 = tpu.memref_slice %arg8[%add3A_11, %dma_wait3A] : memref<10000x16xf32, #tpu.memory_space<vmem_shared>> -> memref<64x16xf32, #tpu.memory_space<vmem_shared>>
      %dma_wait3A_39 = arith.constant 0 : i32
      %dma_wait3A_40 = tpu.memref_slice %arg8[%add3A_11, %dma_wait3A_39] : memref<10000x16xf32, #tpu.memory_space<vmem_shared>> -> memref<64x16xf32, #tpu.memory_space<vmem_shared>>
      tpu.wait_dma2 semaphore(%run_scoped3A : memref<!tpu.dma_semaphore, #tpu.memory_space<semaphore_mem>>) src(%arg7 : memref<64x16xf32, #tpu.memory_space<vmem>>) dst(%dma_wait3A_40 : memref<64x16xf32, #tpu.memory_space<vmem_shared>>)
      tpu.yield
    }) : () -> ()
    %add3A_12 = arith.constant 128 : i32
    %add3A_13 = arith.addi %mul3A_7, %add3A_12 : i32
    "tpu.region"() ({
      %run_scoped3A = tpu.sem_alloc : memref<!tpu.dma_semaphore, #tpu.memory_space<semaphore_mem>>
      %dma_start3A = arith.constant 0 : i32
      %dma_start3A_35 = tpu.memref_slice %arg8[%add3A_13, %dma_start3A] : memref<10000x16xf32, #tpu.memory_space<vmem_shared>> -> memref<64x16xf32, #tpu.memory_space<vmem_shared>>
      %dma_start3A_36 = arith.constant 0 : i32
      %dma_start3A_37 = tpu.memref_slice %arg8[%add3A_13, %dma_start3A_36] : memref<10000x16xf32, #tpu.memory_space<vmem_shared>> -> memref<64x16xf32, #tpu.memory_space<vmem_shared>>
      tpu.enqueue_dma source(%arg7 : memref<64x16xf32, #tpu.memory_space<vmem>>) target(%dma_start3A_37 : memref<64x16xf32, #tpu.memory_space<vmem_shared>>) target_semaphore(%run_scoped3A : memref<!tpu.dma_semaphore, #tpu.memory_space<semaphore_mem>>)
      %dma_wait3A = arith.constant 0 : i32
      %dma_wait3A_38 = tpu.memref_slice %arg8[%add3A_13, %dma_wait3A] : memref<10000x16xf32, #tpu.memory_space<vmem_shared>> -> memref<64x16xf32, #tpu.memory_space<vmem_shared>>
      %dma_wait3A_39 = arith.constant 0 : i32
      %dma_wait3A_40 = tpu.memref_slice %arg8[%add3A_13, %dma_wait3A_39] : memref<10000x16xf32, #tpu.memory_space<vmem_shared>> -> memref<64x16xf32, #tpu.memory_space<vmem_shared>>
      tpu.wait_dma2 semaphore(%run_scoped3A : memref<!tpu.dma_semaphore, #tpu.memory_space<semaphore_mem>>) src(%arg7 : memref<64x16xf32, #tpu.memory_space<vmem>>) dst(%dma_wait3A_40 : memref<64x16xf32, #tpu.memory_space<vmem_shared>>)
      tpu.yield
    }) : () -> ()
    %add3A_14 = arith.constant 192 : i32
    %add3A_15 = arith.addi %mul3A_7, %add3A_14 : i32
    "tpu.region"() ({
      %run_scoped3A = tpu.sem_alloc : memref<!tpu.dma_semaphore, #tpu.memory_space<semaphore_mem>>
      %dma_start3A = arith.constant 0 : i32
      %dma_start3A_35 = tpu.memref_slice %arg8[%add3A_15, %dma_start3A] : memref<10000x16xf32, #tpu.memory_space<vmem_shared>> -> memref<64x16xf32, #tpu.memory_space<vmem_shared>>
      %dma_start3A_36 = arith.constant 0 : i32
      %dma_start3A_37 = tpu.memref_slice %arg8[%add3A_15, %dma_start3A_36] : memref<10000x16xf32, #tpu.memory_space<vmem_shared>> -> memref<64x16xf32, #tpu.memory_space<vmem_shared>>
      tpu.enqueue_dma source(%arg7 : memref<64x16xf32, #tpu.memory_space<vmem>>) target(%dma_start3A_37 : memref<64x16xf32, #tpu.memory_space<vmem_shared>>) target_semaphore(%run_scoped3A : memref<!tpu.dma_semaphore, #tpu.memory_space<semaphore_mem>>)
      %dma_wait3A = arith.constant 0 : i32
      %dma_wait3A_38 = tpu.memref_slice %arg8[%add3A_15, %dma_wait3A] : memref<10000x16xf32, #tpu.memory_space<vmem_shared>> -> memref<64x16xf32, #tpu.memory_space<vmem_shared>>
      %dma_wait3A_39 = arith.constant 0 : i32
      %dma_wait3A_40 = tpu.memref_slice %arg8[%add3A_15, %dma_wait3A_39] : memref<10000x16xf32, #tpu.memory_space<vmem_shared>> -> memref<64x16xf32, #tpu.memory_space<vmem_shared>>
      tpu.wait_dma2 semaphore(%run_scoped3A : memref<!tpu.dma_semaphore, #tpu.memory_space<semaphore_mem>>) src(%arg7 : memref<64x16xf32, #tpu.memory_space<vmem>>) dst(%dma_wait3A_40 : memref<64x16xf32, #tpu.memory_space<vmem_shared>>)
      tpu.yield
    }) : () -> ()
    %add3A_16 = arith.constant 256 : i32
    %add3A_17 = arith.addi %mul3A_7, %add3A_16 : i32
    "tpu.region"() ({
      %run_scoped3A = tpu.sem_alloc : memref<!tpu.dma_semaphore, #tpu.memory_space<semaphore_mem>>
      %dma_start3A = arith.constant 0 : i32
      %dma_start3A_35 = tpu.memref_slice %arg8[%add3A_17, %dma_start3A] : memref<10000x16xf32, #tpu.memory_space<vmem_shared>> -> memref<64x16xf32, #tpu.memory_space<vmem_shared>>
      %dma_start3A_36 = arith.constant 0 : i32
      %dma_start3A_37 = tpu.memref_slice %arg8[%add3A_17, %dma_start3A_36] : memref<10000x16xf32, #tpu.memory_space<vmem_shared>> -> memref<64x16xf32, #tpu.memory_space<vmem_shared>>
      tpu.enqueue_dma source(%arg7 : memref<64x16xf32, #tpu.memory_space<vmem>>) target(%dma_start3A_37 : memref<64x16xf32, #tpu.memory_space<vmem_shared>>) target_semaphore(%run_scoped3A : memref<!tpu.dma_semaphore, #tpu.memory_space<semaphore_mem>>)
      %dma_wait3A = arith.constant 0 : i32
      %dma_wait3A_38 = tpu.memref_slice %arg8[%add3A_17, %dma_wait3A] : memref<10000x16xf32, #tpu.memory_space<vmem_shared>> -> memref<64x16xf32, #tpu.memory_space<vmem_shared>>
      %dma_wait3A_39 = arith.constant 0 : i32
      %dma_wait3A_40 = tpu.memref_slice %arg8[%add3A_17, %dma_wait3A_39] : memref<10000x16xf32, #tpu.memory_space<vmem_shared>> -> memref<64x16xf32, #tpu.memory_space<vmem_shared>>
      tpu.wait_dma2 semaphore(%run_scoped3A : memref<!tpu.dma_semaphore, #tpu.memory_space<semaphore_mem>>) src(%arg7 : memref<64x16xf32, #tpu.memory_space<vmem>>) dst(%dma_wait3A_40 : memref<64x16xf32, #tpu.memory_space<vmem_shared>>)
      tpu.yield
    }) : () -> ()
    %add3A_18 = arith.constant 320 : i32
    %add3A_19 = arith.addi %mul3A_7, %add3A_18 : i32
    "tpu.region"() ({
      %run_scoped3A = tpu.sem_alloc : memref<!tpu.dma_semaphore, #tpu.memory_space<semaphore_mem>>
      %dma_start3A = arith.constant 0 : i32
      %dma_start3A_35 = tpu.memref_slice %arg8[%add3A_19, %dma_start3A] : memref<10000x16xf32, #tpu.memory_space<vmem_shared>> -> memref<64x16xf32, #tpu.memory_space<vmem_shared>>
      %dma_start3A_36 = arith.constant 0 : i32
      %dma_start3A_37 = tpu.memref_slice %arg8[%add3A_19, %dma_start3A_36] : memref<10000x16xf32, #tpu.memory_space<vmem_shared>> -> memref<64x16xf32, #tpu.memory_space<vmem_shared>>
      tpu.enqueue_dma source(%arg7 : memref<64x16xf32, #tpu.memory_space<vmem>>) target(%dma_start3A_37 : memref<64x16xf32, #tpu.memory_space<vmem_shared>>) target_semaphore(%run_scoped3A : memref<!tpu.dma_semaphore, #tpu.memory_space<semaphore_mem>>)
      %dma_wait3A = arith.constant 0 : i32
      %dma_wait3A_38 = tpu.memref_slice %arg8[%add3A_19, %dma_wait3A] : memref<10000x16xf32, #tpu.memory_space<vmem_shared>> -> memref<64x16xf32, #tpu.memory_space<vmem_shared>>
      %dma_wait3A_39 = arith.constant 0 : i32
      %dma_wait3A_40 = tpu.memref_slice %arg8[%add3A_19, %dma_wait3A_39] : memref<10000x16xf32, #tpu.memory_space<vmem_shared>> -> memref<64x16xf32, #tpu.memory_space<vmem_shared>>
      tpu.wait_dma2 semaphore(%run_scoped3A : memref<!tpu.dma_semaphore, #tpu.memory_space<semaphore_mem>>) src(%arg7 : memref<64x16xf32, #tpu.memory_space<vmem>>) dst(%dma_wait3A_40 : memref<64x16xf32, #tpu.memory_space<vmem_shared>>)
      tpu.yield
    }) : () -> ()
    %add3A_20 = arith.constant 384 : i32
    %add3A_21 = arith.addi %mul3A_7, %add3A_20 : i32
    "tpu.region"() ({
      %run_scoped3A = tpu.sem_alloc : memref<!tpu.dma_semaphore, #tpu.memory_space<semaphore_mem>>
      %dma_start3A = arith.constant 0 : i32
      %dma_start3A_35 = tpu.memref_slice %arg8[%add3A_21, %dma_start3A] : memref<10000x16xf32, #tpu.memory_space<vmem_shared>> -> memref<64x16xf32, #tpu.memory_space<vmem_shared>>
      %dma_start3A_36 = arith.constant 0 : i32
      %dma_start3A_37 = tpu.memref_slice %arg8[%add3A_21, %dma_start3A_36] : memref<10000x16xf32, #tpu.memory_space<vmem_shared>> -> memref<64x16xf32, #tpu.memory_space<vmem_shared>>
      tpu.enqueue_dma source(%arg7 : memref<64x16xf32, #tpu.memory_space<vmem>>) target(%dma_start3A_37 : memref<64x16xf32, #tpu.memory_space<vmem_shared>>) target_semaphore(%run_scoped3A : memref<!tpu.dma_semaphore, #tpu.memory_space<semaphore_mem>>)
      %dma_wait3A = arith.constant 0 : i32
      %dma_wait3A_38 = tpu.memref_slice %arg8[%add3A_21, %dma_wait3A] : memref<10000x16xf32, #tpu.memory_space<vmem_shared>> -> memref<64x16xf32, #tpu.memory_space<vmem_shared>>
      %dma_wait3A_39 = arith.constant 0 : i32
      %dma_wait3A_40 = tpu.memref_slice %arg8[%add3A_21, %dma_wait3A_39] : memref<10000x16xf32, #tpu.memory_space<vmem_shared>> -> memref<64x16xf32, #tpu.memory_space<vmem_shared>>
      tpu.wait_dma2 semaphore(%run_scoped3A : memref<!tpu.dma_semaphore, #tpu.memory_space<semaphore_mem>>) src(%arg7 : memref<64x16xf32, #tpu.memory_space<vmem>>) dst(%dma_wait3A_40 : memref<64x16xf32, #tpu.memory_space<vmem_shared>>)
      tpu.yield
    }) : () -> ()
    %add3A_22 = arith.constant 448 : i32
    %add3A_23 = arith.addi %mul3A_7, %add3A_22 : i32
    "tpu.region"() ({
      %run_scoped3A = tpu.sem_alloc : memref<!tpu.dma_semaphore, #tpu.memory_space<semaphore_mem>>
      %dma_start3A = arith.constant 0 : i32
      %dma_start3A_35 = tpu.memref_slice %arg8[%add3A_23, %dma_start3A] : memref<10000x16xf32, #tpu.memory_space<vmem_shared>> -> memref<64x16xf32, #tpu.memory_space<vmem_shared>>
      %dma_start3A_36 = arith.constant 0 : i32
      %dma_start3A_37 = tpu.memref_slice %arg8[%add3A_23, %dma_start3A_36] : memref<10000x16xf32, #tpu.memory_space<vmem_shared>> -> memref<64x16xf32, #tpu.memory_space<vmem_shared>>
      tpu.enqueue_dma source(%arg7 : memref<64x16xf32, #tpu.memory_space<vmem>>) target(%dma_start3A_37 : memref<64x16xf32, #tpu.memory_space<vmem_shared>>) target_semaphore(%run_scoped3A : memref<!tpu.dma_semaphore, #tpu.memory_space<semaphore_mem>>)
      %dma_wait3A = arith.constant 0 : i32
      %dma_wait3A_38 = tpu.memref_slice %arg8[%add3A_23, %dma_wait3A] : memref<10000x16xf32, #tpu.memory_space<vmem_shared>> -> memref<64x16xf32, #tpu.memory_space<vmem_shared>>
      %dma_wait3A_39 = arith.constant 0 : i32
      %dma_wait3A_40 = tpu.memref_slice %arg8[%add3A_23, %dma_wait3A_39] : memref<10000x16xf32, #tpu.memory_space<vmem_shared>> -> memref<64x16xf32, #tpu.memory_space<vmem_shared>>
      tpu.wait_dma2 semaphore(%run_scoped3A : memref<!tpu.dma_semaphore, #tpu.memory_space<semaphore_mem>>) src(%arg7 : memref<64x16xf32, #tpu.memory_space<vmem>>) dst(%dma_wait3A_40 : memref<64x16xf32, #tpu.memory_space<vmem_shared>>)
      tpu.yield
    }) : () -> ()
    %add3A_24 = arith.constant 512 : i32
    %add3A_25 = arith.addi %mul3A_7, %add3A_24 : i32
    "tpu.region"() ({
      %run_scoped3A = tpu.sem_alloc : memref<!tpu.dma_semaphore, #tpu.memory_space<semaphore_mem>>
      %dma_start3A = arith.constant 0 : i32
      %dma_start3A_35 = tpu.memref_slice %arg8[%add3A_25, %dma_start3A] : memref<10000x16xf32, #tpu.memory_space<vmem_shared>> -> memref<64x16xf32, #tpu.memory_space<vmem_shared>>
      %dma_start3A_36 = arith.constant 0 : i32
      %dma_start3A_37 = tpu.memref_slice %arg8[%add3A_25, %dma_start3A_36] : memref<10000x16xf32, #tpu.memory_space<vmem_shared>> -> memref<64x16xf32, #tpu.memory_space<vmem_shared>>
      tpu.enqueue_dma source(%arg7 : memref<64x16xf32, #tpu.memory_space<vmem>>) target(%dma_start3A_37 : memref<64x16xf32, #tpu.memory_space<vmem_shared>>) target_semaphore(%run_scoped3A : memref<!tpu.dma_semaphore, #tpu.memory_space<semaphore_mem>>)
      %dma_wait3A = arith.constant 0 : i32
      %dma_wait3A_38 = tpu.memref_slice %arg8[%add3A_25, %dma_wait3A] : memref<10000x16xf32, #tpu.memory_space<vmem_shared>> -> memref<64x16xf32, #tpu.memory_space<vmem_shared>>
      %dma_wait3A_39 = arith.constant 0 : i32
      %dma_wait3A_40 = tpu.memref_slice %arg8[%add3A_25, %dma_wait3A_39] : memref<10000x16xf32, #tpu.memory_space<vmem_shared>> -> memref<64x16xf32, #tpu.memory_space<vmem_shared>>
      tpu.wait_dma2 semaphore(%run_scoped3A : memref<!tpu.dma_semaphore, #tpu.memory_space<semaphore_mem>>) src(%arg7 : memref<64x16xf32, #tpu.memory_space<vmem>>) dst(%dma_wait3A_40 : memref<64x16xf32, #tpu.memory_space<vmem_shared>>)
      tpu.yield
    }) : () -> ()
    %add3A_26 = arith.constant 576 : i32
    %add3A_27 = arith.addi %mul3A_7, %add3A_26 : i32
    "tpu.region"() ({
      %run_scoped3A = tpu.sem_alloc : memref<!tpu.dma_semaphore, #tpu.memory_space<semaphore_mem>>
      %dma_start3A = arith.constant 0 : i32
      %dma_start3A_35 = arith.constant 0 : i32
      %dma_start3A_36 = tpu.memref_slice %arg7[%dma_start3A, %dma_start3A_35] : memref<64x16xf32, #tpu.memory_space<vmem>> -> memref<49x16xf32, #tpu.memory_space<vmem>>
      %dma_start3A_37 = arith.constant 0 : i32
      %dma_start3A_38 = tpu.memref_slice %arg8[%add3A_27, %dma_start3A_37] : memref<10000x16xf32, #tpu.memory_space<vmem_shared>> -> memref<49x16xf32, #tpu.memory_space<vmem_shared>>
      %dma_start3A_39 = arith.constant 0 : i32
      %dma_start3A_40 = tpu.memref_slice %arg8[%add3A_27, %dma_start3A_39] : memref<10000x16xf32, #tpu.memory_space<vmem_shared>> -> memref<49x16xf32, #tpu.memory_space<vmem_shared>>
      %dma_start3A_41 = arith.constant 0 : i32
      %dma_start3A_42 = arith.constant 0 : i32
      %dma_start3A_43 = tpu.memref_slice %arg7[%dma_start3A_41, %dma_start3A_42] : memref<64x16xf32, #tpu.memory_space<vmem>> -> memref<49x16xf32, #tpu.memory_space<vmem>>
      tpu.enqueue_dma source(%dma_start3A_43 : memref<49x16xf32, #tpu.memory_space<vmem>>) target(%dma_start3A_40 : memref<49x16xf32, #tpu.memory_space<vmem_shared>>) target_semaphore(%run_scoped3A : memref<!tpu.dma_semaphore, #tpu.memory_space<semaphore_mem>>)
      %dma_wait3A = arith.constant 0 : i32
      %dma_wait3A_44 = arith.constant 0 : i32
      %dma_wait3A_45 = tpu.memref_slice %arg7[%dma_wait3A, %dma_wait3A_44] : memref<64x16xf32, #tpu.memory_space<vmem>> -> memref<49x16xf32, #tpu.memory_space<vmem>>
      %dma_wait3A_46 = arith.constant 0 : i32
      %dma_wait3A_47 = tpu.memref_slice %arg8[%add3A_27, %dma_wait3A_46] : memref<10000x16xf32, #tpu.memory_space<vmem_shared>> -> memref<49x16xf32, #tpu.memory_space<vmem_shared>>
      %dma_wait3A_48 = arith.constant 0 : i32
      %dma_wait3A_49 = tpu.memref_slice %arg8[%add3A_27, %dma_wait3A_48] : memref<10000x16xf32, #tpu.memory_space<vmem_shared>> -> memref<49x16xf32, #tpu.memory_space<vmem_shared>>
      %dma_wait3A_50 = arith.constant 0 : i32
      %dma_wait3A_51 = arith.constant 0 : i32
      %dma_wait3A_52 = tpu.memref_slice %arg7[%dma_wait3A_50, %dma_wait3A_51] : memref<64x16xf32, #tpu.memory_space<vmem>> -> memref<49x16xf32, #tpu.memory_space<vmem>>
      tpu.wait_dma2 semaphore(%run_scoped3A : memref<!tpu.dma_semaphore, #tpu.memory_space<semaphore_mem>>) src(%dma_wait3A_52 : memref<49x16xf32, #tpu.memory_space<vmem>>) dst(%dma_wait3A_49 : memref<49x16xf32, #tpu.memory_space<vmem_shared>>)
      tpu.yield
    }) : () -> ()
    %barrier3A = arith.constant 0 : index
    tpu.barrier barrier_id(%barrier3A)
    %scan3A_28 = arith.constant 0 : i32
    %scan3A_29 = arith.constant 0 : i32
    %scan3A_30 = arith.constant 80 : i32
    %scan3A_31 = arith.addi %scan3A_29, %scan3A_30 : i32
    %scan3A_32 = arith.constant 1 : i32
    scf.for %scan3A_35 = %scan3A_29 to %scan3A_31 step %scan3A_32  : i32 {
      %scan3A_36 = arith.constant 0 : i32
      %scan3A_37 = arith.constant 0 : i32
      %scan3A_38 = arith.constant 64 : i32
      %scan3A_39 = arith.addi %scan3A_37, %scan3A_38 : i32
      %scan3A_40 = arith.constant 1 : i32
      scf.for %scan3A_42 = %scan3A_37 to %scan3A_39 step %scan3A_40  : i32 {
        %mul3A_43 = arith.constant 64 : i32
        %mul3A_44 = arith.muli %scan3A_35, %mul3A_43 : i32
        %add3A_45 = arith.addi %mul3A_44, %scan3A_42 : i32
        %broadcast_in_dim3A = vector.broadcast %add3A_45 : i32 to vector<16xi32>
        %gather3A = tpu.vector_load_idx %arg6[%broadcast_in_dim3A] : memref<5120xf32, #tpu.memory_space<vmem>>[vector<16xi32>], vector<16xf32>,
        %swap3A = arith.index_cast %scan3A_42 : i32 to index
        %swap3A_46 = arith.constant 0 : index
        %swap3A_47 = tpu.vector_load %arg7[%swap3A, %swap3A_46] {strides = array<i32>} : memref<64x16xf32, #tpu.memory_space<vmem>>, vector<16xf32>,
        tpu.vector_store %arg7[%swap3A, %swap3A_46], %gather3A {strides = array<i32>} : memref<64x16xf32, #tpu.memory_space<vmem>>, vector<16xf32>,
      }
      %scan3A_41 = arith.constant 64 : i32
      "tpu.region"() ({
        %run_scoped3A = tpu.sem_alloc : memref<!tpu.dma_semaphore, #tpu.memory_space<semaphore_mem>>
        %dma_start3A = arith.constant 0 : i32
        %dma_start3A_42 = tpu.memref_slice %arg5[%scan3A_35, %dma_start3A] : memref<80x64xi32, #tpu.memory_space<vmem>> -> memref<1x64xi32, #tpu.memory_space<vmem>>
        %dma_start3A_43 = tpu.memref_squeeze %dma_start3A_42 : memref<1x64xi32, #tpu.memory_space<vmem>> -> memref<64xi32, #tpu.memory_space<vmem>>
        %dma_start3A_44 = arith.constant 0 : i32
        %dma_start3A_45 = arith.constant 0 : i32
        %dma_start3A_46 = tpu.memref_slice %arg8[%dma_start3A_44, %dma_start3A_45] : memref<10000x16xf32, #tpu.memory_space<vmem_shared>> -> memref<10000x16xf32, #tpu.memory_space<vmem_shared>>
        tpu.enqueue_indirect_dma source(%arg7 : memref<64x16xf32, #tpu.memory_space<vmem>>) target(%dma_start3A_46 : memref<10000x16xf32, #tpu.memory_space<vmem_shared>>) offsets(%dma_start3A_43 : memref<64xi32, #tpu.memory_space<vmem>>) semaphore(%run_scoped3A : memref<!tpu.dma_semaphore, #tpu.memory_space<semaphore_mem>>) {add = true}
        %dma_wait3A = arith.constant 0 : i32
        %dma_wait3A_47 = tpu.memref_slice %arg5[%scan3A_35, %dma_wait3A] : memref<80x64xi32, #tpu.memory_space<vmem>> -> memref<1x64xi32, #tpu.memory_space<vmem>>
        %dma_wait3A_48 = tpu.memref_squeeze %dma_wait3A_47 : memref<1x64xi32, #tpu.memory_space<vmem>> -> memref<64xi32, #tpu.memory_space<vmem>>
        %dma_wait3A_49 = arith.constant 0 : i32
        %dma_wait3A_50 = arith.constant 0 : i32
        %dma_wait3A_51 = tpu.memref_slice %arg8[%dma_wait3A_49, %dma_wait3A_50] : memref<10000x16xf32, #tpu.memory_space<vmem_shared>> -> memref<10000x16xf32, #tpu.memory_space<vmem_shared>>
        tpu.wait_indirect_dma semaphore(%run_scoped3A : memref<!tpu.dma_semaphore, #tpu.memory_space<semaphore_mem>>) src(%arg7 : memref<64x16xf32, #tpu.memory_space<vmem>>) dst(%dma_wait3A_51 : memref<10000x16xf32, #tpu.memory_space<vmem_shared>>)
        tpu.yield
      }) : () -> ()
    }
    %scan3A_33 = arith.constant 80 : i32
    %barrier3A_34 = arith.constant 0 : index
    tpu.barrier barrier_id(%barrier3A_34)
    "tpu.region"() ({
      %run_scoped3A = tpu.sem_alloc : memref<!tpu.dma_semaphore, #tpu.memory_space<semaphore_mem>>
      %dma_start3A = arith.constant 0 : i32
      %dma_start3A_35 = arith.constant 0 : i32
      %dma_start3A_36 = tpu.memref_slice %arg4[%arg0, %arg1, %dma_start3A, %dma_start3A_35] : memref<2x16x625x16xf32, #tpu.memory_space<hbm>> -> memref<1x1x625x16xf32, #tpu.memory_space<hbm>>
      %dma_start3A_37 = tpu.memref_squeeze %dma_start3A_36 : memref<1x1x625x16xf32, #tpu.memory_space<hbm>> -> memref<625x16xf32, #tpu.memory_space<hbm>>
      %dma_start3A_38 = arith.constant 0 : i32
      %dma_start3A_39 = tpu.memref_slice %arg8[%mul3A_7, %dma_start3A_38] : memref<10000x16xf32, #tpu.memory_space<vmem_shared>> -> memref<625x16xf32, #tpu.memory_space<vmem_shared>>
      tpu.enqueue_dma source(%dma_start3A_39 : memref<625x16xf32, #tpu.memory_space<vmem_shared>>) target(%dma_start3A_37 : memref<625x16xf32, #tpu.memory_space<hbm>>) target_semaphore(%run_scoped3A : memref<!tpu.dma_semaphore, #tpu.memory_space<semaphore_mem>>)
      %dma_wait3A = arith.constant 0 : i32
      %dma_wait3A_40 = arith.constant 0 : i32
      %dma_wait3A_41 = tpu.memref_slice %arg4[%arg0, %arg1, %dma_wait3A, %dma_wait3A_40] : memref<2x16x625x16xf32, #tpu.memory_space<hbm>> -> memref<1x1x625x16xf32, #tpu.memory_space<hbm>>
      %dma_wait3A_42 = tpu.memref_squeeze %dma_wait3A_41 : memref<1x1x625x16xf32, #tpu.memory_space<hbm>> -> memref<625x16xf32, #tpu.memory_space<hbm>>
      %dma_wait3A_43 = arith.constant 0 : i32
      %dma_wait3A_44 = tpu.memref_slice %arg8[%mul3A_7, %dma_wait3A_43] : memref<10000x16xf32, #tpu.memory_space<vmem_shared>> -> memref<625x16xf32, #tpu.memory_space<vmem_shared>>
      tpu.wait_dma2 semaphore(%run_scoped3A : memref<!tpu.dma_semaphore, #tpu.memory_space<semaphore_mem>>) src(%dma_wait3A_44 : memref<625x16xf32, #tpu.memory_space<vmem_shared>>) dst(%dma_wait3A_42 : memref<625x16xf32, #tpu.memory_space<hbm>>)
      tpu.yield
    }) : () -> ()
    return
  }
}

module attributes {stable_mosaic.version = 14 : i64} {
  func.func @_dinv_body(%arg0: memref<2x10000x16xf32, #tpu.memory_space<vmem>>, %arg1: memref<10000x1xf32, #tpu.memory_space<vmem>>) attributes {dimension_semantics = [], scalar_prefetch = 0 : i64, scratch_operands = 0 : i64, tpu.core_type = #tpu.core_type<tc>} {
    %get3A = arith.constant 0 : index
    %get3A_0 = arith.constant 0 : index
    %get3A_1 = arith.constant 0 : index
    %get3A_2 = vector.load %arg0[%get3A, %get3A_0, %get3A_1] : memref<2x10000x16xf32, #tpu.memory_space<vmem>>, vector<1x10000x1xf32>
    %get3A_3 = vector.shape_cast %get3A_2 : vector<1x10000x1xf32> to vector<10000x1xf32>
    %get3A_4 = arith.constant 1 : index
    %get3A_5 = arith.constant 0 : index
    %get3A_6 = arith.constant 0 : index
    %get3A_7 = vector.load %arg0[%get3A_4, %get3A_5, %get3A_6] : memref<2x10000x16xf32, #tpu.memory_space<vmem>>, vector<1x10000x1xf32>
    %get3A_8 = vector.shape_cast %get3A_7 : vector<1x10000x1xf32> to vector<10000x1xf32>
    %add3A = arith.addf %get3A_3, %get3A_8 : vector<10000x1xf32>
    %gt3A = arith.constant 0.000000e+00 : f32
    %gt3A_9 = vector.broadcast %gt3A : f32 to vector<10000x1xf32>
    %gt3A_10 = arith.cmpf ogt, %add3A, %gt3A_9 : vector<10000x1xf32>
    %jit3A = arith.constant 1.000000e+00 : f32
    %broadcast_in_dim3A = vector.broadcast %jit3A : f32 to vector<10000x1xf32>
    %select_n3A = arith.select %gt3A_10, %add3A, %broadcast_in_dim3A : vector<10000x1xi1>, vector<10000x1xf32>
    %gt3A_11 = arith.constant 0.000000e+00 : f32
    %gt3A_12 = vector.broadcast %gt3A_11 : f32 to vector<10000x1xf32>
    %gt3A_13 = arith.cmpf ogt, %add3A, %gt3A_12 : vector<10000x1xf32>
    %rsqrt3A = math.rsqrt %select_n3A : vector<10000x1xf32>
    %jit3A_14 = arith.constant 0.000000e+00 : f32
    %broadcast_in_dim3A_15 = vector.broadcast %jit3A_14 : f32 to vector<10000x1xf32>
    %select_n3A_16 = arith.select %gt3A_13, %rsqrt3A, %broadcast_in_dim3A_15 : vector<10000x1xi1>, vector<10000x1xf32>
    %swap3A = arith.constant 0 : index
    %swap3A_17 = arith.constant 0 : index
    %swap3A_18 = vector.load %arg1[%swap3A, %swap3A_17] : memref<10000x1xf32, #tpu.memory_space<vmem>>, vector<10000x1xf32>
    tpu.vector_store %arg1[%swap3A, %swap3A_17], %select_n3A_16 {strides = array<i32>} : memref<10000x1xf32, #tpu.memory_space<vmem>>, vector<10000x1xf32>,
    return
  }
}

module attributes {stable_mosaic.version = 14 : i64} {
  func.func @_gate_body(%arg0: i32, %arg1: memref<1000x128xf32, #tpu.memory_space<vmem>>, %arg2: memref<1000x128xf32, #tpu.memory_space<vmem>>, %arg3: memref<2x1000x128xf32, #tpu.memory_space<vmem>>, %arg4: memref<1000x128xf32, #tpu.memory_space<vmem>>, %arg5: memref<128x512xf32, #tpu.memory_space<vmem>>, %arg6: memref<128x512xf32, #tpu.memory_space<vmem>>, %arg7: memref<128x512xf32, #tpu.memory_space<vmem>>, %arg8: memref<1x512xf32, #tpu.memory_space<vmem>>, %arg9: memref<1000x128xf32, #tpu.memory_space<vmem>>, %arg10: memref<1000x128xf32, #tpu.memory_space<vmem>>, %arg11: memref<1000x64xf32, #tpu.memory_space<vmem>>) attributes {dimension_semantics = [#tpu.dimension_semantics<arbitrary>], iteration_bounds = array<i64: 10>, scalar_prefetch = 0 : i64, scratch_operands = 0 : i64, tpu.core_type = #tpu.core_type<tc>, window_params = [{transform_indices = @transform_0, window_bounds = array<i64: 1000, 128>}, {transform_indices = @transform_1, window_bounds = array<i64: 1000, 128>}, {transform_indices = @transform_2, window_bounds = array<i64: 2, 1000, 128>}, {transform_indices = @transform_3, window_bounds = array<i64: 1000, 128>}, {pipeline_mode = #tpu.pipeline_mode<synchronous>, transform_indices = @transform_4, window_bounds = array<i64: 128, 512>}, {pipeline_mode = #tpu.pipeline_mode<synchronous>, transform_indices = @transform_5, window_bounds = array<i64: 128, 512>}, {pipeline_mode = #tpu.pipeline_mode<synchronous>, transform_indices = @transform_6, window_bounds = array<i64: 128, 512>}, {pipeline_mode = #tpu.pipeline_mode<synchronous>, transform_indices = @transform_7, window_bounds = array<i64: 1, 512>}, {transform_indices = @transform_8, window_bounds = array<i64: 1000, 128>}, {transform_indices = @transform_9, window_bounds = array<i64: 1000, 128>}, {transform_indices = @transform_10, window_bounds = array<i64: 1000, 64>}]} {
    %get3A = arith.constant 0 : index
    %get3A_0 = arith.constant 0 : index
    %get3A_1 = arith.constant 0 : index
    %get3A_2 = vector.load %arg3[%get3A, %get3A_0, %get3A_1] : memref<2x1000x128xf32, #tpu.memory_space<vmem>>, vector<1x1000x128xf32>
    %get3A_3 = vector.shape_cast %get3A_2 : vector<1x1000x128xf32> to vector<1000x128xf32>
    %get3A_4 = arith.constant 1 : index
    %get3A_5 = arith.constant 0 : index
    %get3A_6 = arith.constant 0 : index
    %get3A_7 = vector.load %arg3[%get3A_4, %get3A_5, %get3A_6] : memref<2x1000x128xf32, #tpu.memory_space<vmem>>, vector<1x1000x128xf32>
    %get3A_8 = vector.shape_cast %get3A_7 : vector<1x1000x128xf32> to vector<1000x128xf32>
    %add3A = arith.addf %get3A_3, %get3A_8 : vector<1000x128xf32>
    %get3A_9 = arith.constant 0 : index
    %get3A_10 = arith.constant 0 : index
    %get3A_11 = vector.load %arg1[%get3A_9, %get3A_10] : memref<1000x128xf32, #tpu.memory_space<vmem>>, vector<1000x128xf32>
    %get3A_12 = arith.constant 0 : index
    %get3A_13 = arith.constant 0 : index
    %get3A_14 = vector.load %arg5[%get3A_12, %get3A_13] : memref<128x512xf32, #tpu.memory_space<vmem>>, vector<128x512xf32>
    %dot_general3A = arith.constant dense<0.000000e+00> : vector<1000x512xf32>
    %dot_general3A_15 = tpu.matmul %get3A_11, %get3A_14, %dot_general3A {dimension_numbers = #tpu.dot_dimension_numbers<[1], [0], [0], [1], [0, 0, 1, 1], [], []>, transpose_lhs_hint = false} : vector<1000x128xf32>, vector<128x512xf32>, vector<1000x512xf32> -> vector<1000x512xf32>
    %get3A_16 = arith.constant 0 : index
    %get3A_17 = arith.constant 0 : index
    %get3A_18 = vector.load %arg2[%get3A_16, %get3A_17] : memref<1000x128xf32, #tpu.memory_space<vmem>>, vector<1000x128xf32>
    %get3A_19 = arith.constant 0 : index
    %get3A_20 = arith.constant 0 : index
    %get3A_21 = vector.load %arg6[%get3A_19, %get3A_20] : memref<128x512xf32, #tpu.memory_space<vmem>>, vector<128x512xf32>
    %dot_general3A_22 = arith.constant dense<0.000000e+00> : vector<1000x512xf32>
    %dot_general3A_23 = tpu.matmul %get3A_18, %get3A_21, %dot_general3A_22 {dimension_numbers = #tpu.dot_dimension_numbers<[1], [0], [0], [1], [0, 0, 1, 1], [], []>, transpose_lhs_hint = false} : vector<1000x128xf32>, vector<128x512xf32>, vector<1000x512xf32> -> vector<1000x512xf32>
    %add3A_24 = arith.addf %dot_general3A_15, %dot_general3A_23 : vector<1000x512xf32>
    %get3A_25 = arith.constant 0 : index
    %get3A_26 = arith.constant 0 : index
    %get3A_27 = vector.load %arg7[%get3A_25, %get3A_26] : memref<128x512xf32, #tpu.memory_space<vmem>>, vector<128x512xf32>
    %dot_general3A_28 = arith.constant dense<0.000000e+00> : vector<1000x512xf32>
    %dot_general3A_29 = tpu.matmul %add3A, %get3A_27, %dot_general3A_28 {dimension_numbers = #tpu.dot_dimension_numbers<[1], [0], [0], [1], [0, 0, 1, 1], [], []>, transpose_lhs_hint = false} : vector<1000x128xf32>, vector<128x512xf32>, vector<1000x512xf32> -> vector<1000x512xf32>
    %add3A_30 = arith.addf %add3A_24, %dot_general3A_29 : vector<1000x512xf32>
    %get3A_31 = arith.constant 0 : index
    %get3A_32 = arith.constant 0 : index
    %get3A_33 = vector.load %arg8[%get3A_31, %get3A_32] : memref<1x512xf32, #tpu.memory_space<vmem>>, vector<1x512xf32>
    %add3A_34 = vector.broadcast %get3A_33 : vector<1x512xf32> to vector<1000x512xf32>
    %add3A_35 = arith.addf %add3A_30, %add3A_34 : vector<1000x512xf32>
    %slice3A = vector.extract_strided_slice %add3A_35 {offsets = [0, 0], sizes = [1000, 128], strides = [1, 1]} : vector<1000x512xf32> to vector<1000x128xf32>
    %logistic3A = arith.negf %slice3A : vector<1000x128xf32>
    %logistic3A_36 = math.exp %logistic3A : vector<1000x128xf32>
    %logistic3A_37 = arith.constant 1.000000e+00 : f32
    %logistic3A_38 = vector.broadcast %logistic3A_37 : f32 to vector<1000x128xf32>
    %logistic3A_39 = arith.addf %logistic3A_38, %logistic3A_36 : vector<1000x128xf32>
    %logistic3A_40 = arith.divf %logistic3A_38, %logistic3A_39 : vector<1000x128xf32>
    %slice3A_41 = vector.extract_strided_slice %add3A_35 {offsets = [0, 128], sizes = [1000, 128], strides = [1, 1]} : vector<1000x512xf32> to vector<1000x128xf32>
    %logistic3A_42 = arith.negf %slice3A_41 : vector<1000x128xf32>
    %logistic3A_43 = math.exp %logistic3A_42 : vector<1000x128xf32>
    %logistic3A_44 = arith.constant 1.000000e+00 : f32
    %logistic3A_45 = vector.broadcast %logistic3A_44 : f32 to vector<1000x128xf32>
    %logistic3A_46 = arith.addf %logistic3A_45, %logistic3A_43 : vector<1000x128xf32>
    %logistic3A_47 = arith.divf %logistic3A_45, %logistic3A_46 : vector<1000x128xf32>
    %slice3A_48 = vector.extract_strided_slice %add3A_35 {offsets = [0, 256], sizes = [1000, 128], strides = [1, 1]} : vector<1000x512xf32> to vector<1000x128xf32>
    %tanh3A = math.tanh %slice3A_48 : vector<1000x128xf32>
    %slice3A_49 = vector.extract_strided_slice %add3A_35 {offsets = [0, 384], sizes = [1000, 128], strides = [1, 1]} : vector<1000x512xf32> to vector<1000x128xf32>
    %logistic3A_50 = arith.negf %slice3A_49 : vector<1000x128xf32>
    %logistic3A_51 = math.exp %logistic3A_50 : vector<1000x128xf32>
    %logistic3A_52 = arith.constant 1.000000e+00 : f32
    %logistic3A_53 = vector.broadcast %logistic3A_52 : f32 to vector<1000x128xf32>
    %logistic3A_54 = arith.addf %logistic3A_53, %logistic3A_51 : vector<1000x128xf32>
    %logistic3A_55 = arith.divf %logistic3A_53, %logistic3A_54 : vector<1000x128xf32>
    %get3A_56 = arith.constant 0 : index
    %get3A_57 = arith.constant 0 : index
    %get3A_58 = vector.load %arg4[%get3A_56, %get3A_57] : memref<1000x128xf32, #tpu.memory_space<vmem>>, vector<1000x128xf32>
    %mul3A = arith.mulf %logistic3A_47, %get3A_58 : vector<1000x128xf32>
    %mul3A_59 = arith.mulf %logistic3A_40, %tanh3A : vector<1000x128xf32>
    %add3A_60 = arith.addf %mul3A, %mul3A_59 : vector<1000x128xf32>
    %swap3A = arith.constant 0 : index
    %swap3A_61 = arith.constant 0 : index
    %swap3A_62 = vector.load %arg10[%swap3A, %swap3A_61] : memref<1000x128xf32, #tpu.memory_space<vmem>>, vector<1000x128xf32>
    tpu.vector_store %arg10[%swap3A, %swap3A_61], %add3A_60 {strides = array<i32>} : memref<1000x128xf32, #tpu.memory_space<vmem>>, vector<1000x128xf32>,
    %tanh3A_63 = math.tanh %add3A_60 : vector<1000x128xf32>
    %mul3A_64 = arith.mulf %logistic3A_55, %tanh3A_63 : vector<1000x128xf32>
    %swap3A_65 = arith.constant 0 : index
    %swap3A_66 = arith.constant 0 : index
    %swap3A_67 = vector.load %arg9[%swap3A_65, %swap3A_66] : memref<1000x128xf32, #tpu.memory_space<vmem>>, vector<1000x128xf32>
    tpu.vector_store %arg9[%swap3A_65, %swap3A_66], %mul3A_64 {strides = array<i32>} : memref<1000x128xf32, #tpu.memory_space<vmem>>, vector<1000x128xf32>,
    %convert_element_type3A = arith.truncf %mul3A_64 : vector<1000x128xf32> to vector<1000x128xbf16>
    %slice3A_68 = vector.extract_strided_slice %convert_element_type3A {offsets = [0, 0], sizes = [1000, 16], strides = [1, 1]} : vector<1000x128xbf16> to vector<1000x16xbf16>
    %bitcast_convert_type3A = tpu.bitcast %slice3A_68 : vector<1000x16xbf16> -> vector<1000x16xi16>
    %convert_element_type3A_69 = arith.extui %bitcast_convert_type3A : vector<1000x16xi16> to vector<1000x16xi32>
    %slice3A_70 = vector.extract_strided_slice %convert_element_type3A {offsets = [0, 16], sizes = [1000, 16], strides = [1, 1]} : vector<1000x128xbf16> to vector<1000x16xbf16>
    %bitcast_convert_type3A_71 = tpu.bitcast %slice3A_70 : vector<1000x16xbf16> -> vector<1000x16xi16>
    %convert_element_type3A_72 = arith.extui %bitcast_convert_type3A_71 : vector<1000x16xi16> to vector<1000x16xi32>
    %shift_left3A = arith.constant 16 : i32
    %shift_left3A_73 = vector.broadcast %shift_left3A : i32 to vector<1000x16xi32>
    %shift_left3A_74 = arith.shli %convert_element_type3A_72, %shift_left3A_73 : vector<1000x16xi32>
    %or3A = arith.ori %shift_left3A_74, %convert_element_type3A_69 : vector<1000x16xi32>
    %slice3A_75 = vector.extract_strided_slice %convert_element_type3A {offsets = [0, 32], sizes = [1000, 16], strides = [1, 1]} : vector<1000x128xbf16> to vector<1000x16xbf16>
    %bitcast_convert_type3A_76 = tpu.bitcast %slice3A_75 : vector<1000x16xbf16> -> vector<1000x16xi16>
    %convert_element_type3A_77 = arith.extui %bitcast_convert_type3A_76 : vector<1000x16xi16> to vector<1000x16xi32>
    %slice3A_78 = vector.extract_strided_slice %convert_element_type3A {offsets = [0, 48], sizes = [1000, 16], strides = [1, 1]} : vector<1000x128xbf16> to vector<1000x16xbf16>
    %bitcast_convert_type3A_79 = tpu.bitcast %slice3A_78 : vector<1000x16xbf16> -> vector<1000x16xi16>
    %convert_element_type3A_80 = arith.extui %bitcast_convert_type3A_79 : vector<1000x16xi16> to vector<1000x16xi32>
    %shift_left3A_81 = arith.constant 16 : i32
    %shift_left3A_82 = vector.broadcast %shift_left3A_81 : i32 to vector<1000x16xi32>
    %shift_left3A_83 = arith.shli %convert_element_type3A_80, %shift_left3A_82 : vector<1000x16xi32>
    %or3A_84 = arith.ori %shift_left3A_83, %convert_element_type3A_77 : vector<1000x16xi32>
    %slice3A_85 = vector.extract_strided_slice %convert_element_type3A {offsets = [0, 64], sizes = [1000, 16], strides = [1, 1]} : vector<1000x128xbf16> to vector<1000x16xbf16>
    %bitcast_convert_type3A_86 = tpu.bitcast %slice3A_85 : vector<1000x16xbf16> -> vector<1000x16xi16>
    %convert_element_type3A_87 = arith.extui %bitcast_convert_type3A_86 : vector<1000x16xi16> to vector<1000x16xi32>
    %slice3A_88 = vector.extract_strided_slice %convert_element_type3A {offsets = [0, 80], sizes = [1000, 16], strides = [1, 1]} : vector<1000x128xbf16> to vector<1000x16xbf16>
    %bitcast_convert_type3A_89 = tpu.bitcast %slice3A_88 : vector<1000x16xbf16> -> vector<1000x16xi16>
    %convert_element_type3A_90 = arith.extui %bitcast_convert_type3A_89 : vector<1000x16xi16> to vector<1000x16xi32>
    %shift_left3A_91 = arith.constant 16 : i32
    %shift_left3A_92 = vector.broadcast %shift_left3A_91 : i32 to vector<1000x16xi32>
    %shift_left3A_93 = arith.shli %convert_element_type3A_90, %shift_left3A_92 : vector<1000x16xi32>
    %or3A_94 = arith.ori %shift_left3A_93, %convert_element_type3A_87 : vector<1000x16xi32>
    %slice3A_95 = vector.extract_strided_slice %convert_element_type3A {offsets = [0, 96], sizes = [1000, 16], strides = [1, 1]} : vector<1000x128xbf16> to vector<1000x16xbf16>
    %bitcast_convert_type3A_96 = tpu.bitcast %slice3A_95 : vector<1000x16xbf16> -> vector<1000x16xi16>
    %convert_element_type3A_97 = arith.extui %bitcast_convert_type3A_96 : vector<1000x16xi16> to vector<1000x16xi32>
    %slice3A_98 = vector.extract_strided_slice %convert_element_type3A {offsets = [0, 112], sizes = [1000, 16], strides = [1, 1]} : vector<1000x128xbf16> to vector<1000x16xbf16>
    %bitcast_convert_type3A_99 = tpu.bitcast %slice3A_98 : vector<1000x16xbf16> -> vector<1000x16xi16>
    %convert_element_type3A_100 = arith.extui %bitcast_convert_type3A_99 : vector<1000x16xi16> to vector<1000x16xi32>
    %shift_left3A_101 = arith.constant 16 : i32
    %shift_left3A_102 = vector.broadcast %shift_left3A_101 : i32 to vector<1000x16xi32>
    %shift_left3A_103 = arith.shli %convert_element_type3A_100, %shift_left3A_102 : vector<1000x16xi32>
    %or3A_104 = arith.ori %shift_left3A_103, %convert_element_type3A_97 : vector<1000x16xi32>
    %concatenate3A = tpu.concatenate %or3A, %or3A_84, %or3A_94, %or3A_104 in 1 : vector<1000x16xi32>, vector<1000x16xi32>, vector<1000x16xi32>, vector<1000x16xi32> -> vector<1000x64xi32>
    %bitcast_convert_type3A_105 = tpu.bitcast %concatenate3A : vector<1000x64xi32> -> vector<1000x64xf32>
    %swap3A_106 = arith.constant 0 : index
    %swap3A_107 = arith.constant 0 : index
    %swap3A_108 = vector.load %arg11[%swap3A_106, %swap3A_107] : memref<1000x64xf32, #tpu.memory_space<vmem>>, vector<1000x64xf32>
    tpu.vector_store %arg11[%swap3A_106, %swap3A_107], %bitcast_convert_type3A_105 {strides = array<i32>} : memref<1000x64xf32, #tpu.memory_space<vmem>>, vector<1000x64xf32>,
    return
  }
  func.func @transform_0(%arg0: i32) -> (i32, i32) {
    %c0_i32 = arith.constant 0 : i32
    %c0_i32_0 = arith.constant 0 : i32
    return %arg0, %c0_i32 : i32, i32
  }
  func.func @transform_1(%arg0: i32) -> (i32, i32) {
    %c0_i32 = arith.constant 0 : i32
    %c0_i32_0 = arith.constant 0 : i32
    return %arg0, %c0_i32 : i32, i32
  }
  func.func @transform_2(%arg0: i32) -> (i32, i32, i32) {
    %c0_i32 = arith.constant 0 : i32
    %c0_i32_0 = arith.constant 0 : i32
    %c0_i32_1 = arith.constant 0 : i32
    return %c0_i32, %arg0, %c0_i32_0 : i32, i32, i32
  }
  func.func @transform_3(%arg0: i32) -> (i32, i32) {
    %c0_i32 = arith.constant 0 : i32
    %c0_i32_0 = arith.constant 0 : i32
    return %arg0, %c0_i32 : i32, i32
  }
  func.func @transform_4(%arg0: i32) -> (i32, i32) {
    %c0_i32 = arith.constant 0 : i32
    %c0_i32_0 = arith.constant 0 : i32
    %c0_i32_1 = arith.constant 0 : i32
    return %c0_i32, %c0_i32_0 : i32, i32
  }
  func.func @transform_5(%arg0: i32) -> (i32, i32) {
    %c0_i32 = arith.constant 0 : i32
    %c0_i32_0 = arith.constant 0 : i32
    %c0_i32_1 = arith.constant 0 : i32
    return %c0_i32, %c0_i32_0 : i32, i32
  }
  func.func @transform_6(%arg0: i32) -> (i32, i32) {
    %c0_i32 = arith.constant 0 : i32
    %c0_i32_0 = arith.constant 0 : i32
    %c0_i32_1 = arith.constant 0 : i32
    return %c0_i32, %c0_i32_0 : i32, i32
  }
  func.func @transform_7(%arg0: i32) -> (i32, i32) {
    %c0_i32 = arith.constant 0 : i32
    %c0_i32_0 = arith.constant 0 : i32
    %c0_i32_1 = arith.constant 0 : i32
    return %c0_i32, %c0_i32_0 : i32, i32
  }
  func.func @transform_8(%arg0: i32) -> (i32, i32) {
    %c0_i32 = arith.constant 0 : i32
    %c0_i32_0 = arith.constant 0 : i32
    return %arg0, %c0_i32 : i32, i32
  }
  func.func @transform_9(%arg0: i32) -> (i32, i32) {
    %c0_i32 = arith.constant 0 : i32
    %c0_i32_0 = arith.constant 0 : i32
    return %arg0, %c0_i32 : i32, i32
  }
  func.func @transform_10(%arg0: i32) -> (i32, i32) {
    %c0_i32 = arith.constant 0 : i32
    %c0_i32_0 = arith.constant 0 : i32
    return %arg0, %c0_i32 : i32, i32
  }
}

module attributes {stable_mosaic.version = 14 : i64} {
  func.func @_gate_body(%arg0: i32, %arg1: memref<1000x128xf32, #tpu.memory_space<vmem>>, %arg2: memref<1000x128xf32, #tpu.memory_space<vmem>>, %arg3: memref<2x1000x128xf32, #tpu.memory_space<vmem>>, %arg4: memref<1000x128xf32, #tpu.memory_space<vmem>>, %arg5: memref<128x512xf32, #tpu.memory_space<vmem>>, %arg6: memref<128x512xf32, #tpu.memory_space<vmem>>, %arg7: memref<128x512xf32, #tpu.memory_space<vmem>>, %arg8: memref<1x512xf32, #tpu.memory_space<vmem>>, %arg9: memref<1000x128xf32, #tpu.memory_space<vmem>>, %arg10: memref<1000x128xf32, #tpu.memory_space<vmem>>, %arg11: memref<1000x64xf32, #tpu.memory_space<vmem>>) attributes {dimension_semantics = [#tpu.dimension_semantics<arbitrary>], iteration_bounds = array<i64: 10>, scalar_prefetch = 0 : i64, scratch_operands = 0 : i64, tpu.core_type = #tpu.core_type<tc>, window_params = [{transform_indices = @transform_0, window_bounds = array<i64: 1000, 128>}, {transform_indices = @transform_1, window_bounds = array<i64: 1000, 128>}, {transform_indices = @transform_2, window_bounds = array<i64: 2, 1000, 128>}, {transform_indices = @transform_3, window_bounds = array<i64: 1000, 128>}, {pipeline_mode = #tpu.pipeline_mode<synchronous>, transform_indices = @transform_4, window_bounds = array<i64: 128, 512>}, {pipeline_mode = #tpu.pipeline_mode<synchronous>, transform_indices = @transform_5, window_bounds = array<i64: 128, 512>}, {pipeline_mode = #tpu.pipeline_mode<synchronous>, transform_indices = @transform_6, window_bounds = array<i64: 128, 512>}, {pipeline_mode = #tpu.pipeline_mode<synchronous>, transform_indices = @transform_7, window_bounds = array<i64: 1, 512>}, {transform_indices = @transform_8, window_bounds = array<i64: 1000, 128>}, {transform_indices = @transform_9, window_bounds = array<i64: 1000, 128>}, {transform_indices = @transform_10, window_bounds = array<i64: 1000, 64>}]} {
    %get3A = arith.constant 0 : index
    %get3A_0 = arith.constant 0 : index
    %get3A_1 = arith.constant 0 : index
    %get3A_2 = vector.load %arg3[%get3A, %get3A_0, %get3A_1] : memref<2x1000x128xf32, #tpu.memory_space<vmem>>, vector<1x1000x128xf32>
    %get3A_3 = vector.shape_cast %get3A_2 : vector<1x1000x128xf32> to vector<1000x128xf32>
    %get3A_4 = arith.constant 1 : index
    %get3A_5 = arith.constant 0 : index
    %get3A_6 = arith.constant 0 : index
    %get3A_7 = vector.load %arg3[%get3A_4, %get3A_5, %get3A_6] : memref<2x1000x128xf32, #tpu.memory_space<vmem>>, vector<1x1000x128xf32>
    %get3A_8 = vector.shape_cast %get3A_7 : vector<1x1000x128xf32> to vector<1000x128xf32>
    %add3A = arith.addf %get3A_3, %get3A_8 : vector<1000x128xf32>
    %get3A_9 = arith.constant 0 : index
    %get3A_10 = arith.constant 0 : index
    %get3A_11 = vector.load %arg1[%get3A_9, %get3A_10] : memref<1000x128xf32, #tpu.memory_space<vmem>>, vector<1000x128xf32>
    %get3A_12 = arith.constant 0 : index
    %get3A_13 = arith.constant 0 : index
    %get3A_14 = vector.load %arg5[%get3A_12, %get3A_13] : memref<128x512xf32, #tpu.memory_space<vmem>>, vector<128x512xf32>
    %dot_general3A = arith.constant dense<0.000000e+00> : vector<1000x512xf32>
    %dot_general3A_15 = tpu.matmul %get3A_11, %get3A_14, %dot_general3A {dimension_numbers = #tpu.dot_dimension_numbers<[1], [0], [0], [1], [0, 0, 1, 1], [], []>, transpose_lhs_hint = false} : vector<1000x128xf32>, vector<128x512xf32>, vector<1000x512xf32> -> vector<1000x512xf32>
    %get3A_16 = arith.constant 0 : index
    %get3A_17 = arith.constant 0 : index
    %get3A_18 = vector.load %arg2[%get3A_16, %get3A_17] : memref<1000x128xf32, #tpu.memory_space<vmem>>, vector<1000x128xf32>
    %get3A_19 = arith.constant 0 : index
    %get3A_20 = arith.constant 0 : index
    %get3A_21 = vector.load %arg6[%get3A_19, %get3A_20] : memref<128x512xf32, #tpu.memory_space<vmem>>, vector<128x512xf32>
    %dot_general3A_22 = arith.constant dense<0.000000e+00> : vector<1000x512xf32>
    %dot_general3A_23 = tpu.matmul %get3A_18, %get3A_21, %dot_general3A_22 {dimension_numbers = #tpu.dot_dimension_numbers<[1], [0], [0], [1], [0, 0, 1, 1], [], []>, transpose_lhs_hint = false} : vector<1000x128xf32>, vector<128x512xf32>, vector<1000x512xf32> -> vector<1000x512xf32>
    %add3A_24 = arith.addf %dot_general3A_15, %dot_general3A_23 : vector<1000x512xf32>
    %get3A_25 = arith.constant 0 : index
    %get3A_26 = arith.constant 0 : index
    %get3A_27 = vector.load %arg7[%get3A_25, %get3A_26] : memref<128x512xf32, #tpu.memory_space<vmem>>, vector<128x512xf32>
    %dot_general3A_28 = arith.constant dense<0.000000e+00> : vector<1000x512xf32>
    %dot_general3A_29 = tpu.matmul %add3A, %get3A_27, %dot_general3A_28 {dimension_numbers = #tpu.dot_dimension_numbers<[1], [0], [0], [1], [0, 0, 1, 1], [], []>, transpose_lhs_hint = false} : vector<1000x128xf32>, vector<128x512xf32>, vector<1000x512xf32> -> vector<1000x512xf32>
    %add3A_30 = arith.addf %add3A_24, %dot_general3A_29 : vector<1000x512xf32>
    %get3A_31 = arith.constant 0 : index
    %get3A_32 = arith.constant 0 : index
    %get3A_33 = vector.load %arg8[%get3A_31, %get3A_32] : memref<1x512xf32, #tpu.memory_space<vmem>>, vector<1x512xf32>
    %add3A_34 = vector.broadcast %get3A_33 : vector<1x512xf32> to vector<1000x512xf32>
    %add3A_35 = arith.addf %add3A_30, %add3A_34 : vector<1000x512xf32>
    %slice3A = vector.extract_strided_slice %add3A_35 {offsets = [0, 0], sizes = [1000, 128], strides = [1, 1]} : vector<1000x512xf32> to vector<1000x128xf32>
    %logistic3A = arith.negf %slice3A : vector<1000x128xf32>
    %logistic3A_36 = math.exp %logistic3A : vector<1000x128xf32>
    %logistic3A_37 = arith.constant 1.000000e+00 : f32
    %logistic3A_38 = vector.broadcast %logistic3A_37 : f32 to vector<1000x128xf32>
    %logistic3A_39 = arith.addf %logistic3A_38, %logistic3A_36 : vector<1000x128xf32>
    %logistic3A_40 = arith.divf %logistic3A_38, %logistic3A_39 : vector<1000x128xf32>
    %slice3A_41 = vector.extract_strided_slice %add3A_35 {offsets = [0, 128], sizes = [1000, 128], strides = [1, 1]} : vector<1000x512xf32> to vector<1000x128xf32>
    %logistic3A_42 = arith.negf %slice3A_41 : vector<1000x128xf32>
    %logistic3A_43 = math.exp %logistic3A_42 : vector<1000x128xf32>
    %logistic3A_44 = arith.constant 1.000000e+00 : f32
    %logistic3A_45 = vector.broadcast %logistic3A_44 : f32 to vector<1000x128xf32>
    %logistic3A_46 = arith.addf %logistic3A_45, %logistic3A_43 : vector<1000x128xf32>
    %logistic3A_47 = arith.divf %logistic3A_45, %logistic3A_46 : vector<1000x128xf32>
    %slice3A_48 = vector.extract_strided_slice %add3A_35 {offsets = [0, 256], sizes = [1000, 128], strides = [1, 1]} : vector<1000x512xf32> to vector<1000x128xf32>
    %tanh3A = math.tanh %slice3A_48 : vector<1000x128xf32>
    %slice3A_49 = vector.extract_strided_slice %add3A_35 {offsets = [0, 384], sizes = [1000, 128], strides = [1, 1]} : vector<1000x512xf32> to vector<1000x128xf32>
    %logistic3A_50 = arith.negf %slice3A_49 : vector<1000x128xf32>
    %logistic3A_51 = math.exp %logistic3A_50 : vector<1000x128xf32>
    %logistic3A_52 = arith.constant 1.000000e+00 : f32
    %logistic3A_53 = vector.broadcast %logistic3A_52 : f32 to vector<1000x128xf32>
    %logistic3A_54 = arith.addf %logistic3A_53, %logistic3A_51 : vector<1000x128xf32>
    %logistic3A_55 = arith.divf %logistic3A_53, %logistic3A_54 : vector<1000x128xf32>
    %get3A_56 = arith.constant 0 : index
    %get3A_57 = arith.constant 0 : index
    %get3A_58 = vector.load %arg4[%get3A_56, %get3A_57] : memref<1000x128xf32, #tpu.memory_space<vmem>>, vector<1000x128xf32>
    %mul3A = arith.mulf %logistic3A_47, %get3A_58 : vector<1000x128xf32>
    %mul3A_59 = arith.mulf %logistic3A_40, %tanh3A : vector<1000x128xf32>
    %add3A_60 = arith.addf %mul3A, %mul3A_59 : vector<1000x128xf32>
    %swap3A = arith.constant 0 : index
    %swap3A_61 = arith.constant 0 : index
    %swap3A_62 = vector.load %arg10[%swap3A, %swap3A_61] : memref<1000x128xf32, #tpu.memory_space<vmem>>, vector<1000x128xf32>
    tpu.vector_store %arg10[%swap3A, %swap3A_61], %add3A_60 {strides = array<i32>} : memref<1000x128xf32, #tpu.memory_space<vmem>>, vector<1000x128xf32>,
    %tanh3A_63 = math.tanh %add3A_60 : vector<1000x128xf32>
    %mul3A_64 = arith.mulf %logistic3A_55, %tanh3A_63 : vector<1000x128xf32>
    %swap3A_65 = arith.constant 0 : index
    %swap3A_66 = arith.constant 0 : index
    %swap3A_67 = vector.load %arg9[%swap3A_65, %swap3A_66] : memref<1000x128xf32, #tpu.memory_space<vmem>>, vector<1000x128xf32>
    tpu.vector_store %arg9[%swap3A_65, %swap3A_66], %mul3A_64 {strides = array<i32>} : memref<1000x128xf32, #tpu.memory_space<vmem>>, vector<1000x128xf32>,
    %convert_element_type3A = arith.truncf %mul3A_64 : vector<1000x128xf32> to vector<1000x128xbf16>
    %slice3A_68 = vector.extract_strided_slice %convert_element_type3A {offsets = [0, 0], sizes = [1000, 16], strides = [1, 1]} : vector<1000x128xbf16> to vector<1000x16xbf16>
    %bitcast_convert_type3A = tpu.bitcast %slice3A_68 : vector<1000x16xbf16> -> vector<1000x16xi16>
    %convert_element_type3A_69 = arith.extui %bitcast_convert_type3A : vector<1000x16xi16> to vector<1000x16xi32>
    %slice3A_70 = vector.extract_strided_slice %convert_element_type3A {offsets = [0, 16], sizes = [1000, 16], strides = [1, 1]} : vector<1000x128xbf16> to vector<1000x16xbf16>
    %bitcast_convert_type3A_71 = tpu.bitcast %slice3A_70 : vector<1000x16xbf16> -> vector<1000x16xi16>
    %convert_element_type3A_72 = arith.extui %bitcast_convert_type3A_71 : vector<1000x16xi16> to vector<1000x16xi32>
    %shift_left3A = arith.constant 16 : i32
    %shift_left3A_73 = vector.broadcast %shift_left3A : i32 to vector<1000x16xi32>
    %shift_left3A_74 = arith.shli %convert_element_type3A_72, %shift_left3A_73 : vector<1000x16xi32>
    %or3A = arith.ori %shift_left3A_74, %convert_element_type3A_69 : vector<1000x16xi32>
    %slice3A_75 = vector.extract_strided_slice %convert_element_type3A {offsets = [0, 32], sizes = [1000, 16], strides = [1, 1]} : vector<1000x128xbf16> to vector<1000x16xbf16>
    %bitcast_convert_type3A_76 = tpu.bitcast %slice3A_75 : vector<1000x16xbf16> -> vector<1000x16xi16>
    %convert_element_type3A_77 = arith.extui %bitcast_convert_type3A_76 : vector<1000x16xi16> to vector<1000x16xi32>
    %slice3A_78 = vector.extract_strided_slice %convert_element_type3A {offsets = [0, 48], sizes = [1000, 16], strides = [1, 1]} : vector<1000x128xbf16> to vector<1000x16xbf16>
    %bitcast_convert_type3A_79 = tpu.bitcast %slice3A_78 : vector<1000x16xbf16> -> vector<1000x16xi16>
    %convert_element_type3A_80 = arith.extui %bitcast_convert_type3A_79 : vector<1000x16xi16> to vector<1000x16xi32>
    %shift_left3A_81 = arith.constant 16 : i32
    %shift_left3A_82 = vector.broadcast %shift_left3A_81 : i32 to vector<1000x16xi32>
    %shift_left3A_83 = arith.shli %convert_element_type3A_80, %shift_left3A_82 : vector<1000x16xi32>
    %or3A_84 = arith.ori %shift_left3A_83, %convert_element_type3A_77 : vector<1000x16xi32>
    %slice3A_85 = vector.extract_strided_slice %convert_element_type3A {offsets = [0, 64], sizes = [1000, 16], strides = [1, 1]} : vector<1000x128xbf16> to vector<1000x16xbf16>
    %bitcast_convert_type3A_86 = tpu.bitcast %slice3A_85 : vector<1000x16xbf16> -> vector<1000x16xi16>
    %convert_element_type3A_87 = arith.extui %bitcast_convert_type3A_86 : vector<1000x16xi16> to vector<1000x16xi32>
    %slice3A_88 = vector.extract_strided_slice %convert_element_type3A {offsets = [0, 80], sizes = [1000, 16], strides = [1, 1]} : vector<1000x128xbf16> to vector<1000x16xbf16>
    %bitcast_convert_type3A_89 = tpu.bitcast %slice3A_88 : vector<1000x16xbf16> -> vector<1000x16xi16>
    %convert_element_type3A_90 = arith.extui %bitcast_convert_type3A_89 : vector<1000x16xi16> to vector<1000x16xi32>
    %shift_left3A_91 = arith.constant 16 : i32
    %shift_left3A_92 = vector.broadcast %shift_left3A_91 : i32 to vector<1000x16xi32>
    %shift_left3A_93 = arith.shli %convert_element_type3A_90, %shift_left3A_92 : vector<1000x16xi32>
    %or3A_94 = arith.ori %shift_left3A_93, %convert_element_type3A_87 : vector<1000x16xi32>
    %slice3A_95 = vector.extract_strided_slice %convert_element_type3A {offsets = [0, 96], sizes = [1000, 16], strides = [1, 1]} : vector<1000x128xbf16> to vector<1000x16xbf16>
    %bitcast_convert_type3A_96 = tpu.bitcast %slice3A_95 : vector<1000x16xbf16> -> vector<1000x16xi16>
    %convert_element_type3A_97 = arith.extui %bitcast_convert_type3A_96 : vector<1000x16xi16> to vector<1000x16xi32>
    %slice3A_98 = vector.extract_strided_slice %convert_element_type3A {offsets = [0, 112], sizes = [1000, 16], strides = [1, 1]} : vector<1000x128xbf16> to vector<1000x16xbf16>
    %bitcast_convert_type3A_99 = tpu.bitcast %slice3A_98 : vector<1000x16xbf16> -> vector<1000x16xi16>
    %convert_element_type3A_100 = arith.extui %bitcast_convert_type3A_99 : vector<1000x16xi16> to vector<1000x16xi32>
    %shift_left3A_101 = arith.constant 16 : i32
    %shift_left3A_102 = vector.broadcast %shift_left3A_101 : i32 to vector<1000x16xi32>
    %shift_left3A_103 = arith.shli %convert_element_type3A_100, %shift_left3A_102 : vector<1000x16xi32>
    %or3A_104 = arith.ori %shift_left3A_103, %convert_element_type3A_97 : vector<1000x16xi32>
    %concatenate3A = tpu.concatenate %or3A, %or3A_84, %or3A_94, %or3A_104 in 1 : vector<1000x16xi32>, vector<1000x16xi32>, vector<1000x16xi32>, vector<1000x16xi32> -> vector<1000x64xi32>
    %bitcast_convert_type3A_105 = tpu.bitcast %concatenate3A : vector<1000x64xi32> -> vector<1000x64xf32>
    %swap3A_106 = arith.constant 0 : index
    %swap3A_107 = arith.constant 0 : index
    %swap3A_108 = vector.load %arg11[%swap3A_106, %swap3A_107] : memref<1000x64xf32, #tpu.memory_space<vmem>>, vector<1000x64xf32>
    tpu.vector_store %arg11[%swap3A_106, %swap3A_107], %bitcast_convert_type3A_105 {strides = array<i32>} : memref<1000x64xf32, #tpu.memory_space<vmem>>, vector<1000x64xf32>,
    return
  }
  func.func @transform_0(%arg0: i32) -> (i32, i32) {
    %c0_i32 = arith.constant 0 : i32
    %c0_i32_0 = arith.constant 0 : i32
    return %arg0, %c0_i32 : i32, i32
  }
  func.func @transform_1(%arg0: i32) -> (i32, i32) {
    %c0_i32 = arith.constant 0 : i32
    %c0_i32_0 = arith.constant 0 : i32
    return %arg0, %c0_i32 : i32, i32
  }
  func.func @transform_2(%arg0: i32) -> (i32, i32, i32) {
    %c0_i32 = arith.constant 0 : i32
    %c0_i32_0 = arith.constant 0 : i32
    %c0_i32_1 = arith.constant 0 : i32
    return %c0_i32, %arg0, %c0_i32_0 : i32, i32, i32
  }
  func.func @transform_3(%arg0: i32) -> (i32, i32) {
    %c0_i32 = arith.constant 0 : i32
    %c0_i32_0 = arith.constant 0 : i32
    return %arg0, %c0_i32 : i32, i32
  }
  func.func @transform_4(%arg0: i32) -> (i32, i32) {
    %c0_i32 = arith.constant 0 : i32
    %c0_i32_0 = arith.constant 0 : i32
    %c0_i32_1 = arith.constant 0 : i32
    return %c0_i32, %c0_i32_0 : i32, i32
  }
  func.func @transform_5(%arg0: i32) -> (i32, i32) {
    %c0_i32 = arith.constant 0 : i32
    %c0_i32_0 = arith.constant 0 : i32
    %c0_i32_1 = arith.constant 0 : i32
    return %c0_i32, %c0_i32_0 : i32, i32
  }
  func.func @transform_6(%arg0: i32) -> (i32, i32) {
    %c0_i32 = arith.constant 0 : i32
    %c0_i32_0 = arith.constant 0 : i32
    %c0_i32_1 = arith.constant 0 : i32
    return %c0_i32, %c0_i32_0 : i32, i32
  }
  func.func @transform_7(%arg0: i32) -> (i32, i32) {
    %c0_i32 = arith.constant 0 : i32
    %c0_i32_0 = arith.constant 0 : i32
    %c0_i32_1 = arith.constant 0 : i32
    return %c0_i32, %c0_i32_0 : i32, i32
  }
  func.func @transform_8(%arg0: i32) -> (i32, i32) {
    %c0_i32 = arith.constant 0 : i32
    %c0_i32_0 = arith.constant 0 : i32
    return %arg0, %c0_i32 : i32, i32
  }
  func.func @transform_9(%arg0: i32) -> (i32, i32) {
    %c0_i32 = arith.constant 0 : i32
    %c0_i32_0 = arith.constant 0 : i32
    return %arg0, %c0_i32 : i32, i32
  }
  func.func @transform_10(%arg0: i32) -> (i32, i32) {
    %c0_i32 = arith.constant 0 : i32
    %c0_i32_0 = arith.constant 0 : i32
    return %arg0, %c0_i32 : i32, i32
  }
}

</mosaic_0001>

<sc_bundles>
// kernel: closed_call.17.cloned.1.call-start
scs
__scs_entry_jumppad:
0x0: {  	(pc) =	sbr.rel $0x88, $3  }
0x1: {  	(tag) =	ssettag $0x0;
	lr =	simm.s32 $0x1  }
0x2: {  	[smem:$0x3F8E] =	sst lr;
	_ =	strace $0xD0000000  }
0x3: {  	_ = 	snop  }
0x4: {  	_ = 	snop  }
0x5: {  	_ = 	snop  }
0x6: {  	_ = 	snop  }
0x7: {  	_ = 	snop  }
__scs_overlays_trampoline_lowered:
0x8: {  	[smem:$0x3F9D] =	sst s0  }
0x9: {  	[smem:$0x3F9E] =	sst s1  }
0xa: {  	[smem:$0x3F9F] =	sst s2  }
0xb: {  	[smem:$0x3FA0] =	sst s3  }
0xc: {  	[smem:$0x3FA1] =	sst s4  }
0xd: {  	[smem:$0x3FA2] =	sst s5  }
0xe: {  	[smem:$0x3FA3] =	sst s6  }
0xf: {  	[smem:$0x3FA4] =	sst s7  }
0x10: {  	[smem:$0x3FA5] =	sst s8  }
0x11: {  	[smem:$0x3FA6] =	sst s9;
	s0 =	simm.s32 @!p0 $0x0  }
0x12: {  	s1 =	sld [smem:$0x3F8C];
	s0 =	simm.s32 @p0 $0x1  }
0x13: {  	[smem:$0x3FA7] =	sst s0;
	s0 =	simm.s32 @!p1 $0x0  }
0x14: {  	s2 =	sld [smem:$0x3F8B];
	s0 =	simm.s32 @p1 $0x1  }
0x15: {  	[smem:$0x3FA8] =	sst s0;
	s0 =	simm.s32 @!p2 $0x0  }
0x16: {  	s3 =	sld [smem:$0x3FDB];
	s0 =	simm.s32 @p2 $0x1  }
0x17: {  	s4 =	simm.s32 $0x1BF5;
	[smem:$0x3FAA] =	sst s0  }
0x18: {  	s0 =	sld [smem:$0x3F8D];
	_ =	swait.ge [sflag:s4], $0x0  }
0x19: {  	s7 =	sld [smem:$0x3F8E]  }
0x1a: {  	s8 =	sadd.s32 $0xFFFFE003, lr  }
0x1b: {  	s9 =	sadd.s32 $0xFFFFFEF7, lr;
	s5 =	simm.s32 $0xFFFFFFFF;
	p2 =	slt.u32 s8, $0xFFFFF086  }
0x1c: {  	p1 =	slt.u32 s9, $0xF7A;
	s5 =	simm.s32 @!p2 $0x0  }
0x1d: {  	s5 =	simm.s32 @p1 $0x1;
	p0 =	seq.s32 s7, s2  }
0x1e: {  	s7 =	smul.u32 @!p0 $0xF7A, s2;
	p2 =	seq.s32 @!p0 s5, $0x0  }
0x1f: {  	s9 =	smul.u32 $0xF7A, s1;
	s8 =	simm.s32 @!p0 $0x1BF5;
	p2 =	por !p2, p0  }
0x20: {  	[sflag:s8] =	ssyncset.s32 @!p0 $0xFFFFF086;
	s6 =	sadd.s32 @!p0 s3, s7;
	s7 =	simm.s32 @!p0 $0x108  }
0x21: {  	s3 =	sadd.s32 s3, s9;
	s6 =	sadd.s32 @!p0 $0x88, s6;
	s7 =	simm.s32 @p2 $0x1082  }
0x22: {  	[simem:s7], [sflag:s8] =	dma.local @!p0 [hbm:s6], $0xF7A  }
0x23: {  	s9 =	sor.u32 $0xD0000000, s2;
	s6 =	simm.s32 $0x108;
	_ =	swait.ge @!p0 [sflag:s8], $0x0  }
0x24: {  	s3 =	sadd.s32 $0x88, s3;
	s6 =	simm.s32 @!p1 $0x1082;
	[sflag:s4] =	ssyncset.s32 $0xFFFFF086  }
0x25: {  	[simem:s6], [sflag:s4] =	dma.local [hbm:s3], $0xF7A  }
0x26: {  	[smem:$0x3F8E] =	sst s1;
	(tag) =	ssettag s2;
	_ =	strace s9  }
0x27: {  	s1 =	sld [smem:$0x3F9E]  }
0x28: {  	s2 =	sld [smem:$0x3F9F]  }
0x29: {  	s4 =	sld [smem:$0x3FA1]  }
0x2a: {  	p0 =	seq.s32 s5, $0x0;
	s5 =	sld [smem:$0x3FA2]  }
0x2b: {  	s6 =	sld [smem:$0x3FA3]  }
0x2c: {  	s7 =	sld [smem:$0x3FA4]  }
0x2d: {  	s3 =	simm.s32 $0x108;
	s8 =	sld [smem:$0x3FA5]  }
0x2e: {  	s3 =	simm.s32 @!p0 $0x1082;
	s9 =	sld [smem:$0x3FA6]  }
0x2f: {  	lr =	sadd.s32 s0, s3;
	s0 =	sld [smem:$0x3F9D]  }
0x30: {  	s3 =	sld [smem:$0x3FA0]  }
0x31: {  	[smem:$0x3FA9] =	sst s10  }
0x32: {  	s10 =	sld [smem:$0x3FA7];
	_ =	sdelay $0x3  }
0x33: {  	p0 =	seq.s32 s10, $0x1;
	s10 =	sld [smem:$0x3FA9];
	_ =	sdelay $0x3  }
0x34: {  	[smem:$0x3FA9] =	sst s10  }
0x35: {  	s10 =	sld [smem:$0x3FA8];
	_ =	sdelay $0x3  }
0x36: {  	p1 =	seq.s32 s10, $0x1;
	s10 =	sld [smem:$0x3FA9];
	_ =	sdelay $0x3  }
0x37: {  	[smem:$0x3FA9] =	sst s10  }
0x38: {  	s10 =	sld [smem:$0x3FAA]  }
0x39: {  	_ = 	snop;
	(pc) =	sbr.ind lr, $3  }
0x3a: {  	_ = 	snop  }
0x3b: {  	_ = 	snop  }
0x3c: {  	p2 =	seq.s32 s10, $0x1;
	s10 =	sld [smem:$0x3FA9]  }
0x3d: {  	_ =	shalt  }
0x3e: {  	_ =	shalt  }
0x3f: {  	_ =	shalt  }
0x40: {  	_ =	shalt  }
0x41: {  	_ =	shalt  }
0x42: {  	_ =	shalt  }
0x43: {  	_ =	shalt  }
0x44: {  	_ =	shalt  }
0x45: {  	_ =	shalt  }
0x46: {  	_ =	shalt  }
0x47: {  	_ =	shalt  }
0x48: {  	_ =	shalt  }
0x49: {  	_ =	shalt  }
0x4a: {  	_ =	shalt  }
0x4b: {  	_ =	shalt  }
0x4c: {  	_ =	shalt  }
0x4d: {  	_ =	shalt  }
0x4e: {  	_ =	shalt  }
0x4f: {  	_ =	shalt  }
0x50: {  	_ =	shalt  }
0x51: {  	_ =	shalt  }
0x52: {  	_ =	shalt  }
0x53: {  	_ =	shalt  }
0x54: {  	_ =	shalt  }
0x55: {  	_ =	shalt  }
0x56: {  	_ =	shalt  }
0x57: {  	_ =	shalt  }
0x58: {  	_ =	shalt  }
0x59: {  	_ =	shalt  }
0x5a: {  	_ =	shalt  }
0x5b: {  	_ =	shalt  }
0x5c: {  	_ =	shalt  }
0x5d: {  	_ =	shalt  }
0x5e: {  	_ =	shalt  }
0x5f: {  	_ =	shalt  }
0x60: {  	_ =	shalt  }
0x61: {  	_ =	shalt  }
0x62: {  	_ =	shalt  }
0x63: {  	_ =	shalt  }
0x64: {  	_ =	shalt  }
0x65: {  	_ =	shalt  }
0x66: {  	_ =	shalt  }
0x67: {  	_ =	shalt  }
0x68: {  	_ =	shalt  }
0x69: {  	_ =	shalt  }
0x6a: {  	_ =	shalt  }
0x6b: {  	_ =	shalt  }
0x6c: {  	_ =	shalt  }
0x6d: {  	_ =	shalt  }
0x6e: {  	_ =	shalt  }
0x6f: {  	_ =	shalt  }
0x70: {  	_ =	shalt  }
0x71: {  	_ =	shalt  }
0x72: {  	_ =	shalt  }
0x73: {  	_ =	shalt  }
0x74: {  	_ =	shalt  }
0x75: {  	_ =	shalt  }
0x76: {  	_ =	shalt  }
0x77: {  	_ =	shalt  }
0x78: {  	_ =	shalt  }
0x79: {  	_ =	shalt  }
0x7a: {  	_ =	shalt  }
0x7b: {  	_ =	shalt  }
0x7c: {  	_ =	shalt  }
0x7d: {  	_ =	shalt  }
0x7e: {  	_ =	shalt  }
0x7f: {  	_ =	shalt  }
0x80: {  	_ =	shalt  }
0x81: {  	_ =	shalt  }
0x82: {  	_ =	shalt  }
0x83: {  	_ =	shalt  }
0x84: {  	_ =	shalt  }
0x85: {  	_ =	shalt  }
0x86: {  	_ =	shalt  }
0x87: {  	_ =	shalt  }
.Lfunc_end0:
.L_simem_size_0:
called_computation.1_lowered:
.L_overlay_start_0:
0x88: {  	s2 =	sld [smem:$0x3FD9]  }
0x89: {  	s3 =	sld [smem:$0x3FFE];
	_ =	sdelay $0x1  }
0x8a: {  	s1 =	srdreg.scid  }
0x8b: {  	s0 =	sand.u32 $0x1, s1  }
0x8c: {  	s14 =	sshll.u32 s0, $0xA;
	s2 =	sadd.s32 s3, s2  }
0x8d: {  	s2 =	sadd.s32 s2, s14  }
0x8e: {  	[smem:$0x3FB5] =	sst s2  }
0x8f: {  	_ = 	snop  }
0x90: {  	s2 =	sld [smem:$0x3FD0];
	_ =	sdelay $0x2  }
0x91: {  	s15 =	simm.s32 $0xB;
	s4 =	simm.s32 $0x10  }
0x92: {  	[smem:s4], [sflag:s15] =	dma.local [hbm:s2], $0x1  }
0x93: {  	_ =	swait.eq [sflag:s15], $0x1  }
0x94: {  	[sflag:s15] =	ssyncset.done $0x0  }
0x95: {  	s16 =	sld [smem:$0x10];
	[sflag:s15] =	ssyncadd.s32 $0xFFFFFFFF  }
0x96: {  	s17 =	sld [smem:$0x11];
	(tm) =	ssettm $0x1  }
0x97: {  	s18 =	sld [smem:$0x3FFB];
	_ =	sdelay $0x3  }
0x98: {  	_ =	strace s18  }
0x99: {  	s4 =	sld [smem:$0x3FFC];
	_ =	sdelay $0x3  }
0x9a: {  	_ =	strace s4  }
0x9b: {  	s4 =	sld [smem:$0x3FFD];
	_ =	sdelay $0x3  }
0x9c: {  	_ =	strace s4  }
0x9d: {  	_ =	strace $0x8FFFFFFF  }
0x9e: {  	s19 =	sld [smem:$0x3FDB];
	_ =	sdelay $0x1  }
0x9f: {  	s5 =	simm.s32 $_scs_section_size  }
0xa0: {  	s6 =	simm.s32 $_size__tile_overlayer_lowered;
	s7 =	simm.s32 $_tile_overlayer_lowered  }
0xa1: {  	s22 =	simm.s32 $0x1BFF;
	s21 =	sshll.u32 s7, $0x1;
	s4 =	sadd.s32 s5, s19  }
0xa2: {  	s8 =	simm.s32 $0x0;
	s20 =	sshll.u32 s6, $0x1;
	s6 =	sadd.s32 s21, s4  }
0xa3: {  	[timem:s8], [sflag:s22] =	dma.local [hbm:s6], s20  }
0xa4: {  	_ =	swait.ge [sflag:s22], s20  }
0xa5: {  	s5 =	ssub.s32 $0x0, s20;
	[sflag:s22] =	ssyncset.done $0x0  }
0xa6: {  	[sflag:s22] =	ssyncadd.s32 s5;
	_ =	sdelay $0x1  }
0xa7: {  	s23 =	simm.s32 $0x1B8B  }
0xa8: {  	_ =	swait.ge [sflag:s23], $0x1  }
0xa9: {  	[sflag:s23] =	ssyncset.done $0x0  }
0xaa: {  	s25 =	simm.s32 $0x1B8E;
	s24 =	sld [smem:$0x3FFE];
	[sflag:s23] =	ssyncadd.s32 $0xFFFFFFFF  }
0xab: {  	s26 =	simm.s32 $execute0_lowered;
	[smem:$0x3FD2] =	sst s25  }
0xac: {  	s6 =	sshll.u32 s26, $0x1;
	_ =	strace $0x8000004F;
	[dreg:$0x1] =	wrdreg $0xFFFFFFFF  }
0xad: {  	s28 =	simm.s32 $_size_execute0_lowered;
	s4 =	sadd.s32 s4, s6;
	[dreg:$0x0] =	wrdreg $0x0  }
0xae: {  	s6 =	sshll.u32 s28, $0x1;
	[dreg:$0x2] =	wrdreg s4  }
0xaf: {  	[dreg:$0x3] =	wrdreg s6  }
0xb0: {  	[dreg:$0x4] =	wrdreg $0xC0  }
0xb1: {  	_ =	task [dreg:s8], $0x5FFFF  }
0xb2: {  	[dreg:$0x1] =	wrdreg $0xFFFFFFFF  }
0xb3: {  	[dreg:$0x0] =	wrdreg $0x60  }
0xb4: {  	[dreg:$0x2] =	wrdreg s16  }
0xb5: {  	[dreg:$0x3] =	wrdreg s24  }
0xb6: {  	[dreg:$0x4] =	wrdreg s17  }
0xb7: {  	[dreg:$0x5] =	wrdreg $0x9C000  }
0xb8: {  	[dreg:$0x6] =	wrdreg $0x9  }
0xb9: {  	_ =	task.clear_ibuf [dreg:s8], $0x7FFFF;
	_ =	strace $0x9000004F  }
0xba: {  	s29 =	simm.s32 $0x9;
	_ =	strace $0x80000051  }
0xbb: {  	_ =	swait.ge [sflag:s29], $0x1  }
0xbc: {  	[sflag:s29] =	ssyncadd.s32 $0xFFFFFFFF  }
0xbd: {  	_ =	strace $0x90000051  }
0xbe: {  	_ =	sfence  }
0xbf: {  	s30 =	sld [smem:$0x0];
	_ =	sdelay $0x2  }
0xc0: {  	s31 =	sshll.u32 s1, $0xD;
	s1 =	sshrl.u32 s1, $0x2  }
0xc1: {  	s3 =	sand.u32 $0x4000, s31;
	s1 =	sadd.s32 s1, s30  }
0xc2: {  	s0 =	sor.u32 s3, s0;
	s1 =	sshll.u32 s1, $0x11  }
0xc3: {  	s0 =	sor.u32 s1, s0  }
0xc4: {  	s0 =	sadd.s32 $0x8F2B, s0  }
0xc5: {  	[sflag:s0] =	ssyncadd.remote.s32 $0x1  }
0xc6: {  	_ =	sfence.sel $0xFFFF  }
0xc7: {  	[dreg:$0x0] =	wrdreg $0xFFFFFFFF;
	(pc) =	sbr.abs _section_cstart, $3  }
0xc8: {  	[dreg:$0x1] =	wrdreg $0xFFFFFFFF  }
0xc9: {  	_ =	task.clear_ibuf [dreg:s8], $0x2FFFF;
	_ =	strace $0x9FFFFFFF  }
0xca: {  	(tm) =	ssettm $0x7FFFFFFF  }
0xcb: {  	_ =	shalt  }
tec
execute0_lowered:
.L_overlay_start_1:
0x0: {  	(tag) =	ssettag $0x1  }
0x1: {  	s1 =	rddreg [dreg:$0x0]  }
0x2: {  	s0 =	rddreg [dreg:$0x1]  }
0x3: {  	s2 =	rddreg [dreg:$0x2]  }
0x4: {  	s3 =	rddreg [dreg:$0x3];
	s4 =	srdreg.scid  }
0x5: {  	s10 =	stileid.u32;
	s28 =	simm.s32 $0x4C00;
	s29 =	simm.s32 $0x2  }
0x6: {  	s30 =	simm.s32 $0x7C00;
	s31 =	simm.s32 $0x0;
	s8 =	smul.u32 $0x13880, s10  }
0x7: {  	s5 =	sand.u32 $0x1, s4;
	s4 =	simm.s32 $0x0;
	s17 =	smul.u32 $0x4E200, s10  }
0x8: {  	s6 =	sshll.u32 s5, $0x4;
	s7 =	smul.u32 $0x138800, s5;
	[smem:$0x7FF] =	sst s4  }
0x9: {  	s5 =	ssub.s32 $0x2, s5;
	s6 =	sor.u32 s10, s6;
	_ =	strace $0x80000050  }
0xa: {  	s19 =	sshrl.u32 s5, $0x1;
	s9 =	smul.u32 $0x280, s6;
	s16 =	sadd.s32 s8, s7  }
0xb: {  	s7 =	sshrl.u32 s17, $0x2;
	s5 =	ssub.s32 s5, s19;
	s6 =	sshrl.u32 s16, $0x3  }
0xc: {  	s19 =	smax.u32 s5, $0x1;
	s18 =	sadd.s32 s9, s0;
	s2 =	sadd.s32 s2, s9  }
0xd: {  	s0 =	sadd.s32 s6, s0;
	s20 =	sadd.s32 $0xAE00, s18;
	[dreg:$0x7] =	wrdreg s2  }
0xe: {  	s6 =	sadd.s32 s7, s3;
	s21 =	sadd.s32 $0xFE00, s18;
	[dreg:$0x5] =	wrdreg s20  }
0xf: {  	s22 =	sadd.s32 $0x2000, s6;
	s23 =	sadd.s32 $0x4000, s6;
	[dreg:$0x6] =	wrdreg s21  }
0x10: {  	s24 =	sadd.s32 $0x6000, s6;
	s25 =	sadd.s32 $0x8000, s6;
	[dreg:$0x8] =	wrdreg s22  }
0x11: {  	s26 =	sadd.s32 $0xA000, s6;
	s14 =	sadd.s32 $0xC000, s6;
	[dreg:$0x9] =	wrdreg s23  }
0x12: {  	s15 =	sadd.s32 $0xE000, s6;
	s16 =	sadd.s32 $0x10000, s6;
	[dreg:$0xa] =	wrdreg s24  }
0x13: {  	s17 =	sadd.s32 $0x12000, s6;
	s18 =	sadd.s32 $0x14E00, s0;
	[dreg:$0xb] =	wrdreg s25  }
0x14: {  	[dreg:$0xc] =	wrdreg s26;
	s20 =	simm.s32 $0x3;
	s22 =	simm.s32 $0x2800  }
0x15: {  	v0 =	vimm.f32 $0.0e+00;
	s23 =	simm.s32 $0x5C00;
	s24 =	simm.s32 $0x40;
	s26 =	simm.s32 $0x1  }
.LBB2_1:
0x16: {  	s0 =	rddreg [dreg:$0x5]  }
0x17: {  	[tilespmem:s4], [sflag:$0x3] =	stream.linear.gather [hbm4b:s0+s4], $0x1400, $0x38;
	[tilespmem:$0x1D480] =	vst v63  }
0x18: {  	_ =	swait.ge [sflag:s20], $0x1400  }
0x19: {  	[sflag:s20] =	ssyncset.done $0x0  }
0x1a: {  	s2 =	simm.s32 $0x1400;
	s21 =	rddreg [dreg:$0x6];
	[sflag:s20] =	ssyncadd.s32 $0xFFFFEC00  }
0x1b: {  	[tilespmem:s2], [sflag:$0x3] =	stream.linear.gather [hbm4b:s21+s4], $0x1400, $0x38;
	[tilespmem:$0x1D480] =	vst v63  }
0x1c: {  	_ =	swait.ge [sflag:s20], $0x1400  }
0x1d: {  	[sflag:s20] =	ssyncset.done $0x0  }
0x1e: {  	s25 =	rddreg [dreg:$0x7];
	[sflag:s20] =	ssyncadd.s32 $0xFFFFEC00  }
0x1f: {  	[tilespmem:s22], [sflag:$0x3] =	stream.linear.gather [hbm4b:s25+s4], $0x1400, $0x38;
	[tilespmem:$0x1D480] =	vst v63  }
0x20: {  	_ =	swait.ge [sflag:s20], $0x1400  }
0x21: {  	[sflag:s20] =	ssyncset.done $0x0  }
0x22: {  	s0 =	simm.s32 $0x0;
	s2 =	simm.s32 $0x200;
	[sflag:s20] =	ssyncadd.s32 $0xFFFFEC00  }
.LBB2_2:
0x23: {  	p0 =	sne.s32 s2, $0x7E00;
	[tilespmem:s0+$0x5C70] =	vst v0  }
0x24: {  	[tilespmem:s0+$0x5C00] =	vst v0  }
0x25: {  	[tilespmem:s0+$0x5C10] =	vst v0  }
.Ltmp0:
0x26: {  	[tilespmem:s0+$0x5C20] =	vst v0;
	(pc) =	sbr.rel @p0 .LBB2_2-.Ltmp0, $4  }
0x27: {  	[tilespmem:s0+$0x5C30] =	vst v0  }
0x28: {  	[tilespmem:s0+$0x5C40] =	vst v0  }
0x29: {  	[tilespmem:s0+$0x5C50] =	vst v0  }
0x2a: {  	[tilespmem:s0+$0x5C60] =	vst v0;
	s0 =	sshra.s32 s2, $0x2;
	s2 =	sadd.s32 $0x200, s2  }
0x2b: {  	[tilespmem:s0+$0x5C70] =	vst v0  }
0x2c: {  	[tilespmem:s0+$0x5C00] =	vst v0  }
0x2d: {  	[tilespmem:s0+$0x5C10] =	vst v0  }
0x2e: {  	[tilespmem:s0+$0x5C20] =	vst v0  }
0x2f: {  	[tilespmem:s0+$0x5C30] =	vst v0  }
0x30: {  	[tilespmem:s0+$0x5C40] =	vst v0  }
0x31: {  	[tilespmem:s0+$0x5C50] =	vst v0  }
0x32: {  	[tilespmem:s0+$0x5C60] =	vst v0  }
0x33: {  	[spmem:s6] =	stream.linear.scatter [tilespmem:s23], [sflag:$0x3], $0x2000, $0x38;
	[tilespmem:$0x1D480] =	vst v63  }
0x34: {  	_ =	swait.ge [sflag:s20], $0x2000  }
0x35: {  	[sflag:s20] =	ssyncset.done $0x0  }
0x36: {  	s11 =	rddreg [dreg:$0x8];
	[sflag:s20] =	ssyncadd.s32 $0xFFFFE000  }
0x37: {  	[spmem:s11] =	stream.linear.scatter [tilespmem:s23], [sflag:$0x3], $0x2000, $0x38;
	[tilespmem:$0x1D480] =	vst v63  }
0x38: {  	_ =	swait.ge [sflag:s20], $0x2000  }
0x39: {  	[sflag:s20] =	ssyncset.done $0x0  }
0x3a: {  	s12 =	rddreg [dreg:$0x9];
	[sflag:s20] =	ssyncadd.s32 $0xFFFFE000  }
0x3b: {  	[spmem:s12] =	stream.linear.scatter [tilespmem:s23], [sflag:$0x3], $0x2000, $0x38;
	[tilespmem:$0x1D480] =	vst v63  }
0x3c: {  	_ =	swait.ge [sflag:s20], $0x2000  }
0x3d: {  	[sflag:s20] =	ssyncset.done $0x0  }
0x3e: {  	s13 =	rddreg [dreg:$0xa];
	[sflag:s20] =	ssyncadd.s32 $0xFFFFE000  }
0x3f: {  	[spmem:s13] =	stream.linear.scatter [tilespmem:s23], [sflag:$0x3], $0x2000, $0x38;
	[tilespmem:$0x1D480] =	vst v63  }
0x40: {  	_ =	swait.ge [sflag:s20], $0x2000  }
0x41: {  	[sflag:s20] =	ssyncset.done $0x0  }
0x42: {  	s21 =	rddreg [dreg:$0xb];
	[sflag:s20] =	ssyncadd.s32 $0xFFFFE000  }
0x43: {  	[spmem:s21] =	stream.linear.scatter [tilespmem:s23], [sflag:$0x3], $0x2000, $0x38;
	[tilespmem:$0x1D480] =	vst v63  }
0x44: {  	_ =	swait.ge [sflag:s20], $0x2000  }
0x45: {  	[sflag:s20] =	ssyncset.done $0x0  }
0x46: {  	s25 =	rddreg [dreg:$0xc];
	[sflag:s20] =	ssyncadd.s32 $0xFFFFE000  }
0x47: {  	[spmem:s25] =	stream.linear.scatter [tilespmem:s23], [sflag:$0x3], $0x2000, $0x38;
	[tilespmem:$0x1D480] =	vst v63  }
0x48: {  	_ =	swait.ge [sflag:s20], $0x2000  }
0x49: {  	[sflag:s20] =	ssyncset.done $0x0  }
0x4a: {  	[sflag:s20] =	ssyncadd.s32 $0xFFFFE000  }
0x4b: {  	[spmem:s14] =	stream.linear.scatter [tilespmem:s23], [sflag:$0x3], $0x2000, $0x38;
	[tilespmem:$0x1D480] =	vst v63  }
0x4c: {  	_ =	swait.ge [sflag:s20], $0x2000  }
0x4d: {  	[sflag:s20] =	ssyncset.done $0x0  }
0x4e: {  	[sflag:s20] =	ssyncadd.s32 $0xFFFFE000  }
0x4f: {  	[spmem:s15] =	stream.linear.scatter [tilespmem:s23], [sflag:$0x3], $0x2000, $0x38;
	[tilespmem:$0x1D480] =	vst v63  }
0x50: {  	_ =	swait.ge [sflag:s20], $0x2000  }
0x51: {  	[sflag:s20] =	ssyncset.done $0x0  }
0x52: {  	[sflag:s20] =	ssyncadd.s32 $0xFFFFE000  }
0x53: {  	[spmem:s16] =	stream.linear.scatter [tilespmem:s23], [sflag:$0x3], $0x2000, $0x38;
	[tilespmem:$0x1D480] =	vst v63  }
0x54: {  	_ =	swait.ge [sflag:s20], $0x2000  }
0x55: {  	[sflag:s20] =	ssyncset.done $0x0  }
0x56: {  	[sflag:s20] =	ssyncadd.s32 $0xFFFFE000  }
0x57: {  	[spmem:s17] =	stream.linear.scatter [tilespmem:s23], [sflag:$0x3], $0x1880, $0x38;
	[tilespmem:$0x1D480] =	vst v63  }
0x58: {  	_ =	swait.ge [sflag:s20], $0x1880  }
0x59: {  	[sflag:s20] =	ssyncset.done $0x0  }
0x5a: {  	s0 =	simm.s32 $0x0;
	[sflag:s20] =	ssyncadd.s32 $0xFFFFE780  }
0x5b: {  	s2 =	simm.s32 $0x3C00;
	s21 =	simm.s32 $0x0;
	[bflag:$0x0] =	sbarrier.arrive $0xFFFF  }
0x5c: {  	[tilespmem:s2], [sflag:$0x1] =	stream.indirect.gather [hbm4b:s1+s24], $0x40, s0, s24, $0xb8;
	[tilespmem:$0x1D480] =	vst v63  }
.LBB2_4:
0x5d: {  	p0 =	seq.s32 s21, $0x0;
	s5 =	sadd.s32 $0xFFFFFFFE, s0  }
0x5e: {  	s2 =	simm.s32 @!p0 $0x2;
	s7 =	sadd.s32 $0x2, s5  }
0x5f: {  	_ =	swait.ge @!p0 [sflag:s2], $0x2000;
	v1 =	vmov s7  }
0x60: {  	[sflag:s2] =	ssyncset.done @!p0 $0x0;
	v1 =	vand.u32 $0xFFFFFFFE, v1  }
0x61: {  	s8 =	sshll.u32 s21, $0x1;
	[sflag:s2] =	ssyncadd.s32 @!p0 $0xFFFFE000;
	v1 =	vbroadcast v1, $0x0  }
0x62: {  	s9 =	sshll.u32 s8, $0x8;
	_ =	swait.ge [sflag:s26], $0x1000  }
0x63: {  	s10 =	sadd.s32 $0x3, s5;
	s25 =	sor.u32 $0x100, s9;
	[sflag:s26] =	ssyncset.done $0x0  }
0x64: {  	s7 =	simm.s32 $0x3C40;
	s2 =	sshrl.u32 s25, $0x2;
	[sflag:s26] =	ssyncadd.s32 $0xFFFFF000  }
0x65: {  	v2 =	vmov s10;
	[tilespmem:s28], [sflag:$0x1] =	stream.indirect.gather [hbm4b:s1+s24], $0x40, s2, s24, $0xb8;
	[tilespmem:$0x1D480] =	vst v63  }
0x66: {  	v3 =	vld [tilespmem:s7+$0xFFFFFFC0]  }
0x67: {  	v11 =	vld.idx.msk [tilespmem:v1+s22+$0x0], $0xffff;
	_ =	sdelay $0x1  }
0x68: {  	v4 =	vld [tilespmem:s7+$0x0]  }
0x69: {  	v1 =	vld.idx.msk [tilespmem:v2+s22+$0x0], $0xffff  }
0x6a: {  	v2 =	vshll.u32 v3, $0x10  }
0x6b: {  	s11 =	sadd.s32 $0x0, s0;
	v3 =	vand.u32 $0xFFFF0000, v3;
	v2 =	vmul.f32 v2, v11  }
0x6c: {  	s12 =	sadd.s32 $0x2, s11;
	s2 =	simm.s32 $0x5C80;
	v3 =	vmul.f32 v3, v11  }
0x6d: {  	v6 =	vmov s12;
	v5 =	vshll.u32 v4, $0x10;
	[tilespmem:s2+$0xFFFFFF80] =	vst v2  }
0x6e: {  	v2 =	vand.u32 $0xFFFF0000, v4;
	v4 =	vmul.f32 v5, v1;
	v5 =	vand.u32 $0xFFFFFFFE, v6;
	[tilespmem:s2+$0xFFFFFF90] =	vst v3  }
0x6f: {  	v2 =	vmul.f32 v2, v1;
	v3 =	vbroadcast v5, $0x0;
	v5 =	vld [tilespmem:s7+$0xFFFFFFD0]  }
0x70: {  	[tilespmem:s2+$0x0] =	vst v4  }
0x71: {  	s5 =	sadd.s32 $0x3, s11;
	[tilespmem:s2+$0x10] =	vst v2  }
0x72: {  	v4 =	vmov s5;
	v6 =	vld [tilespmem:s7+$0x10]  }
0x73: {  	s5 =	simm.s32 $0x3CC0  }
0x74: {  	v7 =	vld [tilespmem:s5+$0xFFFFFFC0];
	v8 =	vshll.u32 v5, $0x10  }
0x75: {  	v2 =	vld.idx.msk [tilespmem:v3+s22+$0x0], $0xffff;
	v3 =	vand.u32 $0xFFFF0000, v5;
	v5 =	vmul.f32 v8, v11  }
0x76: {  	v8 =	vld [tilespmem:s5+$0x0];
	v9 =	vmul.f32 v3, v11  }
0x77: {  	v3 =	vld.idx.msk [tilespmem:v4+s22+$0x0], $0xffff;
	v4 =	vshll.u32 v6, $0x10;
	[tilespmem:s2+$0xFFFFFFA0] =	vst v5  }
0x78: {  	v5 =	vand.u32 $0xFFFF0000, v6;
	v4 =	vmul.f32 v4, v1;
	[tilespmem:s2+$0xFFFFFFB0] =	vst v9  }
0x79: {  	v5 =	vmul.f32 v5, v1;
	v9 =	vshll.u32 v7, $0x10;
	v6 =	vld [tilespmem:s7+$0xFFFFFFE0]  }
0x7a: {  	[tilespmem:s2+$0x20] =	vst v4;
	v4 =	vand.u32 $0xFFFF0000, v7;
	v7 =	vmul.f32 v9, v2  }
0x7b: {  	s13 =	sadd.s32 $0x2, s0;
	s9 =	simm.s32 $0x5D80;
	[tilespmem:s2+$0x30] =	vst v5;
	v5 =	vshll.u32 v8, $0x10;
	v4 =	vmul.f32 v4, v2  }
0x7c: {  	s10 =	sadd.s32 $0x2, s13;
	v8 =	vand.u32 $0xFFFF0000, v8;
	v9 =	vld [tilespmem:s7+$0x20];
	v5 =	vmul.f32 v5, v3;
	[tilespmem:s9+$0xFFFFFF80] =	vst v7  }
0x7d: {  	v7 =	vmul.f32 v8, v3;
	[tilespmem:s9+$0xFFFFFF90] =	vst v4;
	v4 =	vmov s10  }
0x7e: {  	s8 =	sadd.s32 $0x3, s13;
	[tilespmem:s9+$0x0] =	vst v5;
	v8 =	vshll.u32 v6, $0x10;
	v10 =	vld [tilespmem:s5+$0xFFFFFFD0];
	v4 =	vand.u32 $0xFFFFFFFE, v4;
	v5 =	vand.u32 $0xFFFF0000, v6  }
0x7f: {  	[tilespmem:s9+$0x10] =	vst v7;
	v7 =	vmov s8;
	v6 =	vmul.f32 v8, v11;
	v12 =	vbroadcast v4, $0x0  }
0x80: {  	v4 =	vmul.f32 v5, v11  }
0x81: {  	s10 =	simm.s32 $0x3D40;
	v13 =	vld [tilespmem:s5+$0x10];
	v5 =	vshll.u32 v9, $0x10;
	[tilespmem:s2+$0xFFFFFFC0] =	vst v6  }
0x82: {  	v8 =	vld [tilespmem:s10+$0xFFFFFFC0];
	v6 =	vand.u32 $0xFFFF0000, v9;
	v5 =	vmul.f32 v5, v1;
	[tilespmem:s2+$0xFFFFFFD0] =	vst v4  }
0x83: {  	v6 =	vmul.f32 v6, v1;
	v14 =	vld [tilespmem:s7+$0xFFFFFFF0];
	v4 =	vshll.u32 v10, $0x10  }
0x84: {  	[tilespmem:s2+$0x40] =	vst v5;
	v5 =	vand.u32 $0xFFFF0000, v10;
	v9 =	vmul.f32 v4, v2;
	v4 =	vld.idx.msk [tilespmem:v7+s22+$0x0], $0xffff  }
0x85: {  	[tilespmem:s2+$0x50] =	vst v6;
	v6 =	vmul.f32 v5, v2;
	v5 =	vld.idx.msk [tilespmem:v12+s22+$0x0], $0xffff  }
0x86: {  	v7 =	vshll.u32 v13, $0x10;
	[tilespmem:s9+$0xFFFFFFA0] =	vst v9;
	v9 =	vld [tilespmem:s10+$0x0]  }
0x87: {  	v10 =	vand.u32 $0xFFFF0000, v13;
	v7 =	vmul.f32 v7, v3  }
0x88: {  	v13 =	vmul.f32 v10, v3;
	[tilespmem:s9+$0xFFFFFFB0] =	vst v6;
	v6 =	vld [tilespmem:s7+$0x30];
	v10 =	vshll.u32 v14, $0x10;
	v12 =	vand.u32 $0xFFFF0000, v14  }
0x89: {  	[tilespmem:s9+$0x20] =	vst v7;
	v7 =	vld [tilespmem:s5+$0xFFFFFFE0];
	v10 =	vmul.f32 v10, v11;
	v11 =	vmul.f32 v12, v11  }
0x8a: {  	s11 =	simm.s32 $0x4;
	s8 =	simm.s32 $0x3D40;
	s7 =	simm.s32 $0x5D80;
	[tilespmem:s9+$0x30] =	vst v13;
	v12 =	vshll.u32 v8, $0x10  }
.LBB2_5:
0x8b: {  	s12 =	sadd.s32 s11, s0;
	v8 =	vand.u32 $0xFFFF0000, v8;
	v12 =	vmul.f32 v12, v5;
	v13 =	vshll.u32 v9, $0x10;
	v14 =	vld [tilespmem:s5+$0x20];
	[tilespmem:s2+$0xFFFFFFF0] =	vst v11;
	v15 =	vmovc v5  }
0x8c: {  	s9 =	sadd.s32 $0x100, s9;
	s13 =	sadd.s32 $0x2, s12;
	s12 =	sadd.s32 $0x3, s12;
	v5 =	vmul.f32 v8, v15;
	v8 =	vand.u32 $0xFFFF0000, v9;
	v9 =	vmul.f32 v13, v4;
	[tilespmem:s2+$0xFFFFFFE0] =	vst v10  }
0x8d: {  	v10 =	vmov s13;
	v11 =	vmov s12;
	[tilespmem:s9+$0xFFFFFF80] =	vst v12;
	v8 =	vmul.f32 v8, v4  }
0x8e: {  	s11 =	sadd.s32 $0x2, s11;
	v12 =	vshll.u32 v6, $0x10;
	v10 =	vand.u32 $0xFFFFFFFE, v10;
	[tilespmem:s9+$0xFFFFFF90] =	vst v5;
	v5 =	vshll.u32 v7, $0x10  }
0x8f: {  	p0 =	slt.u32 s11, $0x3E;
	v7 =	vand.u32 $0xFFFF0000, v7;
	v10 =	vbroadcast v10, $0x0;
	v13 =	vld [tilespmem:s10+$0xFFFFFFD0];
	[tilespmem:s9+$0x0] =	vst v9;
	v5 =	vmul.f32 v5, v2  }
0x90: {  	v7 =	vmul.f32 v7, v2;
	[tilespmem:s9+$0x10] =	vst v8;
	v8 =	vshll.u32 v14, $0x10;
	v9 =	vand.u32 $0xFFFF0000, v14  }
0x91: {  	v6 =	vand.u32 $0xFFFF0000, v6;
	v14 =	vld [tilespmem:s10+$0x10];
	[tilespmem:s7+$0xFFFFFFC0] =	vst v5;
	v5 =	vmul.f32 v8, v3;
	v9 =	vmul.f32 v9, v3  }
0x92: {  	v6 =	vmul.f32 v6, v1;
	v11 =	vld.idx.msk [tilespmem:v11+s22+$0x0], $0xffff;
	[tilespmem:s7+$0xFFFFFFD0] =	vst v7;
	v7 =	vmul.f32 v12, v1;
	v1 =	vmov v3  }
0x93: {  	s10 =	sadd.s32 $0x80, s10;
	v3 =	vmov v4;
	v12 =	vld [tilespmem:s5+$0xFFFFFFF0];
	[tilespmem:s7+$0x40] =	vst v5  }
0x94: {  	v8 =	vld [tilespmem:s10+$0xFFFFFFC0];
	v4 =	vshll.u32 v13, $0x10;
	[tilespmem:s7+$0x50] =	vst v9  }
0x95: {  	v5 =	vld.idx.msk [tilespmem:v10+s22+$0x0], $0xffff;
	v10 =	vand.u32 $0xFFFF0000, v13;
	v16 =	vmul.f32 v4, v15;
	[tilespmem:s2+$0x60] =	vst v7  }
.Ltmp1:
0x96: {  	v9 =	vld [tilespmem:s10+$0x0];
	v7 =	vmul.f32 v10, v15;
	v10 =	vshll.u32 v14, $0x10;
	v13 =	vand.u32 $0xFFFF0000, v14;
	[tilespmem:s2+$0x70] =	vst v6;
	s2 =	smov.u32 s7;
	s7 =	smov.u32 s9;
	(pc) =	sbr.rel @p0 .LBB2_5-.Ltmp1, $4  }
0x97: {  	[tilespmem:s9+$0xFFFFFFA0] =	vst v16;
	v10 =	vmul.f32 v10, v3;
	v13 =	vmul.f32 v13, v3;
	v6 =	vld [tilespmem:s5+$0x30];
	s5 =	smov.u32 s8;
	s8 =	smov.u32 s10  }
0x98: {  	v4 =	vmov v11;
	[tilespmem:s9+$0xFFFFFFB0] =	vst v7;
	v14 =	vshll.u32 v12, $0x10;
	v12 =	vand.u32 $0xFFFF0000, v12  }
0x99: {  	v7 =	vld [tilespmem:s5+$0xFFFFFFE0];
	[tilespmem:s9+$0x20] =	vst v10;
	v10 =	vmul.f32 v14, v2;
	v11 =	vmul.f32 v12, v2;
	v2 =	vmov v15  }
0x9a: {  	v12 =	vshll.u32 v8, $0x10;
	[tilespmem:s9+$0x30] =	vst v13  }
0x9b: {  	v8 =	vand.u32 $0xFFFF0000, v8;
	v12 =	vmul.f32 v12, v5  }
0x9c: {  	v13 =	vshll.u32 v9, $0x10;
	s9 =	sadd.s32 $0x100, s9;
	v8 =	vmul.f32 v8, v5  }
0x9d: {  	v9 =	vand.u32 $0xFFFF0000, v9;
	v13 =	vmul.f32 v13, v4;
	[tilespmem:s9+$0xFFFFFF80] =	vst v12  }
0x9e: {  	v9 =	vmul.f32 v9, v4;
	[tilespmem:s9+$0xFFFFFF90] =	vst v8  }
0x9f: {  	[tilespmem:s9+$0x0] =	vst v13;
	v8 =	vld [tilespmem:s10+$0xFFFFFFD0]  }
0xa0: {  	[tilespmem:s9+$0x10] =	vst v9  }
0xa1: {  	v9 =	vld [tilespmem:s10+$0x10];
	_ =	sdelay $0x2  }
0xa2: {  	v12 =	vshll.u32 v8, $0x10  }
0xa3: {  	v8 =	vand.u32 $0xFFFF0000, v8;
	v12 =	vmul.f32 v12, v5  }
0xa4: {  	v13 =	vshll.u32 v9, $0x10;
	v9 =	vand.u32 $0xFFFF0000, v9;
	v8 =	vmul.f32 v8, v5  }
0xa5: {  	v14 =	vld [tilespmem:s5+$0x20];
	v9 =	vmul.f32 v9, v4;
	[tilespmem:s9+$0xFFFFFFA0] =	vst v12  }
0xa6: {  	v12 =	vmul.f32 v13, v4;
	[tilespmem:s9+$0xFFFFFFB0] =	vst v8  }
0xa7: {  	[tilespmem:s9+$0x30] =	vst v9;
	v8 =	vld [tilespmem:s8+$0xFFFFFFE0]  }
0xa8: {  	[tilespmem:s9+$0x20] =	vst v12;
	v12 =	vshll.u32 v7, $0x10  }
0xa9: {  	[tilespmem:s2+$0xFFFFFFF0] =	vst v11;
	v7 =	vand.u32 $0xFFFF0000, v7;
	v9 =	vmul.f32 v12, v2;
	v11 =	vld [tilespmem:s8+$0x20]  }
0xaa: {  	[tilespmem:s2+$0xFFFFFFE0] =	vst v10;
	v10 =	vshll.u32 v14, $0x10;
	v7 =	vmul.f32 v7, v2  }
0xab: {  	v12 =	vand.u32 $0xFFFF0000, v14;
	[tilespmem:s7+$0xFFFFFFC0] =	vst v9;
	v9 =	vmul.f32 v10, v3  }
0xac: {  	v10 =	vmul.f32 v12, v3;
	[tilespmem:s7+$0xFFFFFFD0] =	vst v7;
	v7 =	vshll.u32 v8, $0x10  }
0xad: {  	v12 =	vld [tilespmem:s5+$0xFFFFFFF0];
	v8 =	vand.u32 $0xFFFF0000, v8;
	[tilespmem:s7+$0x40] =	vst v9;
	v7 =	vmul.f32 v7, v5  }
0xae: {  	[tilespmem:s7+$0x50] =	vst v10;
	v8 =	vmul.f32 v8, v5;
	v9 =	vshll.u32 v11, $0x10  }
0xaf: {  	v10 =	vld [tilespmem:s5+$0x30];
	v11 =	vand.u32 $0xFFFF0000, v11;
	[tilespmem:s9+$0xFFFFFFC0] =	vst v7;
	v7 =	vmul.f32 v9, v4  }
0xb0: {  	v9 =	vshll.u32 v6, $0x10;
	v11 =	vmul.f32 v11, v4;
	[tilespmem:s9+$0xFFFFFFD0] =	vst v8  }
0xb1: {  	v6 =	vand.u32 $0xFFFF0000, v6;
	v8 =	vmul.f32 v9, v1;
	v9 =	vld [tilespmem:s8+$0xFFFFFFF0];
	[tilespmem:s9+$0x40] =	vst v7  }
0xb2: {  	v1 =	vmul.f32 v6, v1;
	v6 =	vand.u32 $0xFFFF0000, v12;
	[tilespmem:s9+$0x50] =	vst v11  }
0xb3: {  	v7 =	vshll.u32 v12, $0x10;
	[tilespmem:s2+$0x60] =	vst v8;
	v6 =	vmul.f32 v6, v2;
	v8 =	vld [tilespmem:s8+$0x30]  }
0xb4: {  	[tilespmem:s2+$0x70] =	vst v1;
	v1 =	vmul.f32 v7, v2;
	v2 =	vshll.u32 v10, $0x10  }
0xb5: {  	[tilespmem:s7+$0xFFFFFFF0] =	vst v6;
	v6 =	vand.u32 $0xFFFF0000, v10;
	v2 =	vmul.f32 v2, v3  }
0xb6: {  	[tilespmem:s7+$0xFFFFFFE0] =	vst v1;
	v1 =	vmul.f32 v6, v3;
	v3 =	vand.u32 $0xFFFF0000, v9  }
0xb7: {  	[tilespmem:s7+$0x60] =	vst v2;
	v2 =	vshll.u32 v9, $0x10;
	v3 =	vmul.f32 v3, v5  }
0xb8: {  	[tilespmem:s7+$0x70] =	vst v1;
	v1 =	vmul.f32 v2, v5;
	v2 =	vshll.u32 v8, $0x10  }
0xb9: {  	[tilespmem:s9+$0xFFFFFFF0] =	vst v3;
	v3 =	vand.u32 $0xFFFF0000, v8;
	v2 =	vmul.f32 v2, v4  }
0xba: {  	s2 =	sshll.u32 s21, $0x9;
	[tilespmem:s9+$0xFFFFFFE0] =	vst v1;
	v1 =	vmul.f32 v3, v4  }
0xbb: {  	s12 =	sshrl.u32 s2, $0x2;
	[tilespmem:s9+$0x60] =	vst v2  }
0xbc: {  	s13 =	sadd.s32 $0xFFFFFFFE, s0;
	s5 =	sadd.s32 $0x1400, s12;
	[tilespmem:s9+$0x70] =	vst v1  }
0xbd: {  	[spmem:s3] =	stream.indirect.scatter.add.f32 [tilespmem:s23], [sflag:$0x2], $0x80, s5, s24, $0xb8;
	[tilespmem:$0x1D480] =	vst v63  }
0xbe: {  	s8 =	sadd.s32 $0x42, s13;
	_ =	swait.ge [sflag:s29], $0x2000  }
0xbf: {  	v1 =	vmov s8;
	[sflag:s29] =	ssyncset.done $0x0  }
0xc0: {  	p0 =	seq.s32 s21, $0x27;
	v1 =	vand.u32 $0xFFFFFFFE, v1;
	[sflag:s29] =	ssyncadd.s32 $0xFFFFE000  }
0xc1: {  	s2 =	sshrl.u32 @!p0 s2, $0x2;
	v1 =	vbroadcast v1, $0x0;
	_ =	swait.ge [sflag:s26], $0x1000  }
0xc2: {  	s2 =	sadd.s32 @!p0 $0x80, s2;
	s7 =	simm.s32 @!p0 $0x40;
	[sflag:s26] =	ssyncset.done $0x0  }
0xc3: {  	s8 =	simm.s32 @!p0 $0x3C00;
	s9 =	sadd.s32 $0x43, s13;
	[sflag:s26] =	ssyncadd.s32 $0xFFFFF000  }
0xc4: {  	[tilespmem:s8], [sflag:$0x1] =	stream.indirect.gather @!p0 [hbm4b:s1+s7], $0x40, s2, s7, $0xb8;
	[tilespmem:$0x1D480] =	vst v63  }
0xc5: {  	v2 =	vmov s9;
	s7 =	simm.s32 $0x4C40  }
0xc6: {  	v3 =	vld [tilespmem:s7+$0xFFFFFFC0]  }
0xc7: {  	v11 =	vld.idx.msk [tilespmem:v1+s22+$0x0], $0xffff;
	_ =	sdelay $0x1  }
0xc8: {  	v4 =	vld [tilespmem:s7+$0x0]  }
0xc9: {  	v1 =	vld.idx.msk [tilespmem:v2+s22+$0x0], $0xffff  }
0xca: {  	v2 =	vshll.u32 v3, $0x10  }
0xcb: {  	s10 =	sadd.s32 $0x0, s0;
	v3 =	vand.u32 $0xFFFF0000, v3;
	v2 =	vmul.f32 v2, v11  }
0xcc: {  	s11 =	sadd.s32 $0x42, s10;
	s2 =	simm.s32 $0x7C80;
	v3 =	vmul.f32 v3, v11  }
0xcd: {  	v6 =	vmov s11;
	v5 =	vshll.u32 v4, $0x10;
	[tilespmem:s2+$0xFFFFFF80] =	vst v2  }
0xce: {  	v2 =	vand.u32 $0xFFFF0000, v4;
	v4 =	vmul.f32 v5, v1;
	v5 =	vand.u32 $0xFFFFFFFE, v6;
	[tilespmem:s2+$0xFFFFFF90] =	vst v3  }
0xcf: {  	v2 =	vmul.f32 v2, v1;
	v3 =	vbroadcast v5, $0x0;
	v5 =	vld [tilespmem:s7+$0xFFFFFFD0]  }
0xd0: {  	[tilespmem:s2+$0x0] =	vst v4  }
0xd1: {  	s5 =	sadd.s32 $0x43, s10;
	[tilespmem:s2+$0x10] =	vst v2  }
0xd2: {  	v4 =	vmov s5;
	v6 =	vld [tilespmem:s7+$0x10]  }
0xd3: {  	s5 =	simm.s32 $0x4CC0  }
0xd4: {  	v7 =	vld [tilespmem:s5+$0xFFFFFFC0];
	v8 =	vshll.u32 v5, $0x10  }
0xd5: {  	v2 =	vld.idx.msk [tilespmem:v3+s22+$0x0], $0xffff;
	v3 =	vand.u32 $0xFFFF0000, v5;
	v5 =	vmul.f32 v8, v11  }
0xd6: {  	v8 =	vld [tilespmem:s5+$0x0];
	v9 =	vmul.f32 v3, v11  }
0xd7: {  	v3 =	vld.idx.msk [tilespmem:v4+s22+$0x0], $0xffff;
	v4 =	vshll.u32 v6, $0x10;
	[tilespmem:s2+$0xFFFFFFA0] =	vst v5  }
0xd8: {  	v5 =	vand.u32 $0xFFFF0000, v6;
	v4 =	vmul.f32 v4, v1;
	[tilespmem:s2+$0xFFFFFFB0] =	vst v9  }
0xd9: {  	v5 =	vmul.f32 v5, v1;
	v9 =	vshll.u32 v7, $0x10;
	v6 =	vld [tilespmem:s7+$0xFFFFFFE0]  }
0xda: {  	[tilespmem:s2+$0x20] =	vst v4;
	v4 =	vand.u32 $0xFFFF0000, v7;
	v7 =	vmul.f32 v9, v2  }
0xdb: {  	s12 =	sadd.s32 $0x2, s0;
	s9 =	simm.s32 $0x7D80;
	[tilespmem:s2+$0x30] =	vst v5;
	v5 =	vshll.u32 v8, $0x10;
	v4 =	vmul.f32 v4, v2  }
0xdc: {  	s13 =	sadd.s32 $0x42, s12;
	v8 =	vand.u32 $0xFFFF0000, v8;
	v9 =	vld [tilespmem:s7+$0x20];
	v5 =	vmul.f32 v5, v3;
	[tilespmem:s9+$0xFFFFFF80] =	vst v7  }
0xdd: {  	v7 =	vmul.f32 v8, v3;
	[tilespmem:s9+$0xFFFFFF90] =	vst v4;
	v4 =	vmov s13  }
0xde: {  	s8 =	sadd.s32 $0x43, s12;
	[tilespmem:s9+$0x0] =	vst v5;
	v8 =	vshll.u32 v6, $0x10;
	v10 =	vld [tilespmem:s5+$0xFFFFFFD0];
	v4 =	vand.u32 $0xFFFFFFFE, v4;
	v5 =	vand.u32 $0xFFFF0000, v6  }
0xdf: {  	[tilespmem:s9+$0x10] =	vst v7;
	v7 =	vmov s8;
	v6 =	vmul.f32 v8, v11;
	v12 =	vbroadcast v4, $0x0  }
0xe0: {  	v4 =	vmul.f32 v5, v11  }
0xe1: {  	s10 =	simm.s32 $0x4D40;
	v13 =	vld [tilespmem:s5+$0x10];
	v5 =	vshll.u32 v9, $0x10;
	[tilespmem:s2+$0xFFFFFFC0] =	vst v6  }
0xe2: {  	v8 =	vld [tilespmem:s10+$0xFFFFFFC0];
	v6 =	vand.u32 $0xFFFF0000, v9;
	v5 =	vmul.f32 v5, v1;
	[tilespmem:s2+$0xFFFFFFD0] =	vst v4  }
0xe3: {  	v6 =	vmul.f32 v6, v1;
	v14 =	vld [tilespmem:s7+$0xFFFFFFF0];
	v4 =	vshll.u32 v10, $0x10  }
0xe4: {  	[tilespmem:s2+$0x40] =	vst v5;
	v5 =	vand.u32 $0xFFFF0000, v10;
	v9 =	vmul.f32 v4, v2;
	v4 =	vld.idx.msk [tilespmem:v7+s22+$0x0], $0xffff  }
0xe5: {  	[tilespmem:s2+$0x50] =	vst v6;
	v6 =	vmul.f32 v5, v2;
	v5 =	vld.idx.msk [tilespmem:v12+s22+$0x0], $0xffff  }
0xe6: {  	v7 =	vshll.u32 v13, $0x10;
	[tilespmem:s9+$0xFFFFFFA0] =	vst v9;
	v9 =	vld [tilespmem:s10+$0x0]  }
0xe7: {  	v10 =	vand.u32 $0xFFFF0000, v13;
	v7 =	vmul.f32 v7, v3  }
0xe8: {  	v13 =	vmul.f32 v10, v3;
	[tilespmem:s9+$0xFFFFFFB0] =	vst v6;
	v6 =	vld [tilespmem:s7+$0x30];
	v10 =	vshll.u32 v14, $0x10;
	v12 =	vand.u32 $0xFFFF0000, v14  }
0xe9: {  	[tilespmem:s9+$0x20] =	vst v7;
	v7 =	vld [tilespmem:s5+$0xFFFFFFE0];
	v10 =	vmul.f32 v10, v11;
	v11 =	vmul.f32 v12, v11  }
0xea: {  	s11 =	simm.s32 $0x4;
	s8 =	simm.s32 $0x4D40;
	s7 =	simm.s32 $0x7D80;
	[tilespmem:s9+$0x30] =	vst v13;
	v12 =	vshll.u32 v8, $0x10  }
.LBB2_7:
0xeb: {  	s12 =	sadd.s32 s11, s0;
	v8 =	vand.u32 $0xFFFF0000, v8;
	v12 =	vmul.f32 v12, v5;
	v13 =	vshll.u32 v9, $0x10;
	v14 =	vld [tilespmem:s5+$0x20];
	[tilespmem:s2+$0xFFFFFFF0] =	vst v11;
	v15 =	vmovc v5  }
0xec: {  	s9 =	sadd.s32 $0x100, s9;
	s13 =	sadd.s32 $0x42, s12;
	s12 =	sadd.s32 $0x43, s12;
	v5 =	vmul.f32 v8, v15;
	v8 =	vand.u32 $0xFFFF0000, v9;
	v9 =	vmul.f32 v13, v4;
	[tilespmem:s2+$0xFFFFFFE0] =	vst v10  }
0xed: {  	v10 =	vmov s13;
	v11 =	vmov s12;
	[tilespmem:s9+$0xFFFFFF80] =	vst v12;
	v8 =	vmul.f32 v8, v4  }
0xee: {  	s11 =	sadd.s32 $0x2, s11;
	v12 =	vshll.u32 v6, $0x10;
	v10 =	vand.u32 $0xFFFFFFFE, v10;
	[tilespmem:s9+$0xFFFFFF90] =	vst v5;
	v5 =	vshll.u32 v7, $0x10  }
0xef: {  	p0 =	slt.u32 s11, $0x3E;
	v7 =	vand.u32 $0xFFFF0000, v7;
	v10 =	vbroadcast v10, $0x0;
	v13 =	vld [tilespmem:s10+$0xFFFFFFD0];
	[tilespmem:s9+$0x0] =	vst v9;
	v5 =	vmul.f32 v5, v2  }
0xf0: {  	v7 =	vmul.f32 v7, v2;
	[tilespmem:s9+$0x10] =	vst v8;
	v8 =	vshll.u32 v14, $0x10;
	v9 =	vand.u32 $0xFFFF0000, v14  }
0xf1: {  	v6 =	vand.u32 $0xFFFF0000, v6;
	v14 =	vld [tilespmem:s10+$0x10];
	[tilespmem:s7+$0xFFFFFFC0] =	vst v5;
	v5 =	vmul.f32 v8, v3;
	v9 =	vmul.f32 v9, v3  }
0xf2: {  	v6 =	vmul.f32 v6, v1;
	v11 =	vld.idx.msk [tilespmem:v11+s22+$0x0], $0xffff;
	[tilespmem:s7+$0xFFFFFFD0] =	vst v7;
	v7 =	vmul.f32 v12, v1;
	v1 =	vmov v3  }
0xf3: {  	s10 =	sadd.s32 $0x80, s10;
	v3 =	vmov v4;
	v12 =	vld [tilespmem:s5+$0xFFFFFFF0];
	[tilespmem:s7+$0x40] =	vst v5  }
0xf4: {  	v8 =	vld [tilespmem:s10+$0xFFFFFFC0];
	v4 =	vshll.u32 v13, $0x10;
	[tilespmem:s7+$0x50] =	vst v9  }
0xf5: {  	v5 =	vld.idx.msk [tilespmem:v10+s22+$0x0], $0xffff;
	v10 =	vand.u32 $0xFFFF0000, v13;
	v16 =	vmul.f32 v4, v15;
	[tilespmem:s2+$0x60] =	vst v7  }
.Ltmp2:
0xf6: {  	v9 =	vld [tilespmem:s10+$0x0];
	v7 =	vmul.f32 v10, v15;
	v10 =	vshll.u32 v14, $0x10;
	v13 =	vand.u32 $0xFFFF0000, v14;
	[tilespmem:s2+$0x70] =	vst v6;
	s2 =	smov.u32 s7;
	s7 =	smov.u32 s9;
	(pc) =	sbr.rel @p0 .LBB2_7-.Ltmp2, $4  }
0xf7: {  	[tilespmem:s9+$0xFFFFFFA0] =	vst v16;
	v10 =	vmul.f32 v10, v3;
	v13 =	vmul.f32 v13, v3;
	v6 =	vld [tilespmem:s5+$0x30];
	s5 =	smov.u32 s8;
	s8 =	smov.u32 s10  }
0xf8: {  	v4 =	vmov v11;
	[tilespmem:s9+$0xFFFFFFB0] =	vst v7;
	v14 =	vshll.u32 v12, $0x10;
	v12 =	vand.u32 $0xFFFF0000, v12  }
0xf9: {  	v7 =	vld [tilespmem:s5+$0xFFFFFFE0];
	[tilespmem:s9+$0x20] =	vst v10;
	v10 =	vmul.f32 v14, v2;
	v11 =	vmul.f32 v12, v2;
	v2 =	vmov v15  }
0xfa: {  	v12 =	vshll.u32 v8, $0x10;
	[tilespmem:s9+$0x30] =	vst v13  }
0xfb: {  	v8 =	vand.u32 $0xFFFF0000, v8;
	v12 =	vmul.f32 v12, v5  }
0xfc: {  	v13 =	vshll.u32 v9, $0x10;
	s9 =	sadd.s32 $0x100, s9;
	v8 =	vmul.f32 v8, v5  }
0xfd: {  	v40 =	vand.u32 $0xFFFF0000, v9;
	v13 =	vmul.f32 v13, v4;
	[tilespmem:s9+$0xFFFFFF80] =	vst v12  }
0xfe: {  	v9 =	vmul.f32 v40, v4;
	[tilespmem:s9+$0xFFFFFF90] =	vst v8  }
0xff: {  	[tilespmem:s9+$0x0] =	vst v13;
	v8 =	vld [tilespmem:s10+$0xFFFFFFD0]  }
0x100: {  	[tilespmem:s9+$0x10] =	vst v9  }
0x101: {  	v9 =	vld [tilespmem:s10+$0x10];
	_ =	sdelay $0x2  }
0x102: {  	v41 =	vshll.u32 v8, $0x10  }
0x103: {  	v8 =	vand.u32 $0xFFFF0000, v8;
	v12 =	vmul.f32 v41, v5  }
0x104: {  	v42 =	vshll.u32 v9, $0x10;
	v8 =	vmul.f32 v8, v5  }
0x105: {  	v14 =	vld [tilespmem:s5+$0x20];
	v9 =	vand.u32 $0xFFFF0000, v9;
	v43 =	vmul.f32 v42, v4;
	[tilespmem:s9+$0xFFFFFFA0] =	vst v12  }
0x106: {  	v9 =	vmul.f32 v9, v4;
	[tilespmem:s9+$0xFFFFFFB0] =	vst v8  }
0x107: {  	[tilespmem:s9+$0x20] =	vst v43;
	v8 =	vld [tilespmem:s8+$0xFFFFFFE0]  }
0x108: {  	v44 =	vshll.u32 v7, $0x10;
	[tilespmem:s9+$0x30] =	vst v9  }
0x109: {  	[tilespmem:s2+$0xFFFFFFF0] =	vst v11;
	v45 =	vand.u32 $0xFFFF0000, v7;
	v46 =	vmul.f32 v44, v2;
	v47 =	vld [tilespmem:s8+$0x20]  }
0x10a: {  	[tilespmem:s2+$0xFFFFFFE0] =	vst v10;
	v7 =	vmul.f32 v45, v2;
	v48 =	vshll.u32 v14, $0x10  }
0x10b: {  	v49 =	vand.u32 $0xFFFF0000, v14;
	[tilespmem:s7+$0xFFFFFFC0] =	vst v46;
	v50 =	vmul.f32 v48, v3  }
0x10c: {  	v51 =	vmul.f32 v49, v3;
	[tilespmem:s7+$0xFFFFFFD0] =	vst v7;
	v52 =	vshll.u32 v8, $0x10  }
0x10d: {  	v53 =	vld [tilespmem:s5+$0xFFFFFFF0];
	[tilespmem:s7+$0x40] =	vst v50;
	v8 =	vand.u32 $0xFFFF0000, v8;
	v7 =	vmul.f32 v52, v5  }
0x10e: {  	[tilespmem:s7+$0x50] =	vst v51;
	v54 =	vshll.u32 v47, $0x10;
	v8 =	vmul.f32 v8, v5  }
0x10f: {  	v10 =	vld [tilespmem:s5+$0x30];
	v11 =	vand.u32 $0xFFFF0000, v47;
	v55 =	vmul.f32 v54, v4;
	[tilespmem:s9+$0xFFFFFFC0] =	vst v7  }
0x110: {  	v56 =	vshll.u32 v6, $0x10;
	v11 =	vmul.f32 v11, v4;
	[tilespmem:s9+$0xFFFFFFD0] =	vst v8  }
0x111: {  	v57 =	vand.u32 $0xFFFF0000, v6;
	v58 =	vmul.f32 v56, v1;
	[tilespmem:s9+$0x40] =	vst v55;
	v59 =	vld [tilespmem:s8+$0xFFFFFFF0]  }
0x112: {  	v1 =	vmul.f32 v57, v1;
	v60 =	vand.u32 $0xFFFF0000, v53;
	[tilespmem:s9+$0x50] =	vst v11  }
0x113: {  	[tilespmem:s2+$0x60] =	vst v58;
	v61 =	vshll.u32 v53, $0x10;
	v6 =	vmul.f32 v60, v2;
	v62 =	vld [tilespmem:s8+$0x30]  }
0x114: {  	[tilespmem:s2+$0x70] =	vst v1;
	v1 =	vmul.f32 v61, v2;
	v2 =	vshll.u32 v10, $0x10  }
0x115: {  	v63 =	vand.u32 $0xFFFF0000, v10;
	[tilespmem:s7+$0xFFFFFFF0] =	vst v6;
	v2 =	vmul.f32 v2, v3  }
0x116: {  	[tilespmem:s7+$0xFFFFFFE0] =	vst v1;
	v1 =	vmul.f32 v63, v3;
	v3 =	vand.u32 $0xFFFF0000, v59  }
0x117: {  	s21 =	sadd.s32 $0x1, s21;
	[tilespmem:s7+$0x60] =	vst v2;
	v2 =	vshll.u32 v59, $0x10;
	v3 =	vmul.f32 v3, v5  }
0x118: {  	p0 =	sne.s32 s21, $0x28;
	[tilespmem:s7+$0x70] =	vst v1;
	v1 =	vmul.f32 v2, v5;
	v2 =	vshll.u32 v62, $0x10  }
.Ltmp3:
0x119: {  	v2 =	vmul.f32 v2, v4;
	[tilespmem:s9+$0xFFFFFFF0] =	vst v3;
	v3 =	vand.u32 $0xFFFF0000, v62;
	(pc) =	sbr.rel @p0 .LBB2_4-.Ltmp3, $4  }
0x11a: {  	[tilespmem:s9+$0xFFFFFFE0] =	vst v1;
	v1 =	vmul.f32 v3, v4  }
0x11b: {  	s25 =	sshra.s32 s25, $0x2;
	[tilespmem:s9+$0x60] =	vst v2  }
0x11c: {  	s0 =	sadd.s32 $0x80, s0;
	s2 =	sadd.s32 $0x1400, s25;
	[tilespmem:s9+$0x70] =	vst v1  }
0x11d: {  	[spmem:s3] =	stream.indirect.scatter.add.f32 [tilespmem:s30], [sflag:$0x2], $0x80, s2, s24, $0xb8;
	[tilespmem:$0x1D480] =	vst v63  }
0x11e: {  	_ =	swait.ge [sflag:s29], $0x2000;
	s0 =	stileid.u32  }
0x11f: {  	s2 =	sshrl.u32 s6, $0x3;
	s31 =	sadd.s32 $0x1, s31;
	[sflag:s29] =	ssyncset.done $0x0  }
0x120: {  	s0 =	sshll.u32 s0, $0x6;
	p0 =	sne.s32 s31, s19;
	[sflag:s29] =	ssyncadd.s32 $0xFFFFE000  }
.Ltmp4:
0x121: {  	s0 =	sor.u32 $0x1C03, s0;
	[bflag:$0x0] =	sbarrier.arrive $0xFFFF;
	(pc) =	sbr.rel @p0 .LBB2_1-.Ltmp4, $4  }
0x122: {  	[hbm:s18], [sflag:s0] =	dma.local [spmem:s2], $0x2710  }
0x123: {  	_ =	swait.ge [sflag:s20], $0x2710  }
0x124: {  	[sflag:s20] =	ssyncset.done $0x0  }
0x125: {  	[sflag:s20] =	ssyncadd.s32 $0xFFFFD8F0  }
0x126: {  	_ =	sfence.sel $0x180000  }
0x127: {  	[bflag:$0x0] =	sbarrier.arrive $0xFFFF  }
0x128: {  	_ =	strace $0x90000050  }
0x129: {  	s0 =	stileid.u32;
	[bflag:$0x2] =	sbarrier.arrive $0xFFFF  }
0x12a: {  	p0 =	sne.s32 s0, $0x0;
	s0 =	rddreg [dreg:$0x4]  }
0x12b: {  	s0 =	sadd.s32 @!p0 $0x100000, s0  }
0x12c: {  	[sflag:s0] =	ssyncadd.tile.s32 @!p0 $0x1;
	_ =	shalt  }
.Lfunc_end2:
_tile_overlayer_lowered:
.L_overlay_start_2:
0x12d: {  	(tag) =	ssettag $0x2  }
0x12e: {  	s0 =	rddreg [dreg:$0x0];
	s2 =	stileid.u32  }
0x12f: {  	s1 =	rddreg [dreg:$0x1];
	p0 =	sne.s32 s2, $0x0  }
0x130: {  	s3 =	rddreg [dreg:$0x2];
	[bflag:$0x3] =	sbarrier.arrive $0xFFFF;
	s2 =	simm.s32 @!p0 $0x1C03  }
0x131: {  	[timem:s3], [sflag:s2] =	dma.local @!p0 [hbm:s0], s1  }
0x132: {  	s0 =	simm.s32 @!p0 $0x3  }
0x133: {  	_ =	swait.ge @!p0 [sflag:s0], s1  }
0x134: {  	s1 =	ssub.s32 @!p0 $0x0, s1;
	[sflag:s0] =	ssyncset.done @!p0 $0x0  }
0x135: {  	[sflag:s0] =	ssyncadd.s32 @!p0 s1  }
0x136: {  	[bflag:$0x3] =	sbarrier.arrive $0xFFFF  }
0x137: {  	_ =	shalt  }

// kernel: kernel.6.cloned.1.call-start
scs
__scs_entry_jumppad:
0x0: {  	(pc) =	sbr.rel $0x88, $3  }
0x1: {  	(tag) =	ssettag $0x0;
	lr =	simm.s32 $0x1  }
0x2: {  	[smem:$0x3F8E] =	sst lr;
	_ =	strace $0xD0000000  }
0x3: {  	_ = 	snop  }
0x4: {  	_ = 	snop  }
0x5: {  	_ = 	snop  }
0x6: {  	_ = 	snop  }
0x7: {  	_ = 	snop  }
__scs_overlays_trampoline_lowered:
0x8: {  	[smem:$0x3F9D] =	sst s0  }
0x9: {  	[smem:$0x3F9E] =	sst s1  }
0xa: {  	[smem:$0x3F9F] =	sst s2  }
0xb: {  	[smem:$0x3FA0] =	sst s3  }
0xc: {  	[smem:$0x3FA1] =	sst s4  }
0xd: {  	[smem:$0x3FA2] =	sst s5  }
0xe: {  	[smem:$0x3FA3] =	sst s6  }
0xf: {  	[smem:$0x3FA4] =	sst s7  }
0x10: {  	[smem:$0x3FA5] =	sst s8  }
0x11: {  	[smem:$0x3FA6] =	sst s9;
	s0 =	simm.s32 @!p0 $0x0  }
0x12: {  	s1 =	sld [smem:$0x3F8C];
	s0 =	simm.s32 @p0 $0x1  }
0x13: {  	[smem:$0x3FA7] =	sst s0;
	s0 =	simm.s32 @!p1 $0x0  }
0x14: {  	s2 =	sld [smem:$0x3F8B];
	s0 =	simm.s32 @p1 $0x1  }
0x15: {  	[smem:$0x3FA8] =	sst s0;
	s0 =	simm.s32 @!p2 $0x0  }
0x16: {  	s3 =	sld [smem:$0x3FDB];
	s0 =	simm.s32 @p2 $0x1  }
0x17: {  	s4 =	simm.s32 $0x1BF5;
	[smem:$0x3FAA] =	sst s0  }
0x18: {  	s0 =	sld [smem:$0x3F8D];
	_ =	swait.ge [sflag:s4], $0x0  }
0x19: {  	s7 =	sld [smem:$0x3F8E]  }
0x1a: {  	s8 =	sadd.s32 $0xFFFFE003, lr  }
0x1b: {  	s9 =	sadd.s32 $0xFFFFFEF7, lr;
	s5 =	simm.s32 $0xFFFFFFFF;
	p2 =	slt.u32 s8, $0xFFFFF086  }
0x1c: {  	p1 =	slt.u32 s9, $0xF7A;
	s5 =	simm.s32 @!p2 $0x0  }
0x1d: {  	s5 =	simm.s32 @p1 $0x1;
	p0 =	seq.s32 s7, s2  }
0x1e: {  	s7 =	smul.u32 @!p0 $0xF7A, s2;
	p2 =	seq.s32 @!p0 s5, $0x0  }
0x1f: {  	s9 =	smul.u32 $0xF7A, s1;
	s8 =	simm.s32 @!p0 $0x1BF5;
	p2 =	por !p2, p0  }
0x20: {  	[sflag:s8] =	ssyncset.s32 @!p0 $0xFFFFF086;
	s6 =	sadd.s32 @!p0 s3, s7;
	s7 =	simm.s32 @!p0 $0x108  }
0x21: {  	s3 =	sadd.s32 s3, s9;
	s6 =	sadd.s32 @!p0 $0x88, s6;
	s7 =	simm.s32 @p2 $0x1082  }
0x22: {  	[simem:s7], [sflag:s8] =	dma.local @!p0 [hbm:s6], $0xF7A  }
0x23: {  	s9 =	sor.u32 $0xD0000000, s2;
	s6 =	simm.s32 $0x108;
	_ =	swait.ge @!p0 [sflag:s8], $0x0  }
0x24: {  	s3 =	sadd.s32 $0x88, s3;
	s6 =	simm.s32 @!p1 $0x1082;
	[sflag:s4] =	ssyncset.s32 $0xFFFFF086  }
0x25: {  	[simem:s6], [sflag:s4] =	dma.local [hbm:s3], $0xF7A  }
0x26: {  	[smem:$0x3F8E] =	sst s1;
	(tag) =	ssettag s2;
	_ =	strace s9  }
0x27: {  	s1 =	sld [smem:$0x3F9E]  }
0x28: {  	s2 =	sld [smem:$0x3F9F]  }
0x29: {  	s4 =	sld [smem:$0x3FA1]  }
0x2a: {  	p0 =	seq.s32 s5, $0x0;
	s5 =	sld [smem:$0x3FA2]  }
0x2b: {  	s6 =	sld [smem:$0x3FA3]  }
0x2c: {  	s7 =	sld [smem:$0x3FA4]  }
0x2d: {  	s3 =	simm.s32 $0x108;
	s8 =	sld [smem:$0x3FA5]  }
0x2e: {  	s3 =	simm.s32 @!p0 $0x1082;
	s9 =	sld [smem:$0x3FA6]  }
0x2f: {  	lr =	sadd.s32 s0, s3;
	s0 =	sld [smem:$0x3F9D]  }
0x30: {  	s3 =	sld [smem:$0x3FA0]  }
0x31: {  	[smem:$0x3FA9] =	sst s10  }
0x32: {  	s10 =	sld [smem:$0x3FA7];
	_ =	sdelay $0x3  }
0x33: {  	p0 =	seq.s32 s10, $0x1;
	s10 =	sld [smem:$0x3FA9];
	_ =	sdelay $0x3  }
0x34: {  	[smem:$0x3FA9] =	sst s10  }
0x35: {  	s10 =	sld [smem:$0x3FA8];
	_ =	sdelay $0x3  }
0x36: {  	p1 =	seq.s32 s10, $0x1;
	s10 =	sld [smem:$0x3FA9];
	_ =	sdelay $0x3  }
0x37: {  	[smem:$0x3FA9] =	sst s10  }
0x38: {  	s10 =	sld [smem:$0x3FAA]  }
0x39: {  	_ = 	snop;
	(pc) =	sbr.ind lr, $3  }
0x3a: {  	_ = 	snop  }
0x3b: {  	_ = 	snop  }
0x3c: {  	p2 =	seq.s32 s10, $0x1;
	s10 =	sld [smem:$0x3FA9]  }
0x3d: {  	_ =	shalt  }
0x3e: {  	_ =	shalt  }
0x3f: {  	_ =	shalt  }
0x40: {  	_ =	shalt  }
0x41: {  	_ =	shalt  }
0x42: {  	_ =	shalt  }
0x43: {  	_ =	shalt  }
0x44: {  	_ =	shalt  }
0x45: {  	_ =	shalt  }
0x46: {  	_ =	shalt  }
0x47: {  	_ =	shalt  }
0x48: {  	_ =	shalt  }
0x49: {  	_ =	shalt  }
0x4a: {  	_ =	shalt  }
0x4b: {  	_ =	shalt  }
0x4c: {  	_ =	shalt  }
0x4d: {  	_ =	shalt  }
0x4e: {  	_ =	shalt  }
0x4f: {  	_ =	shalt  }
0x50: {  	_ =	shalt  }
0x51: {  	_ =	shalt  }
0x52: {  	_ =	shalt  }
0x53: {  	_ =	shalt  }
0x54: {  	_ =	shalt  }
0x55: {  	_ =	shalt  }
0x56: {  	_ =	shalt  }
0x57: {  	_ =	shalt  }
0x58: {  	_ =	shalt  }
0x59: {  	_ =	shalt  }
0x5a: {  	_ =	shalt  }
0x5b: {  	_ =	shalt  }
0x5c: {  	_ =	shalt  }
0x5d: {  	_ =	shalt  }
0x5e: {  	_ =	shalt  }
0x5f: {  	_ =	shalt  }
0x60: {  	_ =	shalt  }
0x61: {  	_ =	shalt  }
0x62: {  	_ =	shalt  }
0x63: {  	_ =	shalt  }
0x64: {  	_ =	shalt  }
0x65: {  	_ =	shalt  }
0x66: {  	_ =	shalt  }
0x67: {  	_ =	shalt  }
0x68: {  	_ =	shalt  }
0x69: {  	_ =	shalt  }
0x6a: {  	_ =	shalt  }
0x6b: {  	_ =	shalt  }
0x6c: {  	_ =	shalt  }
0x6d: {  	_ =	shalt  }
0x6e: {  	_ =	shalt  }
0x6f: {  	_ =	shalt  }
0x70: {  	_ =	shalt  }
0x71: {  	_ =	shalt  }
0x72: {  	_ =	shalt  }
0x73: {  	_ =	shalt  }
0x74: {  	_ =	shalt  }
0x75: {  	_ =	shalt  }
0x76: {  	_ =	shalt  }
0x77: {  	_ =	shalt  }
0x78: {  	_ =	shalt  }
0x79: {  	_ =	shalt  }
0x7a: {  	_ =	shalt  }
0x7b: {  	_ =	shalt  }
0x7c: {  	_ =	shalt  }
0x7d: {  	_ =	shalt  }
0x7e: {  	_ =	shalt  }
0x7f: {  	_ =	shalt  }
0x80: {  	_ =	shalt  }
0x81: {  	_ =	shalt  }
0x82: {  	_ =	shalt  }
0x83: {  	_ =	shalt  }
0x84: {  	_ =	shalt  }
0x85: {  	_ =	shalt  }
0x86: {  	_ =	shalt  }
0x87: {  	_ =	shalt  }
.Lfunc_end0:
.L_simem_size_0:
called_computation.2_lowered:
.L_overlay_start_0:
0x88: {  	s2 =	sld [smem:$0x3FD9]  }
0x89: {  	s3 =	sld [smem:$0x3FFE];
	_ =	sdelay $0x1  }
0x8a: {  	s1 =	srdreg.scid  }
0x8b: {  	s0 =	sand.u32 $0x1, s1  }
0x8c: {  	s14 =	sshll.u32 s0, $0xA;
	s2 =	sadd.s32 s3, s2  }
0x8d: {  	s2 =	sadd.s32 s2, s14  }
0x8e: {  	[smem:$0x3FB5] =	sst s2  }
0x8f: {  	_ = 	snop  }
0x90: {  	s2 =	sld [smem:$0x3FD0];
	_ =	sdelay $0x2  }
0x91: {  	s15 =	simm.s32 $0xB;
	s4 =	simm.s32 $0x10  }
0x92: {  	[smem:s4], [sflag:s15] =	dma.local [hbm:s2], $0x1  }
0x93: {  	_ =	swait.eq [sflag:s15], $0x1  }
0x94: {  	[sflag:s15] =	ssyncset.done $0x0  }
0x95: {  	[sflag:s15] =	ssyncadd.s32 $0xFFFFFFFF  }
0x96: {  	s16 =	sld [smem:$0x11];
	(tm) =	ssettm $0x1  }
0x97: {  	s17 =	sld [smem:$0x3FFB];
	_ =	sdelay $0x3  }
0x98: {  	_ =	strace s17  }
0x99: {  	s3 =	sld [smem:$0x3FFC];
	_ =	sdelay $0x3  }
0x9a: {  	_ =	strace s3  }
0x9b: {  	s3 =	sld [smem:$0x3FFD];
	_ =	sdelay $0x3  }
0x9c: {  	_ =	strace s3  }
0x9d: {  	_ =	strace $0x8FFFFFFF  }
0x9e: {  	s18 =	sld [smem:$0x3FDB];
	_ =	sdelay $0x1  }
0x9f: {  	s19 =	simm.s32 $_scs_section_size  }
0xa0: {  	s5 =	simm.s32 $_size__tile_overlayer_lowered;
	s6 =	simm.s32 $_tile_overlayer_lowered  }
0xa1: {  	s22 =	simm.s32 $0x1BFF;
	s21 =	sshll.u32 s6, $0x1;
	s3 =	sadd.s32 s19, s18  }
0xa2: {  	s7 =	simm.s32 $0x0;
	s20 =	sshll.u32 s5, $0x1;
	s5 =	sadd.s32 s21, s3  }
0xa3: {  	[timem:s7], [sflag:s22] =	dma.local [hbm:s5], s20  }
0xa4: {  	_ =	swait.ge [sflag:s22], s20  }
0xa5: {  	s4 =	ssub.s32 $0x0, s20;
	[sflag:s22] =	ssyncset.done $0x0  }
0xa6: {  	[sflag:s22] =	ssyncadd.s32 s4;
	_ =	sdelay $0x1  }
0xa7: {  	s23 =	simm.s32 $0x1B8B  }
0xa8: {  	_ =	swait.ge [sflag:s23], $0x1  }
0xa9: {  	[sflag:s23] =	ssyncset.done $0x0  }
0xaa: {  	s25 =	simm.s32 $0x1B8E;
	s24 =	sld [smem:$0x3FFE];
	[sflag:s23] =	ssyncadd.s32 $0xFFFFFFFF  }
0xab: {  	s26 =	simm.s32 $execute0_lowered;
	[smem:$0x3FD2] =	sst s25  }
0xac: {  	s5 =	sshll.u32 s26, $0x1;
	_ =	strace $0x80000046;
	[dreg:$0x1] =	wrdreg $0xFFFFFFFF  }
0xad: {  	s28 =	simm.s32 $_size_execute0_lowered;
	s3 =	sadd.s32 s3, s5;
	[dreg:$0x0] =	wrdreg $0x0  }
0xae: {  	s5 =	sshll.u32 s28, $0x1;
	[dreg:$0x2] =	wrdreg s3  }
0xaf: {  	[dreg:$0x3] =	wrdreg s5  }
0xb0: {  	[dreg:$0x4] =	wrdreg $0xC0  }
0xb1: {  	_ =	task [dreg:s7], $0x5FFFF  }
0xb2: {  	[dreg:$0x1] =	wrdreg $0xFFFFFFFF  }
0xb3: {  	[dreg:$0x0] =	wrdreg $0x60  }
0xb4: {  	[dreg:$0x2] =	wrdreg s24  }
0xb5: {  	[dreg:$0x3] =	wrdreg s16  }
0xb6: {  	[dreg:$0x4] =	wrdreg $0x2C000  }
0xb7: {  	[dreg:$0x5] =	wrdreg $0xA  }
0xb8: {  	_ =	task.clear_ibuf [dreg:s7], $0x6FFFF;
	_ =	strace $0x90000046  }
0xb9: {  	s29 =	simm.s32 $0xA;
	_ =	strace $0x80000048  }
0xba: {  	_ =	swait.ge [sflag:s29], $0x1  }
0xbb: {  	[sflag:s29] =	ssyncadd.s32 $0xFFFFFFFF  }
0xbc: {  	_ =	strace $0x90000048  }
0xbd: {  	_ =	sfence  }
0xbe: {  	s30 =	sld [smem:$0x0];
	_ =	sdelay $0x2  }
0xbf: {  	s31 =	sshll.u32 s1, $0xD;
	s1 =	sshrl.u32 s1, $0x2  }
0xc0: {  	s3 =	sand.u32 $0x4000, s31;
	s1 =	sadd.s32 s1, s30  }
0xc1: {  	s0 =	sor.u32 s3, s0;
	s1 =	sshll.u32 s1, $0x11  }
0xc2: {  	s0 =	sor.u32 s1, s0  }
0xc3: {  	s0 =	sadd.s32 $0x8F2B, s0  }
0xc4: {  	[sflag:s0] =	ssyncadd.remote.s32 $0x1  }
0xc5: {  	_ =	sfence.sel $0xFFFF  }
0xc6: {  	[dreg:$0x0] =	wrdreg $0xFFFFFFFF;
	(pc) =	sbr.abs _section_cstart, $3  }
0xc7: {  	[dreg:$0x1] =	wrdreg $0xFFFFFFFF  }
0xc8: {  	_ =	task.clear_ibuf [dreg:s7], $0x2FFFF;
	_ =	strace $0x9FFFFFFF  }
0xc9: {  	(tm) =	ssettm $0x7FFFFFFF  }
tec
execute0_lowered:
.L_overlay_start_1:
0x0: {  	(tag) =	ssettag $0x1  }
0x1: {  	s4 =	rddreg [dreg:$0x0]  }
0x2: {  	s0 =	srdreg.scid;
	s16 =	rddreg [dreg:$0x1]  }
0x3: {  	s2 =	rddreg [dreg:$0x2];
	s1 =	stileid.u32  }
0x4: {  	s19 =	simm.s32 $0x1400;
	s20 =	simm.s32 $0x2800;
	s21 =	simm.s32 $0x40  }
0x5: {  	s24 =	simm.s32 $0x0;
	s5 =	sand.u32 $0x1, s0;
	s9 =	smul.u32 $0x9C40, s1  }
0x6: {  	s13 =	smul.u32 $0x2710, s1;
	s22 =	sshll.u32 s1, $0x6;
	s3 =	sshll.u32 s5, $0x4  }
0x7: {  	s7 =	ssub.s32 $0x2, s5;
	s12 =	smul.u32 $0x27100, s5;
	s22 =	sor.u32 $0x1C01, s22  }
0x8: {  	s6 =	sor.u32 s1, s3;
	s3 =	simm.s32 $0x0;
	s8 =	sshrl.u32 s7, $0x1  }
0x9: {  	s31 =	sshrl.u32 s9, $0x2;
	s6 =	smul.u32 $0x280, s6;
	[smem:$0x7FF] =	sst s3  }
0xa: {  	s17 =	ssub.s32 s7, s8;
	s14 =	sadd.s32 s13, s12;
	_ =	strace $0x80000047  }
0xb: {  	s18 =	sshrl.u32 s14, $0x3;
	s17 =	smax.u32 s17, $0x1;
	s6 =	sadd.s32 s6, s4  }
0xc: {  	s4 =	sadd.s32 $0xA800, s6;
	s5 =	sadd.s32 $0xF800, s6;
	s6 =	sadd.s32 s31, s2  }
0xd: {  	s16 =	sadd.s32 s16, s18;
	s18 =	simm.s32 $0x1;
	s7 =	sadd.s32 $0x400, s6  }
0xe: {  	s8 =	sadd.s32 $0x800, s6;
	s9 =	sadd.s32 $0xC00, s6;
	s10 =	sadd.s32 $0x1000, s6  }
0xf: {  	s11 =	sadd.s32 $0x1400, s6;
	s12 =	sadd.s32 $0x1800, s6;
	s13 =	sadd.s32 $0x1C00, s6  }
0x10: {  	v0 =	vimm.f32 $0.0e+00;
	s14 =	sadd.s32 $0x2000, s6;
	s15 =	sadd.s32 $0x2400, s6;
	s23 =	sshrl.u32 s6, $0x3  }
.LBB2_1:
0x11: {  	[tilespmem:s3], [sflag:$0x1] =	stream.linear.gather [hbm4b:s4+s3], $0x1400, $0x38;
	[tilespmem:$0x5310] =	vst v63  }
0x12: {  	_ =	swait.ge [sflag:s18], $0x1400  }
0x13: {  	[sflag:s18] =	ssyncset.done $0x0  }
0x14: {  	[sflag:s18] =	ssyncadd.s32 $0xFFFFEC00  }
0x15: {  	[tilespmem:s19], [sflag:$0x1] =	stream.linear.gather [hbm4b:s5+s3], $0x1400, $0x38;
	[tilespmem:$0x5310] =	vst v63  }
0x16: {  	_ =	swait.ge [sflag:s18], $0x1400  }
0x17: {  	[sflag:s18] =	ssyncset.done $0x0  }
0x18: {  	s25 =	simm.s32 $0x40;
	s26 =	simm.s32 $0x0;
	[sflag:s18] =	ssyncadd.s32 $0xFFFFEC00  }
.LBB2_2:
0x19: {  	p0 =	sne.s32 s25, $0xFC0;
	[tilespmem:s26+$0x2800] =	vst v0;
	s26 =	smov.u32 s25;
	s25 =	sadd.s32 $0x40, s25  }
.Ltmp0:
0x1a: {  	(pc) =	sbr.rel @p0 .LBB2_2-.Ltmp0, $2  }
0x1b: {  	_ =	sdelay $0x2  }
0x1c: {  	s26 =	sshra.s32 s26, $0x2  }
0x1d: {  	[tilespmem:s26+$0x2800] =	vst v0  }
0x1e: {  	[spmem:s6] =	stream.linear.scatter [tilespmem:s20], [sflag:$0x1], $0x400, $0x38;
	[tilespmem:$0x5310] =	vst v63  }
0x1f: {  	_ =	swait.ge [sflag:s18], $0x400  }
0x20: {  	[sflag:s18] =	ssyncset.done $0x0  }
0x21: {  	[sflag:s18] =	ssyncadd.s32 $0xFFFFFC00  }
0x22: {  	[spmem:s7] =	stream.linear.scatter [tilespmem:s20], [sflag:$0x1], $0x400, $0x38;
	[tilespmem:$0x5310] =	vst v63  }
0x23: {  	_ =	swait.ge [sflag:s18], $0x400  }
0x24: {  	[sflag:s18] =	ssyncset.done $0x0  }
0x25: {  	[sflag:s18] =	ssyncadd.s32 $0xFFFFFC00  }
0x26: {  	[spmem:s8] =	stream.linear.scatter [tilespmem:s20], [sflag:$0x1], $0x400, $0x38;
	[tilespmem:$0x5310] =	vst v63  }
0x27: {  	_ =	swait.ge [sflag:s18], $0x400  }
0x28: {  	[sflag:s18] =	ssyncset.done $0x0  }
0x29: {  	[sflag:s18] =	ssyncadd.s32 $0xFFFFFC00  }
0x2a: {  	[spmem:s9] =	stream.linear.scatter [tilespmem:s20], [sflag:$0x1], $0x400, $0x38;
	[tilespmem:$0x5310] =	vst v63  }
0x2b: {  	_ =	swait.ge [sflag:s18], $0x400  }
0x2c: {  	[sflag:s18] =	ssyncset.done $0x0  }
0x2d: {  	[sflag:s18] =	ssyncadd.s32 $0xFFFFFC00  }
0x2e: {  	[spmem:s10] =	stream.linear.scatter [tilespmem:s20], [sflag:$0x1], $0x400, $0x38;
	[tilespmem:$0x5310] =	vst v63  }
0x2f: {  	_ =	swait.ge [sflag:s18], $0x400  }
0x30: {  	[sflag:s18] =	ssyncset.done $0x0  }
0x31: {  	[sflag:s18] =	ssyncadd.s32 $0xFFFFFC00  }
0x32: {  	[spmem:s11] =	stream.linear.scatter [tilespmem:s20], [sflag:$0x1], $0x400, $0x38;
	[tilespmem:$0x5310] =	vst v63  }
0x33: {  	_ =	swait.ge [sflag:s18], $0x400  }
0x34: {  	[sflag:s18] =	ssyncset.done $0x0  }
0x35: {  	[sflag:s18] =	ssyncadd.s32 $0xFFFFFC00  }
0x36: {  	[spmem:s12] =	stream.linear.scatter [tilespmem:s20], [sflag:$0x1], $0x400, $0x38;
	[tilespmem:$0x5310] =	vst v63  }
0x37: {  	_ =	swait.ge [sflag:s18], $0x400  }
0x38: {  	[sflag:s18] =	ssyncset.done $0x0  }
0x39: {  	[sflag:s18] =	ssyncadd.s32 $0xFFFFFC00  }
0x3a: {  	[spmem:s13] =	stream.linear.scatter [tilespmem:s20], [sflag:$0x1], $0x400, $0x38;
	[tilespmem:$0x5310] =	vst v63  }
0x3b: {  	_ =	swait.ge [sflag:s18], $0x400  }
0x3c: {  	[sflag:s18] =	ssyncset.done $0x0  }
0x3d: {  	[sflag:s18] =	ssyncadd.s32 $0xFFFFFC00  }
0x3e: {  	[spmem:s14] =	stream.linear.scatter [tilespmem:s20], [sflag:$0x1], $0x400, $0x38;
	[tilespmem:$0x5310] =	vst v63  }
0x3f: {  	_ =	swait.ge [sflag:s18], $0x400  }
0x40: {  	[sflag:s18] =	ssyncset.done $0x0  }
0x41: {  	[sflag:s18] =	ssyncadd.s32 $0xFFFFFC00  }
0x42: {  	[spmem:s15] =	stream.linear.scatter [tilespmem:s20], [sflag:$0x1], $0x310, $0x38;
	[tilespmem:$0x5310] =	vst v63  }
0x43: {  	_ =	swait.ge [sflag:s18], $0x310  }
0x44: {  	[sflag:s18] =	ssyncset.done $0x0  }
0x45: {  	[sflag:s18] =	ssyncadd.s32 $0xFFFFFCF0  }
0x46: {  	s25 =	simm.s32 $0x0;
	s26 =	simm.s32 $0x0;
	[bflag:$0x0] =	sbarrier.arrive $0xFFFF  }
.LBB2_4:
0x47: {  	v1 =	vmov s25;
	_ =	sdelay $0x4  }
0x48: {  	s29 =	sadd.s32 $0x1, s25;
	v1 =	vld.idx.msk [tilespmem:v1+s19+$0x0], $0xffff  }
0x49: {  	s28 =	simm.s32 $0x40;
	s30 =	simm.s32 $0x80;
	s31 =	simm.s32 $0x0;
	v2 =	vmov s29  }
.LBB2_5:
0x4a: {  	p0 =	sne.s32 s30, $0xFC0;
	_ =	sdelay $0x1  }
.Ltmp1:
0x4b: {  	s0 =	sshra.s32 s31, $0x2;
	s31 =	smov.u32 s28;
	(pc) =	sbr.rel @p0 .LBB2_5-.Ltmp1, $4  }
0x4c: {  	s28 =	smov.u32 s30;
	[tilespmem:s0+$0x2800] =	vst v1  }
0x4d: {  	v1 =	vld.idx.msk [tilespmem:v2+s19+$0x0], $0xffff  }
0x4e: {  	s29 =	sadd.s32 $0x1, s29  }
0x4f: {  	s30 =	sadd.s32 $0x40, s30;
	v2 =	vmov s29  }
0x50: {  	_ =	sdelay $0x1  }
0x51: {  	s0 =	sshra.s32 s31, $0x2  }
0x52: {  	[tilespmem:s0+$0x2800] =	vst v1  }
0x53: {  	v1 =	vld.idx.msk [tilespmem:v2+s19+$0x0], $0xffff;
	_ =	sdelay $0x2  }
0x54: {  	s30 =	sshll.u32 s26, $0x6;
	s26 =	sadd.s32 $0x1, s26  }
0x55: {  	s29 =	sshra.s32 s28, $0x2;
	p0 =	sne.s32 s26, $0x50  }
.Ltmp2:
0x56: {  	s31 =	sand.u32 $0x3FFFFFC0, s30;
	[tilespmem:s29+$0x2800] =	vst v1;
	(pc) =	sbr.rel @p0 .LBB2_4-.Ltmp2, $4  }
0x57: {  	[spmem:s2] =	stream.indirect.scatter.add.f32 [tilespmem:s20], [sflag:$0x1], $0x10, s31, s21, $0xb8;
	[tilespmem:$0x5310] =	vst v63  }
0x58: {  	_ =	swait.ge [sflag:s18], $0x400  }
0x59: {  	[sflag:s18] =	ssyncset.done $0x0  }
0x5a: {  	s25 =	sadd.s32 $0x40, s25;
	[sflag:s18] =	ssyncadd.s32 $0xFFFFFC00  }
0x5b: {  	s24 =	sadd.s32 $0x1, s24  }
0x5c: {  	p0 =	sne.s32 s24, s17  }
.Ltmp3:
0x5d: {  	[bflag:$0x0] =	sbarrier.arrive $0xFFFF;
	(pc) =	sbr.rel @p0 .LBB2_1-.Ltmp3, $4  }
0x5e: {  	[hbm:s16], [sflag:s22] =	dma.local [spmem:s23], $0x4E2  }
0x5f: {  	_ =	swait.ge [sflag:s18], $0x4E2  }
0x60: {  	[sflag:s18] =	ssyncset.done $0x0  }
0x61: {  	[sflag:s18] =	ssyncadd.s32 $0xFFFFFB1E  }
0x62: {  	_ =	sfence.sel $0x180000  }
0x63: {  	[bflag:$0x0] =	sbarrier.arrive $0xFFFF  }
0x64: {  	_ =	strace $0x90000047  }
0x65: {  	[bflag:$0x2] =	sbarrier.arrive $0xFFFF  }
0x66: {  	p0 =	sne.s32 s1, $0x0;
	s0 =	rddreg [dreg:$0x3]  }
0x67: {  	s0 =	sadd.s32 @!p0 $0x100000, s0  }
0x68: {  	[sflag:s0] =	ssyncadd.tile.s32 @!p0 $0x1;
	_ =	shalt  }
.Lfunc_end2:
_tile_overlayer_lowered:
.L_overlay_start_2:
0x69: {  	(tag) =	ssettag $0x2  }
0x6a: {  	s0 =	rddreg [dreg:$0x0];
	s2 =	stileid.u32  }
0x6b: {  	s1 =	rddreg [dreg:$0x1];
	p0 =	sne.s32 s2, $0x0  }
0x6c: {  	s3 =	rddreg [dreg:$0x2];
	[bflag:$0x3] =	sbarrier.arrive $0xFFFF;
	s2 =	simm.s32 @!p0 $0x1C01  }
0x6d: {  	[timem:s3], [sflag:s2] =	dma.local @!p0 [hbm:s0], s1  }
0x6e: {  	s0 =	simm.s32 @!p0 $0x1  }
0x6f: {  	_ =	swait.ge @!p0 [sflag:s0], s1  }
0x70: {  	s1 =	ssub.s32 @!p0 $0x0, s1;
	[sflag:s0] =	ssyncset.done @!p0 $0x0  }
0x71: {  	[sflag:s0] =	ssyncadd.s32 @!p0 s1  }
0x72: {  	[bflag:$0x3] =	sbarrier.arrive $0xFFFF  }
0x73: {  	_ =	shalt  }

// kernel: kernel.9.cloned.1.call-start
scs
__scs_entry_jumppad:
0x0: {  	(pc) =	sbr.rel $0x88, $3  }
0x1: {  	(tag) =	ssettag $0x0;
	lr =	simm.s32 $0x1  }
0x2: {  	[smem:$0x3F8E] =	sst lr;
	_ =	strace $0xD0000000  }
0x3: {  	_ = 	snop  }
0x4: {  	_ = 	snop  }
0x5: {  	_ = 	snop  }
0x6: {  	_ = 	snop  }
0x7: {  	_ = 	snop  }
__scs_overlays_trampoline_lowered:
0x8: {  	[smem:$0x3F9D] =	sst s0  }
0x9: {  	[smem:$0x3F9E] =	sst s1  }
0xa: {  	[smem:$0x3F9F] =	sst s2  }
0xb: {  	[smem:$0x3FA0] =	sst s3  }
0xc: {  	[smem:$0x3FA1] =	sst s4  }
0xd: {  	[smem:$0x3FA2] =	sst s5  }
0xe: {  	[smem:$0x3FA3] =	sst s6  }
0xf: {  	[smem:$0x3FA4] =	sst s7  }
0x10: {  	[smem:$0x3FA5] =	sst s8  }
0x11: {  	[smem:$0x3FA6] =	sst s9;
	s0 =	simm.s32 @!p0 $0x0  }
0x12: {  	s1 =	sld [smem:$0x3F8C];
	s0 =	simm.s32 @p0 $0x1  }
0x13: {  	[smem:$0x3FA7] =	sst s0;
	s0 =	simm.s32 @!p1 $0x0  }
0x14: {  	s2 =	sld [smem:$0x3F8B];
	s0 =	simm.s32 @p1 $0x1  }
0x15: {  	[smem:$0x3FA8] =	sst s0;
	s0 =	simm.s32 @!p2 $0x0  }
0x16: {  	s3 =	sld [smem:$0x3FDB];
	s0 =	simm.s32 @p2 $0x1  }
0x17: {  	s4 =	simm.s32 $0x1BF5;
	[smem:$0x3FAA] =	sst s0  }
0x18: {  	s0 =	sld [smem:$0x3F8D];
	_ =	swait.ge [sflag:s4], $0x0  }
0x19: {  	s7 =	sld [smem:$0x3F8E]  }
0x1a: {  	s8 =	sadd.s32 $0xFFFFE003, lr  }
0x1b: {  	s9 =	sadd.s32 $0xFFFFFEF7, lr;
	s5 =	simm.s32 $0xFFFFFFFF;
	p2 =	slt.u32 s8, $0xFFFFF086  }
0x1c: {  	p1 =	slt.u32 s9, $0xF7A;
	s5 =	simm.s32 @!p2 $0x0  }
0x1d: {  	s5 =	simm.s32 @p1 $0x1;
	p0 =	seq.s32 s7, s2  }
0x1e: {  	s7 =	smul.u32 @!p0 $0xF7A, s2;
	p2 =	seq.s32 @!p0 s5, $0x0  }
0x1f: {  	s9 =	smul.u32 $0xF7A, s1;
	s8 =	simm.s32 @!p0 $0x1BF5;
	p2 =	por !p2, p0  }
0x20: {  	[sflag:s8] =	ssyncset.s32 @!p0 $0xFFFFF086;
	s6 =	sadd.s32 @!p0 s3, s7;
	s7 =	simm.s32 @!p0 $0x108  }
0x21: {  	s3 =	sadd.s32 s3, s9;
	s6 =	sadd.s32 @!p0 $0x88, s6;
	s7 =	simm.s32 @p2 $0x1082  }
0x22: {  	[simem:s7], [sflag:s8] =	dma.local @!p0 [hbm:s6], $0xF7A  }
0x23: {  	s9 =	sor.u32 $0xD0000000, s2;
	s6 =	simm.s32 $0x108;
	_ =	swait.ge @!p0 [sflag:s8], $0x0  }
0x24: {  	s3 =	sadd.s32 $0x88, s3;
	s6 =	simm.s32 @!p1 $0x1082;
	[sflag:s4] =	ssyncset.s32 $0xFFFFF086  }
0x25: {  	[simem:s6], [sflag:s4] =	dma.local [hbm:s3], $0xF7A  }
0x26: {  	[smem:$0x3F8E] =	sst s1;
	(tag) =	ssettag s2;
	_ =	strace s9  }
0x27: {  	s1 =	sld [smem:$0x3F9E]  }
0x28: {  	s2 =	sld [smem:$0x3F9F]  }
0x29: {  	s4 =	sld [smem:$0x3FA1]  }
0x2a: {  	p0 =	seq.s32 s5, $0x0;
	s5 =	sld [smem:$0x3FA2]  }
0x2b: {  	s6 =	sld [smem:$0x3FA3]  }
0x2c: {  	s7 =	sld [smem:$0x3FA4]  }
0x2d: {  	s3 =	simm.s32 $0x108;
	s8 =	sld [smem:$0x3FA5]  }
0x2e: {  	s3 =	simm.s32 @!p0 $0x1082;
	s9 =	sld [smem:$0x3FA6]  }
0x2f: {  	lr =	sadd.s32 s0, s3;
	s0 =	sld [smem:$0x3F9D]  }
0x30: {  	s3 =	sld [smem:$0x3FA0]  }
0x31: {  	[smem:$0x3FA9] =	sst s10  }
0x32: {  	s10 =	sld [smem:$0x3FA7];
	_ =	sdelay $0x3  }
0x33: {  	p0 =	seq.s32 s10, $0x1;
	s10 =	sld [smem:$0x3FA9];
	_ =	sdelay $0x3  }
0x34: {  	[smem:$0x3FA9] =	sst s10  }
0x35: {  	s10 =	sld [smem:$0x3FA8];
	_ =	sdelay $0x3  }
0x36: {  	p1 =	seq.s32 s10, $0x1;
	s10 =	sld [smem:$0x3FA9];
	_ =	sdelay $0x3  }
0x37: {  	[smem:$0x3FA9] =	sst s10  }
0x38: {  	s10 =	sld [smem:$0x3FAA]  }
0x39: {  	_ = 	snop;
	(pc) =	sbr.ind lr, $3  }
0x3a: {  	_ = 	snop  }
0x3b: {  	_ = 	snop  }
0x3c: {  	p2 =	seq.s32 s10, $0x1;
	s10 =	sld [smem:$0x3FA9]  }
0x3d: {  	_ =	shalt  }
0x3e: {  	_ =	shalt  }
0x3f: {  	_ =	shalt  }
0x40: {  	_ =	shalt  }
0x41: {  	_ =	shalt  }
0x42: {  	_ =	shalt  }
0x43: {  	_ =	shalt  }
0x44: {  	_ =	shalt  }
0x45: {  	_ =	shalt  }
0x46: {  	_ =	shalt  }
0x47: {  	_ =	shalt  }
0x48: {  	_ =	shalt  }
0x49: {  	_ =	shalt  }
0x4a: {  	_ =	shalt  }
0x4b: {  	_ =	shalt  }
0x4c: {  	_ =	shalt  }
0x4d: {  	_ =	shalt  }
0x4e: {  	_ =	shalt  }
0x4f: {  	_ =	shalt  }
0x50: {  	_ =	shalt  }
0x51: {  	_ =	shalt  }
0x52: {  	_ =	shalt  }
0x53: {  	_ =	shalt  }
0x54: {  	_ =	shalt  }
0x55: {  	_ =	shalt  }
0x56: {  	_ =	shalt  }
0x57: {  	_ =	shalt  }
0x58: {  	_ =	shalt  }
0x59: {  	_ =	shalt  }
0x5a: {  	_ =	shalt  }
0x5b: {  	_ =	shalt  }
0x5c: {  	_ =	shalt  }
0x5d: {  	_ =	shalt  }
0x5e: {  	_ =	shalt  }
0x5f: {  	_ =	shalt  }
0x60: {  	_ =	shalt  }
0x61: {  	_ =	shalt  }
0x62: {  	_ =	shalt  }
0x63: {  	_ =	shalt  }
0x64: {  	_ =	shalt  }
0x65: {  	_ =	shalt  }
0x66: {  	_ =	shalt  }
0x67: {  	_ =	shalt  }
0x68: {  	_ =	shalt  }
0x69: {  	_ =	shalt  }
0x6a: {  	_ =	shalt  }
0x6b: {  	_ =	shalt  }
0x6c: {  	_ =	shalt  }
0x6d: {  	_ =	shalt  }
0x6e: {  	_ =	shalt  }
0x6f: {  	_ =	shalt  }
0x70: {  	_ =	shalt  }
0x71: {  	_ =	shalt  }
0x72: {  	_ =	shalt  }
0x73: {  	_ =	shalt  }
0x74: {  	_ =	shalt  }
0x75: {  	_ =	shalt  }
0x76: {  	_ =	shalt  }
0x77: {  	_ =	shalt  }
0x78: {  	_ =	shalt  }
0x79: {  	_ =	shalt  }
0x7a: {  	_ =	shalt  }
0x7b: {  	_ =	shalt  }
0x7c: {  	_ =	shalt  }
0x7d: {  	_ =	shalt  }
0x7e: {  	_ =	shalt  }
0x7f: {  	_ =	shalt  }
0x80: {  	_ =	shalt  }
0x81: {  	_ =	shalt  }
0x82: {  	_ =	shalt  }
0x83: {  	_ =	shalt  }
0x84: {  	_ =	shalt  }
0x85: {  	_ =	shalt  }
0x86: {  	_ =	shalt  }
0x87: {  	_ =	shalt  }
.Lfunc_end0:
.L_simem_size_0:
called_computation.3_lowered:
.L_overlay_start_0:
0x88: {  	s2 =	sld [smem:$0x3FD9]  }
0x89: {  	s3 =	sld [smem:$0x3FFE];
	_ =	sdelay $0x1  }
0x8a: {  	s1 =	srdreg.scid  }
0x8b: {  	s0 =	sand.u32 $0x1, s1  }
0x8c: {  	s15 =	sshll.u32 s0, $0xA;
	s2 =	sadd.s32 s3, s2  }
0x8d: {  	s2 =	sadd.s32 s2, s15  }
0x8e: {  	[smem:$0x3FB5] =	sst s2  }
0x8f: {  	_ = 	snop  }
0x90: {  	s2 =	sld [smem:$0x3FD0];
	_ =	sdelay $0x2  }
0x91: {  	s16 =	simm.s32 $0xB;
	s4 =	simm.s32 $0x10  }
0x92: {  	[smem:s4], [sflag:s16] =	dma.local [hbm:s2], $0x1  }
0x93: {  	_ =	swait.eq [sflag:s16], $0x1  }
0x94: {  	[sflag:s16] =	ssyncset.done $0x0  }
0x95: {  	[sflag:s16] =	ssyncadd.s32 $0xFFFFFFFF  }
0x96: {  	s17 =	sld [smem:$0x10];
	(tm) =	ssettm $0x1  }
0x97: {  	s18 =	sld [smem:$0x3FFB];
	_ =	sdelay $0x3  }
0x98: {  	_ =	strace s18  }
0x99: {  	s2 =	sld [smem:$0x3FFC];
	_ =	sdelay $0x3  }
0x9a: {  	_ =	strace s2  }
0x9b: {  	s2 =	sld [smem:$0x3FFD];
	_ =	sdelay $0x3  }
0x9c: {  	_ =	strace s2  }
0x9d: {  	_ =	strace $0x8FFFFFFF  }
0x9e: {  	s19 =	sld [smem:$0x3FDB];
	_ =	sdelay $0x1  }
0x9f: {  	s20 =	simm.s32 $_scs_section_size  }
0xa0: {  	s5 =	simm.s32 $_size__tile_overlayer_lowered;
	s6 =	simm.s32 $_tile_overlayer_lowered  }
0xa1: {  	s7 =	simm.s32 $0x1BFF;
	s21 =	sshll.u32 s6, $0x1;
	s4 =	sadd.s32 s20, s19  }
0xa2: {  	s22 =	simm.s32 $0x0;
	s5 =	sshll.u32 s5, $0x1;
	s6 =	sadd.s32 s21, s4  }
0xa3: {  	[timem:s22], [sflag:s7] =	dma.local [hbm:s6], s5  }
0xa4: {  	_ =	swait.ge [sflag:s7], s5  }
0xa5: {  	s5 =	ssub.s32 $0x0, s5;
	[sflag:s7] =	ssyncset.done $0x0  }
0xa6: {  	[sflag:s7] =	ssyncadd.s32 s5;
	_ =	sdelay $0x1  }
0xa7: {  	s23 =	simm.s32 $0x1B8B  }
0xa8: {  	_ =	swait.ge [sflag:s23], $0x1  }
0xa9: {  	[sflag:s23] =	ssyncset.done $0x0  }
0xaa: {  	[sflag:s23] =	ssyncadd.s32 $0xFFFFFFFF  }
0xab: {  	s5 =	sld [smem:$0x0]  }
0xac: {  	s6 =	sand.u32 $0xFFFFFFFE, s1  }
0xad: {  	p0 =	sne.s32 s1, s6  }
0xae: {  	s6 =	sshll.u32 @p0 s6, $0xE  }
0xaf: {  	s6 =	sadd.s32 @p0 $0x11B8D, s6;
	s7 =	sshll.u32 @p0 s5, $0x11  }
0xb0: {  	s6 =	sor.u32 @p0 s7, s6  }
0xb1: {  	[sflag:s6] =	ssyncadd.remote.s32 @p0 $0x1;
	_ =	sdelay $0x1  }
0xb2: {  	s6 =	simm.s32 @p0 $0x1B8D  }
0xb3: {  	_ =	swait.eq @p0 [sflag:s6], $0x1  }
0xb4: {  	[sflag:s6] =	ssyncadd.s32 @p0 $0xFFFFFFFF  }
0xb5: {  	s7 =	sshll.u32 @!p0 s1, $0xE  }
0xb6: {  	s7 =	sor.u32 @!p0 $0x4000, s7;
	s6 =	simm.s32 @!p0 $0x1B8D  }
0xb7: {  	s5 =	sshll.u32 @!p0 s5, $0x11;
	s7 =	sadd.s32 @!p0 $0x11B8D, s7;
	_ =	swait.eq @!p0 [sflag:s6], $0x1  }
0xb8: {  	s5 =	sor.u32 @!p0 s5, s7;
	[sflag:s6] =	ssyncadd.s32 @!p0 $0xFFFFFFFF  }
0xb9: {  	s25 =	simm.s32 $0x1B8E;
	s24 =	sld [smem:$0x3FFE];
	[sflag:s5] =	ssyncadd.remote.s32 @!p0 $0x1  }
0xba: {  	s26 =	simm.s32 $execute0_lowered;
	[smem:$0x3FD2] =	sst s25  }
0xbb: {  	s6 =	sshll.u32 s26, $0x1;
	_ =	strace $0x8000004C;
	[dreg:$0x1] =	wrdreg $0xFFFFFFFF  }
0xbc: {  	s28 =	simm.s32 $_size_execute0_lowered;
	s4 =	sadd.s32 s4, s6;
	[dreg:$0x0] =	wrdreg $0x0  }
0xbd: {  	s6 =	sshll.u32 s28, $0x1;
	[dreg:$0x2] =	wrdreg s4  }
0xbe: {  	[dreg:$0x3] =	wrdreg s6  }
0xbf: {  	[dreg:$0x4] =	wrdreg $0xC0  }
0xc0: {  	_ =	task [dreg:s22], $0x5FFFF  }
0xc1: {  	[dreg:$0x1] =	wrdreg $0xFFFFFFFF  }
0xc2: {  	[dreg:$0x0] =	wrdreg $0x60  }
0xc3: {  	[dreg:$0x2] =	wrdreg s24  }
0xc4: {  	[dreg:$0x3] =	wrdreg s17  }
0xc5: {  	[dreg:$0x4] =	wrdreg $0xA  }
0xc6: {  	_ =	task.clear_ibuf [dreg:s22], $0x5FFFF;
	_ =	strace $0x9000004C  }
0xc7: {  	s29 =	simm.s32 $0xA;
	_ =	strace $0x8000004E  }
0xc8: {  	_ =	swait.ge [sflag:s29], $0x1  }
0xc9: {  	[sflag:s29] =	ssyncadd.s32 $0xFFFFFFFF  }
0xca: {  	_ =	strace $0x9000004E  }
0xcb: {  	_ =	sfence  }
0xcc: {  	s30 =	sld [smem:$0x0];
	_ =	sdelay $0x2  }
0xcd: {  	s31 =	sshll.u32 s1, $0xD;
	s1 =	sshrl.u32 s1, $0x2  }
0xce: {  	s4 =	sand.u32 $0x4000, s31;
	s1 =	sadd.s32 s1, s30  }
0xcf: {  	s0 =	sor.u32 s4, s0;
	s1 =	sshll.u32 s1, $0x11  }
0xd0: {  	s0 =	sor.u32 s1, s0  }
0xd1: {  	s0 =	sadd.s32 $0x8F2B, s0  }
0xd2: {  	[sflag:s0] =	ssyncadd.remote.s32 $0x1  }
0xd3: {  	_ =	sfence.sel $0xFFFF  }
0xd4: {  	[dreg:$0x0] =	wrdreg $0xFFFFFFFF;
	(pc) =	sbr.abs _section_cstart, $3  }
0xd5: {  	[dreg:$0x1] =	wrdreg $0xFFFFFFFF  }
0xd6: {  	_ =	task.clear_ibuf [dreg:s22], $0x2FFFF;
	_ =	strace $0x9FFFFFFF  }
0xd7: {  	(tm) =	ssettm $0x7FFFFFFF  }
tec
execute0_lowered:
.L_overlay_start_1:
0x0: {  	(tag) =	ssettag $0x1  }
0x1: {  	s0 =	srdreg.scid;
	s4 =	rddreg [dreg:$0x0]  }
0x2: {  	s6 =	rddreg [dreg:$0x1];
	s1 =	stileid.u32  }
0x3: {  	s12 =	simm.s32 $0x8C00;
	s13 =	simm.s32 $0x80;
	s14 =	simm.s32 $0x400  }
0x4: {  	s15 =	simm.s32 $0x7800;
	s16 =	simm.s32 $0x0;
	s3 =	sand.u32 $0x1, s0  }
0x5: {  	s0 =	rddreg [dreg:$0x2];
	s8 =	sshll.u32 s1, $0x7;
	s2 =	sshll.u32 s3, $0x4  }
0x6: {  	s8 =	sand.u32 $0x380, s8;
	s31 =	ssub.s32 $0x2, s3;
	s5 =	sor.u32 s1, s2  }
0x7: {  	s2 =	simm.s32 $0x0;
	s7 =	smul.u32 $0x500, s5;
	s5 =	sshrl.u32 s5, $0x3  }
0x8: {  	s3 =	sadd.s32 $0x5800, s4;
	[smem:$0x7FF] =	sst s2;
	s5 =	smul.u32 $0xA000, s5  }
0x9: {  	s10 =	sshrl.u32 s31, $0x1;
	_ =	strace $0x8000004D;
	s9 =	sadd.s32 s7, s4  }
0xa: {  	s6 =	sadd.s32 s6, s7;
	s5 =	sor.u32 s8, s5;
	s8 =	ssub.s32 s31, s10  }
0xb: {  	s10 =	simm.s32 $0x2800;
	s5 =	sshrl.u32 s5, $0x3;
	s8 =	smax.u32 s8, $0x1  }
0xc: {  	s11 =	sadd.s32 s5, s4;
	s4 =	sadd.s32 $0x3BE000, s9;
	s5 =	sadd.s32 $0x3C8000, s9  }
0xd: {  	s9 =	simm.s32 $0x1;
	s7 =	sadd.s32 $0x5E00, s11;
	s11 =	simm.s32 $0x5000  }
.LBB2_1:
0xe: {  	[tilespmem:s2], [sflag:$0x1] =	stream.linear.gather [hbm4b:s4+s2], $0x2800, $0x38;
	[tilespmem:$0xB380] =	vst v63  }
0xf: {  	_ =	swait.ge [sflag:s9], $0x2800  }
0x10: {  	[sflag:s9] =	ssyncset.done $0x0  }
0x11: {  	[sflag:s9] =	ssyncadd.s32 $0xFFFFD800  }
0x12: {  	[tilespmem:s10], [sflag:$0x1] =	stream.linear.gather [hbm4b:s5+s2], $0x2800, $0x38;
	[tilespmem:$0xB380] =	vst v63  }
0x13: {  	_ =	swait.ge [sflag:s9], $0x2800  }
0x14: {  	[sflag:s9] =	ssyncset.done $0x0  }
0x15: {  	[sflag:s9] =	ssyncadd.s32 $0xFFFFD800  }
0x16: {  	[tilespmem:s11], [sflag:$0x1] =	stream.linear.gather [hbm4b:s6+s2], $0x2800, $0x38;
	[tilespmem:$0xB380] =	vst v63  }
0x17: {  	_ =	swait.ge [sflag:s9], $0x2800  }
0x18: {  	[sflag:s9] =	ssyncset.done $0x0  }
0x19: {  	[sflag:s9] =	ssyncadd.s32 $0xFFFFD800  }
0x1a: {  	[tilespmem:s12], [sflag:$0x1] =	stream.linear.gather [hbm4b:s3+s2], $0x2780, $0x38;
	[tilespmem:$0xB380] =	vst v63  }
0x1b: {  	_ =	swait.ge [sflag:s9], $0x2780  }
0x1c: {  	[sflag:s9] =	ssyncset.done $0x0  }
0x1d: {  	s17 =	simm.s32 $0x7820;
	s18 =	simm.s32 $0x0;
	[sflag:s9] =	ssyncadd.s32 $0xFFFFD880  }
.LBB2_2:
0x1e: {  	s19 =	sshra.s32 s18, $0x2  }
0x1f: {  	v0 =	vld [tilespmem:s19+$0x0];
	_ =	sdelay $0x1  }
0x20: {  	v1 =	vld [tilespmem:s19+$0x2800];
	_ =	sdelay $0x4  }
0x21: {  	v2 =	vld [tilespmem:s19+$0x5000]  }
0x22: {  	v0 =	vld.idx.msk [tilespmem:v0+s12+$0x0], $0xffff;
	_ =	sdelay $0x1  }
0x23: {  	v1 =	vld.idx.msk [tilespmem:v1+s12+$0x0], $0xffff;
	_ =	sdelay $0x2  }
0x24: {  	v0 =	vmul.f32 v0, v2;
	_ =	sdelay $0x1  }
0x25: {  	v0 =	vmul.f32 v1, v0;
	_ =	sdelay $0x1  }
0x26: {  	v0 =	vsub.f32 $0.0e+00, v0;
	_ =	sdelay $0x1  }
0x27: {  	[tilespmem:s17+$0xFFFFFFE0] =	vst v0  }
0x28: {  	v0 =	vld [tilespmem:s19+$0x10];
	_ =	sdelay $0x1  }
0x29: {  	v58 =	vld [tilespmem:s19+$0x2810];
	_ =	sdelay $0x4  }
0x2a: {  	v59 =	vld [tilespmem:s19+$0x5010]  }
0x2b: {  	v0 =	vld.idx.msk [tilespmem:v0+s12+$0x0], $0xffff;
	_ =	sdelay $0x1  }
0x2c: {  	v1 =	vld.idx.msk [tilespmem:v58+s12+$0x0], $0xffff;
	_ =	sdelay $0x2  }
0x2d: {  	v0 =	vmul.f32 v0, v59;
	_ =	sdelay $0x1  }
0x2e: {  	v0 =	vmul.f32 v1, v0;
	_ =	sdelay $0x1  }
0x2f: {  	v0 =	vsub.f32 $0.0e+00, v0;
	_ =	sdelay $0x1  }
0x30: {  	[tilespmem:s17+$0xFFFFFFF0] =	vst v0  }
0x31: {  	v0 =	vld [tilespmem:s19+$0x20];
	_ =	sdelay $0x1  }
0x32: {  	v60 =	vld [tilespmem:s19+$0x2820];
	_ =	sdelay $0x4  }
0x33: {  	v61 =	vld [tilespmem:s19+$0x5020]  }
0x34: {  	v0 =	vld.idx.msk [tilespmem:v0+s12+$0x0], $0xffff;
	_ =	sdelay $0x1  }
0x35: {  	v1 =	vld.idx.msk [tilespmem:v60+s12+$0x0], $0xffff;
	_ =	sdelay $0x2  }
0x36: {  	v0 =	vmul.f32 v0, v61;
	_ =	sdelay $0x1  }
0x37: {  	v0 =	vmul.f32 v1, v0;
	_ =	sdelay $0x1  }
0x38: {  	v0 =	vsub.f32 $0.0e+00, v0;
	_ =	sdelay $0x1  }
0x39: {  	[tilespmem:s17+$0x0] =	vst v0  }
0x3a: {  	v0 =	vld [tilespmem:s19+$0x30];
	_ =	sdelay $0x1  }
0x3b: {  	v62 =	vld [tilespmem:s19+$0x2830];
	_ =	sdelay $0x4  }
0x3c: {  	v63 =	vld [tilespmem:s19+$0x5030]  }
0x3d: {  	v0 =	vld.idx.msk [tilespmem:v0+s12+$0x0], $0xffff;
	_ =	sdelay $0x1  }
0x3e: {  	v1 =	vld.idx.msk [tilespmem:v62+s12+$0x0], $0xffff;
	_ =	sdelay $0x2  }
0x3f: {  	v0 =	vmul.f32 v0, v63  }
0x40: {  	p0 =	sne.s32 s18, $0x9E00  }
.Ltmp0:
0x41: {  	v0 =	vmul.f32 v1, v0;
	(pc) =	sbr.rel @p0 .LBB2_2-.Ltmp0, $3  }
0x42: {  	_ = 	snop  }
0x43: {  	v0 =	vsub.f32 $0.0e+00, v0;
	_ =	sdelay $0x1  }
0x44: {  	s18 =	sadd.s32 $0x200, s18;
	[tilespmem:s17+$0x10] =	vst v0;
	s17 =	sadd.s32 $0x40, s17  }
0x45: {  	s16 =	sadd.s32 $0x1, s16  }
0x46: {  	p0 =	sne.s32 s16, s8  }
.Ltmp1:
0x47: {  	_ = 	snop;
	(pc) =	sbr.rel @p0 .LBB2_1-.Ltmp1, $4  }
0x48: {  	[hbm4b:s7+s13] =	stream.strided.scatter [tilespmem:s15], [sflag:$0x1], $0x1400, s14, s13, $0x38;
	[tilespmem:$0xB380] =	vst v63  }
0x49: {  	_ =	swait.ge [sflag:s9], $0x1400  }
0x4a: {  	[sflag:s9] =	ssyncset.done $0x0  }
0x4b: {  	[sflag:s9] =	ssyncadd.s32 $0xFFFFEC00  }
0x4c: {  	_ =	sfence.sel $0x180000  }
0x4d: {  	[bflag:$0x0] =	sbarrier.arrive $0xFFFF  }
0x4e: {  	p0 =	sne.s32 s1, $0x0;
	_ =	strace $0x9000004D  }
0x4f: {  	s0 =	sadd.s32 @!p0 $0x100000, s0;
	[bflag:$0x2] =	sbarrier.arrive $0xFFFF  }
0x50: {  	[sflag:s0] =	ssyncadd.tile.s32 @!p0 $0x1;
	_ =	shalt  }
.Lfunc_end2:
_tile_overlayer_lowered:
.L_overlay_start_2:
0x51: {  	(tag) =	ssettag $0x2  }
0x52: {  	s0 =	rddreg [dreg:$0x0];
	s2 =	stileid.u32  }
0x53: {  	s1 =	rddreg [dreg:$0x1];
	p0 =	sne.s32 s2, $0x0  }
0x54: {  	s3 =	rddreg [dreg:$0x2];
	[bflag:$0x3] =	sbarrier.arrive $0xFFFF;
	s2 =	simm.s32 @!p0 $0x1C01  }
0x55: {  	[timem:s3], [sflag:s2] =	dma.local @!p0 [hbm:s0], s1  }
0x56: {  	s0 =	simm.s32 @!p0 $0x1  }
0x57: {  	_ =	swait.ge @!p0 [sflag:s0], s1  }
0x58: {  	s1 =	ssub.s32 @!p0 $0x0, s1;
	[sflag:s0] =	ssyncset.done @!p0 $0x0  }
0x59: {  	[sflag:s0] =	ssyncadd.s32 @!p0 s1  }
0x5a: {  	[bflag:$0x3] =	sbarrier.arrive $0xFFFF  }
0x5b: {  	_ =	shalt  }

// kernel: sparse-core-data-format-call.cloned.1.call-start
scs
called_computation_lowered:
.L_overlay_start_0:
0x0: {  	s2 =	sld [smem:$0x3FD9]  }
0x1: {  	s3 =	sld [smem:$0x3FFE];
	_ =	sdelay $0x1  }
0x2: {  	s1 =	srdreg.scid  }
0x3: {  	s0 =	sand.u32 $0x1, s1  }
0x4: {  	s18 =	sshll.u32 s0, $0xA;
	s2 =	sadd.s32 s3, s2  }
0x5: {  	s2 =	sadd.s32 s2, s18  }
0x6: {  	[smem:$0x3FB5] =	sst s2  }
0x7: {  	_ = 	snop  }
0x8: {  	(tm) =	ssettm $0x1  }
0x9: {  	s19 =	sld [smem:$0x3FFB];
	_ =	sdelay $0x3  }
0xa: {  	_ =	strace s19  }
0xb: {  	s2 =	sld [smem:$0x3FFC];
	_ =	sdelay $0x3  }
0xc: {  	_ =	strace s2  }
0xd: {  	s2 =	sld [smem:$0x3FFD];
	_ =	sdelay $0x3  }
0xe: {  	_ =	strace s2  }
0xf: {  	_ =	strace $0x8FFFFFFF  }
0x10: {  	s20 =	sld [smem:$0x3FDB];
	_ =	sdelay $0x1  }
0x11: {  	s21 =	simm.s32 $_scs_section_size  }
0x12: {  	s4 =	simm.s32 $_size__tile_overlayer_lowered;
	s5 =	simm.s32 $_tile_overlayer_lowered  }
0x13: {  	s6 =	simm.s32 $0x1BFF;
	s22 =	sshll.u32 s5, $0x1;
	s3 =	sadd.s32 s21, s20  }
0x14: {  	s23 =	simm.s32 $0x0;
	s4 =	sshll.u32 s4, $0x1;
	s5 =	sadd.s32 s22, s3  }
0x15: {  	[timem:s23], [sflag:s6] =	dma.local [hbm:s5], s4  }
0x16: {  	_ =	swait.ge [sflag:s6], s4  }
0x17: {  	s4 =	ssub.s32 $0x0, s4;
	[sflag:s6] =	ssyncset.done $0x0  }
0x18: {  	[sflag:s6] =	ssyncadd.s32 s4;
	_ =	sdelay $0x1  }
0x19: {  	s24 =	simm.s32 $0x1B8B  }
0x1a: {  	_ =	swait.ge [sflag:s24], $0x1  }
0x1b: {  	[sflag:s24] =	ssyncset.done $0x0  }
0x1c: {  	[sflag:s24] =	ssyncadd.s32 $0xFFFFFFFF  }
0x1d: {  	s4 =	sld [smem:$0x0]  }
0x1e: {  	s5 =	sand.u32 $0xFFFFFFFE, s1  }
0x1f: {  	p0 =	sne.s32 s1, s5  }
0x20: {  	s5 =	sshll.u32 @p0 s5, $0xE  }
0x21: {  	s5 =	sadd.s32 @p0 $0x11B8D, s5;
	s6 =	sshll.u32 @p0 s4, $0x11  }
0x22: {  	s5 =	sor.u32 @p0 s6, s5  }
0x23: {  	[sflag:s5] =	ssyncadd.remote.s32 @p0 $0x1;
	_ =	sdelay $0x1  }
0x24: {  	s5 =	simm.s32 @p0 $0x1B8D  }
0x25: {  	_ =	swait.eq @p0 [sflag:s5], $0x1  }
0x26: {  	[sflag:s5] =	ssyncadd.s32 @p0 $0xFFFFFFFF  }
0x27: {  	s6 =	sshll.u32 @!p0 s1, $0xE  }
0x28: {  	s6 =	sor.u32 @!p0 $0x4000, s6;
	s5 =	simm.s32 @!p0 $0x1B8D  }
0x29: {  	s4 =	sshll.u32 @!p0 s4, $0x11;
	s6 =	sadd.s32 @!p0 $0x11B8D, s6;
	_ =	swait.eq @!p0 [sflag:s5], $0x1  }
0x2a: {  	s4 =	sor.u32 @!p0 s4, s6;
	[sflag:s5] =	ssyncadd.s32 @!p0 $0xFFFFFFFF  }
0x2b: {  	s26 =	simm.s32 $0x1B8E;
	s25 =	sld [smem:$0x3FFE];
	[sflag:s4] =	ssyncadd.remote.s32 @!p0 $0x1  }
0x2c: {  	s27 =	simm.s32 $execute0_lowered;
	[smem:$0x3FD2] =	sst s26  }
0x2d: {  	s5 =	sshll.u32 s27, $0x1;
	_ =	strace $0x80000049;
	[dreg:$0x1] =	wrdreg $0xFFFFFFFF  }
0x2e: {  	s28 =	simm.s32 $_size_execute0_lowered;
	s3 =	sadd.s32 s3, s5;
	[dreg:$0x0] =	wrdreg $0x0  }
0x2f: {  	s5 =	sshll.u32 s28, $0x1;
	[dreg:$0x2] =	wrdreg s3  }
0x30: {  	[dreg:$0x3] =	wrdreg s5  }
0x31: {  	[dreg:$0x4] =	wrdreg $0xC0  }
0x32: {  	_ =	task [dreg:s23], $0x5FFFF  }
0x33: {  	[dreg:$0x1] =	wrdreg $0xFFFFFFFF  }
0x34: {  	[dreg:$0x0] =	wrdreg $0x60  }
0x35: {  	[dreg:$0x2] =	wrdreg s25  }
0x36: {  	[dreg:$0x3] =	wrdreg $0x9  }
0x37: {  	_ =	task.clear_ibuf [dreg:s23], $0x4FFFF;
	_ =	strace $0x90000049  }
0x38: {  	s29 =	simm.s32 $0x9;
	_ =	strace $0x8000004B  }
0x39: {  	_ =	swait.ge [sflag:s29], $0x1  }
0x3a: {  	[sflag:s29] =	ssyncadd.s32 $0xFFFFFFFF  }
0x3b: {  	_ =	strace $0x9000004B  }
0x3c: {  	_ =	sfence  }
0x3d: {  	s30 =	sld [smem:$0x0];
	_ =	sdelay $0x2  }
0x3e: {  	s31 =	sshll.u32 s1, $0xD;
	s1 =	sshrl.u32 s1, $0x2  }
0x3f: {  	s4 =	sand.u32 $0x4000, s31;
	s1 =	sadd.s32 s1, s30  }
0x40: {  	s0 =	sor.u32 s4, s0;
	s1 =	sshll.u32 s1, $0x11  }
0x41: {  	s0 =	sor.u32 s1, s0  }
0x42: {  	s0 =	sadd.s32 $0x8F2B, s0  }
0x43: {  	[sflag:s0] =	ssyncadd.remote.s32 $0x1  }
0x44: {  	_ =	sfence.sel $0xFFFF  }
0x45: {  	[dreg:$0x0] =	wrdreg $0xFFFFFFFF;
	(pc) =	sbr.abs _section_cstart, $3  }
0x46: {  	[dreg:$0x1] =	wrdreg $0xFFFFFFFF  }
0x47: {  	_ =	task.clear_ibuf [dreg:s23], $0x2FFFF;
	_ =	strace $0x9FFFFFFF  }
0x48: {  	(tm) =	ssettm $0x7FFFFFFF  }
0x49: {  	_ =	shalt  }
tec
execute0_lowered:
.L_overlay_start_1:
0x0: {  	(tag) =	ssettag $0x1  }
0x1: {  	s0 =	srdreg.scid  }
0x2: {  	s1 =	sshll.u32 s0, $0x4  }
0x3: {  	s0 =	stileid.u32;
	s1 =	sand.u32 $0x10, s1  }
0x4: {  	s6 =	rddreg [dreg:$0x0];
	s1 =	sor.u32 s0, s1  }
0x5: {  	s4 =	simm.s32 $0x1;
	s7 =	simm.s32 $0x2;
	s2 =	sshll.u32 s1, $0x4  }
0x6: {  	s14 =	simm.s32 $0x0;
	s8 =	simm.s32 $0x800;
	s3 =	ssub.s32 $0x2710, s2  }
0x7: {  	s9 =	simm.s32 $0x138800;
	s10 =	simm.s32 $0x0;
	s31 =	sand.u32 $0x1F0, s3  }
0x8: {  	s15 =	simm.s32 $0x0;
	s11 =	simm.s32 $0x0;
	p0 =	sne.s32 s31, $0x0  }
.Ltmp0:
0x9: {  	s3 =	sshrl.u32 s3, $0x9;
	s4 =	simm.s32 @!p0 $0x0;
	(pc) =	sbr.rel .LBB1_1-.Ltmp0, $4  }
0xa: {  	s13 =	simm.s32 $0x0;
	s1 =	rddreg [dreg:$0x1];
	s5 =	sadd.s32 s4, s3  }
0xb: {  	_ =	strace $0x8000004A;
	s4 =	simm.s32 $0x1;
	s5 =	smul.u32 $0x3, s5  }
0xc: {  	s12 =	smov.u32 s2;
	s3 =	sadd.s32 $0x5F0800, s6;
	[sflag:s4] =	ssyncpa.u1 $0x0  }
0xd: {  	s6 =	sadd.s32 $0x14800, s6;
	[sflag:s7] =	ssyncpa.u1 $0x0;
	s7 =	sadd.s32 $0x1, s5  }
.LBB1_7:
0xe: {  	s16 =	sadd.s32 $0x8, s11  }
0xf: {  	s14 =	sadd.s32 $0x200, s12;
	s18 =	smov.u32 s12;
	p1 =	sgt.s32 s16, $0x17  }
0x10: {  	s18 =	smov.u32 @p1 s14  }
0x11: {  	s16 =	simm.s32 @p1 $0x0;
	p1 =	sgt.s32 s18, $0x270F  }
0x12: {  	s18 =	smov.u32 @p1 s2;
	p1 =	sne.s32 s13, s7  }
.Ltmp1:
0x13: {  	p0 =	slt.u32 s13, $0x2;
	(pc) =	sbr.rel @!p1 .LBB1_8-.Ltmp1, $4  }
0x14: {  	s17 =	simm.s32 @!p0 $0x2  }
0x15: {  	s15 =	smov.u32 s12;
	s10 =	sadd.s32 $0x4000, s10;
	_ =	swait.ge @!p0 [sflag:s17], $0x4000  }
0x16: {  	s14 =	smov.u32 s11;
	[sflag:s17] =	ssyncset.done @!p0 $0x0;
	s11 =	smov.u32 s16  }
0x17: {  	s13 =	sadd.s32 $0x1, s13;
	[sflag:s17] =	ssyncadd.s32 @!p0 $0xFFFFC000;
	s12 =	smov.u32 s18  }
.LBB1_1:
0x18: {  	p0 =	sge.u32 s13, s5  }
0x19: {  	s16 =	sand.u32 @!p0 $0x1FFFFFF, s11  }
0x1a: {  	s17 =	smulhi.u32 @!p0 $0xAAAAAAB, s16;
	_ =	sdelay $0x1  }
0x1b: {  	s17 =	smul.u32 @!p0 $0x18, s17  }
0x1c: {  	s18 =	sxor.u32 @!p0 $0xFFFFFFFF, s13;
	s19 =	smul.u32 @!p0 $0x180, s12  }
0x1d: {  	s31 =	sadd.s32 $0xFFFFFFFF, s13;
	s18 =	sshll.u32 @!p0 s18, $0xE;
	s16 =	ssub.s32 @!p0 s16, s17  }
0x1e: {  	s17 =	sand.u32 @!p0 $0x4000, s18;
	s18 =	sadd.s32 @!p0 s3, s19;
	s16 =	sshll.u32 @!p0 s16, $0x4  }
0x1f: {  	s19 =	simm.s32 @!p0 $0xC00;
	s16 =	sadd.s32 @!p0 s16, s18;
	s18 =	simm.s32 @!p0 $0x400  }
0x20: {  	[tilespmem:s17], [sflag:$0x1] =	stream.strided.gather @!p0 [hbm4b:s16+s18], $0x4000, s19, s18, $0x38;
	[tilespmem:$0x10000] =	vst v63  }
0x21: {  	p0 =	sge.u32 s31, s5  }
.Ltmp2:
0x22: {  	_ = 	snop;
	(pc) =	sbr.rel @p0 .LBB1_7-.Ltmp2, $1  }
0x23: {  	_ =	sdelay $0x3  }
0x24: {  	s16 =	sand.u32 $0x4000, s10  }
0x25: {  	_ =	swait.ge [sflag:s4], $0x4000;
	s19 =	sshll.u32 s13, $0xE;
	s17 =	sor.u32 $0x8040, s16  }
0x26: {  	s18 =	sor.u32 $0x40, s16;
	[sflag:s4] =	ssyncset.done $0x0;
	s31 =	sand.u32 $0x4000, s19  }
0x27: {  	s19 =	simm.s32 $0x0;
	[sflag:s4] =	ssyncadd.s32 $0xFFFFC000;
	s16 =	sor.u32 $0x8000, s31  }
.LBB1_3:
0x28: {  	v0 =	vmov s18;
	_ =	sdelay $0x3  }
0x29: {  	s21 =	simm.s32 $0x0  }
0x2a: {  	v6 =	vld.idx.msk [tilespmem:v0+s21+$0x30 ss:$0x1], $0xffff  }
0x2b: {  	v7 =	vld.idx.msk [tilespmem:v0+s21+$0xFFFFFFC0 ss:$0x1], $0xffff  }
0x2c: {  	v5 =	vld.idx.msk [tilespmem:v0+s21+$0xFFFFFFD0 ss:$0x1], $0xffff  }
0x2d: {  	v4 =	vld.idx.msk [tilespmem:v0+s21+$0xFFFFFFE0 ss:$0x1], $0xffff  }
0x2e: {  	v3 =	vld.idx.msk [tilespmem:v0+s21+$0xFFFFFFF0 ss:$0x1], $0xffff  }
0x2f: {  	v1 =	vld.idx.msk [tilespmem:v0+s21+$0x0 ss:$0x1], $0xffff  }
0x30: {  	v2 =	vld.idx.msk [tilespmem:v0+s21+$0x10 ss:$0x1], $0xffff;
	[tilespmem:s17+$0x30] =	vst v6  }
0x31: {  	s20 =	simm.s32 $0x80;
	s22 =	simm.s32 $0x400;
	[tilespmem:s17+$0xFFFFFFC0] =	vst v7;
	v6 =	vld.idx.msk [tilespmem:v0+s21+$0x20 ss:$0x1], $0xffff;
	s21 =	smov.u32 s17  }
.LBB1_4:
0x32: {  	p0 =	sne.s32 s22, $0xE00;
	v7 =	vld.idx.msk [tilespmem:v0+s20+$0x30 ss:$0x1], $0xffff;
	[tilespmem:s21+$0xFFFFFFD0] =	vst v5  }
0x33: {  	v8 =	vld.idx.msk [tilespmem:v0+s20+$0xFFFFFFC0 ss:$0x1], $0xffff;
	[tilespmem:s21+$0xFFFFFFE0] =	vst v4  }
0x34: {  	v5 =	vld.idx.msk [tilespmem:v0+s20+$0xFFFFFFD0 ss:$0x1], $0xffff;
	[tilespmem:s21+$0xFFFFFFF0] =	vst v3  }
.Ltmp3:
0x35: {  	v4 =	vld.idx.msk [tilespmem:v0+s20+$0xFFFFFFE0 ss:$0x1], $0xffff;
	[tilespmem:s21+$0x0] =	vst v1;
	(pc) =	sbr.rel @p0 .LBB1_4-.Ltmp3, $4  }
0x36: {  	v3 =	vld.idx.msk [tilespmem:v0+s20+$0xFFFFFFF0 ss:$0x1], $0xffff;
	[tilespmem:s21+$0x10] =	vst v2  }
0x37: {  	v1 =	vld.idx.msk [tilespmem:v0+s20+$0x0 ss:$0x1], $0xffff;
	[tilespmem:s21+$0x20] =	vst v6;
	s21 =	sadd.s32 $0x800, s21  }
0x38: {  	v2 =	vld.idx.msk [tilespmem:v0+s20+$0x10 ss:$0x1], $0xffff;
	[tilespmem:s21+$0x30] =	vst v7  }
0x39: {  	[tilespmem:s21+$0xFFFFFFC0] =	vst v8;
	v6 =	vld.idx.msk [tilespmem:v0+s20+$0x20 ss:$0x1], $0xffff;
	s20 =	sshra.s32 s22, $0x2;
	s22 =	sadd.s32 $0x200, s22  }
0x3a: {  	_ =	sdelay $0x2  }
0x3b: {  	[tilespmem:s21+$0xFFFFFFD0] =	vst v5  }
0x3c: {  	v56 =	vld.idx.msk [tilespmem:v0+s20+$0x30 ss:$0x1], $0xffff;
	[tilespmem:s21+$0xFFFFFFE0] =	vst v4  }
0x3d: {  	v57 =	vld.idx.msk [tilespmem:v0+s20+$0xFFFFFFC0 ss:$0x1], $0xffff;
	[tilespmem:s21+$0xFFFFFFF0] =	vst v3  }
0x3e: {  	v58 =	vld.idx.msk [tilespmem:v0+s20+$0xFFFFFFD0 ss:$0x1], $0xffff;
	[tilespmem:s21+$0x0] =	vst v1  }
0x3f: {  	v59 =	vld.idx.msk [tilespmem:v0+s20+$0xFFFFFFE0 ss:$0x1], $0xffff;
	[tilespmem:s21+$0x10] =	vst v2  }
0x40: {  	v60 =	vld.idx.msk [tilespmem:v0+s20+$0xFFFFFFF0 ss:$0x1], $0xffff;
	s31 =	sadd.s32 $0x800, s21;
	[tilespmem:s21+$0x20] =	vst v6  }
0x41: {  	v61 =	vld.idx.msk [tilespmem:v0+s20+$0x0 ss:$0x1], $0xffff;
	[tilespmem:s31+$0x30] =	vst v56  }
0x42: {  	v62 =	vld.idx.msk [tilespmem:v0+s20+$0x10 ss:$0x1], $0xffff;
	s19 =	sadd.s32 $0x1, s19;
	[tilespmem:s31+$0xFFFFFFC0] =	vst v57  }
0x43: {  	v63 =	vld.idx.msk [tilespmem:v0+s20+$0x20 ss:$0x1], $0xffff;
	p0 =	sne.s32 s19, $0x10;
	[tilespmem:s31+$0xFFFFFFD0] =	vst v58  }
.Ltmp4:
0x44: {  	[tilespmem:s31+$0xFFFFFFE0] =	vst v59;
	(pc) =	sbr.rel @p0 .LBB1_3-.Ltmp4, $4  }
0x45: {  	[tilespmem:s31+$0xFFFFFFF0] =	vst v60  }
0x46: {  	[tilespmem:s31+$0x0] =	vst v61  }
0x47: {  	[tilespmem:s31+$0x10] =	vst v62  }
0x48: {  	s17 =	sadd.s32 $0x80, s17;
	s18 =	sadd.s32 $0x400, s18;
	[tilespmem:s31+$0x20] =	vst v63  }
0x49: {  	s15 =	sand.u32 $0x1FFFFFF, s15  }
0x4a: {  	s17 =	smulhi.u32 $0x1A36E2F, s15;
	_ =	sdelay $0x1  }
0x4b: {  	s14 =	smul.u32 $0x27100, s14;
	s17 =	sshrl.u32 s17, $0x6  }
0x4c: {  	s17 =	smul.u32 $0x2710, s17  }
.Ltmp5:
0x4d: {  	_ = 	snop;
	(pc) =	sbr.rel .LBB1_7-.Ltmp5, $4  }
0x4e: {  	s15 =	ssub.s32 s15, s17  }
0x4f: {  	s14 =	sadd.s32 s6, s14;
	s15 =	sshll.u32 s15, $0x4  }
0x50: {  	s14 =	sadd.s32 s15, s14  }
0x51: {  	[hbm4b:s14+s8] =	stream.strided.scatter [tilespmem:s16], [sflag:$0x2], $0x4000, s9, s8, $0x38;
	[tilespmem:$0x10000] =	vst v63  }
.LBB1_8:
0x52: {  	_ =	sfence.sel $0x180000  }
0x53: {  	s2 =	simm.s32 $0x1;
	[bflag:$0x0] =	sbarrier.arrive $0xFFFF  }
0x54: {  	s31 =	simm.s32 $0x2;
	[sflag:s2] =	ssyncpa.u1 $0x1  }
0x55: {  	[sflag:s31] =	ssyncpa.u1 $0x1  }
0x56: {  	p0 =	sne.s32 s0, $0x0;
	_ =	strace $0x9000004A  }
0x57: {  	s0 =	sadd.s32 @!p0 $0x100000, s1;
	[bflag:$0x2] =	sbarrier.arrive $0xFFFF  }
0x58: {  	[sflag:s0] =	ssyncadd.tile.s32 @!p0 $0x1;
	_ =	shalt  }
.Lfunc_end1:
_tile_overlayer_lowered:
.L_overlay_start_2:
0x59: {  	(tag) =	ssettag $0x2  }
0x5a: {  	s0 =	rddreg [dreg:$0x0];
	s2 =	stileid.u32  }
0x5b: {  	s1 =	rddreg [dreg:$0x1];
	p0 =	sne.s32 s2, $0x0  }
0x5c: {  	s3 =	rddreg [dreg:$0x2];
	[bflag:$0x3] =	sbarrier.arrive $0xFFFF;
	s2 =	simm.s32 @!p0 $0x1C01  }
0x5d: {  	[timem:s3], [sflag:s2] =	dma.local @!p0 [hbm:s0], s1  }
0x5e: {  	s0 =	simm.s32 @!p0 $0x1  }
0x5f: {  	_ =	swait.ge @!p0 [sflag:s0], s1  }
0x60: {  	s1 =	ssub.s32 @!p0 $0x0, s1;
	[sflag:s0] =	ssyncset.done @!p0 $0x0  }
0x61: {  	[sflag:s0] =	ssyncadd.s32 @!p0 s1  }
0x62: {  	[bflag:$0x3] =	sbarrier.arrive $0xFFFF  }
0x63: {  	_ =	shalt  }

</sc_bundles>
